<compile_context>
chip_gen: v7x
topology: tpu7x:2x2x1
jax: 0.10.2.dev20260603
libtpu: 0.0.44.dev20260713+nightly
codegen_flags: <defaults>
</compile_context>

<pallas_src>
import functools
import jax
import jax.numpy as jnp
from jax import lax
from jax.experimental import pallas as pl
from jax.experimental.pallas import tpu as pltpu
from jax.experimental.pallas import tpu_sc as plsc

DIM = 64
BATCH = 16384
SEQ = 50
SKEW = 65
NW = 32
BB = 128
GPC = 4
CB = BB * GPC
NCHUNK = SEQ * (BATCH // CB)
PER_W = NCHUNK // NW
TCB = BATCH // BB
TQ = BATCH // CB


@functools.cache
def _build():
    mesh = plsc.VectorSubcoreMesh(core_axis_name="c", subcore_axis_name="s")
    return pl.kernel(
        _emb_lookup,
        mesh=mesh,
        out_type=jax.ShapeDtypeStruct((SEQ * 8 * TCB, 8, BB), jnp.float32),
        scratch_types=[
            pltpu.VMEM((1, CB), jnp.int32),
            pltpu.VMEM((GPC, BB), jnp.int32),
            pltpu.VMEM((CB, DIM), jnp.float32),
            pltpu.VMEM((CB * SKEW,), jnp.float32),
            pltpu.VMEM((4 * 8, 8, BB), jnp.float32),
            pltpu.SemaphoreType.DMA,
            pltpu.SemaphoreType.DMA,
        ],
        compiler_params=pltpu.CompilerParams(
            use_tc_tiling_on_sc=False, needs_layout_passes=False
        ),
    )


def _emb_lookup(xt_hbm, t2_hbm, out_hbm, idx_v, dbl_v, rows, skew, ostage, sem, sem2):
    cid = lax.axis_index("c")
    sid = lax.axis_index("s")
    wid = sid * 2 + cid
    c0 = wid * PER_W
    iota = lax.iota(jnp.int32, 16)
    iota65 = iota * SKEW

    def stage(c):
        s = c // TQ
        tq = c % TQ
        pltpu.sync_copy(xt_hbm.at[pl.ds(s, 1), pl.ds(tq * CB, CB)], idx_v)
        for j in range(GPC):
            for k in range(BB // 16):
                dbl_v[j, pl.ds(16 * k, 16)] = (
                    idx_v[0, pl.ds(j * BB + 16 * k, 16)] * 2
                )
        for j in range(GPC):
            pltpu.async_copy(
                t2_hbm.at[dbl_v.at[j]], rows.at[pl.ds(j * BB, BB)], sem
            )

    stage(c0)

    def chunk_body(g, carry):
        c = c0 + g
        s = c // TQ
        tq = c % TQ

        for j in range(GPC):
            pltpu.make_async_copy(
                t2_hbm.at[dbl_v.at[j]], rows.at[pl.ds(j * BB, BB)], sem
            ).wait()

        @plsc.parallel_loop(0, CB, unroll=16)
        def _pass1(bb):
            base = bb * SKEW
            for j in range(DIM // 16):
                val = rows[bb, pl.ds(16 * j, 16)] * 8.0
                plsc.store_scatter(skew, [base + 16 * j + iota], val)

        @pl.when(g < PER_W - 1)
        def _prefetch():
            stage(c + 1)

        @pl.when(g > 0)
        def _drain_out():
            for tr in range(8):
                pltpu.make_async_copy(
                    ostage.at[pl.ds(tr * GPC, GPC)],
                    out_hbm.at[pl.ds(s * (8 * TCB) + tr * TCB + tq * GPC, GPC)],
                    sem2,
                ).wait()

        @plsc.parallel_loop(0, 8 * GPC * 8, unroll=8)
        def _pass2(o):
            row = o // 8
            qq = o % 8
            tr = row // GPC
            j4 = row % GPC
            base = (j4 * BB + 16 * qq) * SKEW + 8 * tr
            for dd in range(8):
                val = plsc.load_gather(skew, [iota65 + (base + dd)])
                ostage[row, dd, pl.ds(16 * qq, 16)] = val

        for tr in range(8):
            pltpu.async_copy(
                ostage.at[pl.ds(tr * GPC, GPC)],
                out_hbm.at[pl.ds(s * (8 * TCB) + tr * TCB + tq * GPC, GPC)],
                sem2,
            )
        return carry

    lax.fori_loop(0, PER_W, chunk_body, 0)

    cl = c0 + PER_W - 1
    sl = cl // TQ
    tql = cl % TQ
    for tr in range(8):
        pltpu.make_async_copy(
            ostage.at[pl.ds(tr * GPC, GPC)],
            out_hbm.at[pl.ds(sl * (8 * TCB) + tr * TCB + tql * GPC, GPC)],
            sem2,
        ).wait()


def kernel(x, table):
    xt = x.T.astype(jnp.int32)
    twide = jnp.pad(table, ((0, 0), (0, DIM)))
    t2 = twide.reshape(2 * 1000000, DIM)
    out3 = _build()(xt, t2)
    out5 = out3.reshape(SEQ, 8, TCB, 8, BB)
    return out5.transpose(2, 4, 0, 1, 3).reshape(BATCH, SEQ, DIM)

# --- scband reference (transcript-rebuilt; emitter-appended) ---
"""Pipeline reference for scband-embedding-layer-75720273428659 (READ-ONLY COPY).

The authoritative reference and input builder live on the scoring server;
editing this copy changes nothing except your own understanding.
"""

import jax, jax.numpy as jnp
import numpy as np
import math

VOCAB = 1000000
DIM = 64

def setup_inputs(seed: int = 0) -> dict:
    key = jax.random.key(seed)
    k1, k2 = jax.random.split(key)
    x = jax.random.randint(k1, (16384, 50), 0, VOCAB, dtype=jnp.int64 if jax.config.jax_enable_x64 else jnp.int32)
    table = jax.random.normal(k2, (VOCAB, DIM), dtype=jnp.float32)
    return {"x": x, "table": table}

def reference(x, table):
    # EmbeddingLayer.forward: embedding(x) * sqrt(dim)
    out = jnp.take(table, x, axis=0) * math.sqrt(DIM)
    return out

if __name__ == "__main__":
    import jax
    _d = setup_inputs()
    print(jax.jit(kernel)(*tuple(_d.values())))

</pallas_src>

<mosaic_0001>
#map = affine_map<(d0, d1) -> (0, 0)>
#map1 = affine_map<(d0, d1) -> (0, 0, 0)>
module attributes {stable_mosaic.version = 14 : i64} {
  func.func @_emb_lookup(%arg0: i32, %arg1: i32, %arg2: memref<50x16384xi32, #tpu.memory_space<hbm>>, %arg3: memref<2000000x64xf32, #tpu.memory_space<hbm>>, %arg4: memref<51200x8x128xf32, #tpu.memory_space<hbm>>, %arg5: memref<1x512xi32, #tpu.memory_space<vmem>>, %arg6: memref<4x128xi32, #tpu.memory_space<vmem>>, %arg7: memref<512x64xf32, #tpu.memory_space<vmem>>, %arg8: memref<33280xf32, #tpu.memory_space<vmem>>, %arg9: memref<32x8x128xf32, #tpu.memory_space<vmem>>, %arg10: memref<!tpu.dma_semaphore, #tpu.memory_space<semaphore_mem>>, %arg11: memref<!tpu.dma_semaphore, #tpu.memory_space<semaphore_mem>>) attributes {dimension_semantics = [#tpu.dimension_semantics<core_parallel>, #tpu.dimension_semantics<subcore_parallel>], iteration_bounds = array<i64: 2, 16>, scalar_prefetch = 0 : i64, scratch_operands = 7 : i64, tpu.core_type = #tpu.core_type<sc_vector_subcore>, window_params = [{transform_indices = #map}, {transform_indices = #map}, {transform_indices = #map1}]} {
    %mul3A = arith.constant 2 : i32
    %mul3A_0 = arith.muli %arg1, %mul3A : i32
    %add3A = arith.addi %mul3A_0, %arg0 : i32
    %mul3A_1 = arith.constant 50 : i32
    %mul3A_2 = arith.muli %add3A, %mul3A_1 : i32
    %iota3A = tpu.iota {dimensions = array<i32: 0>} : vector<16xi32>
    %mul3A_3 = arith.constant 65 : i32
    %mul3A_4 = vector.broadcast %mul3A_3 : i32 to vector<16xi32>
    %mul3A_5 = arith.muli %iota3A, %mul3A_4 : vector<16xi32>
    %jit3A = arith.constant 32 : i32
    %div3A = arith.divsi %mul3A_2, %jit3A : i32
    %sign3A = arith.constant 0 : i32
    %sign3A_6 = arith.cmpi sgt, %mul3A_2, %sign3A : i32
    %sign3A_7 = arith.extui %sign3A_6 : i1 to i32
    %sign3A_8 = arith.constant 0 : i32
    %sign3A_9 = arith.cmpi slt, %mul3A_2, %sign3A_8 : i32
    %sign3A_10 = arith.extui %sign3A_9 : i1 to i32
    %sign3A_11 = arith.subi %sign3A_7, %sign3A_10 : i32
    %sign3A_12 = arith.constant 0 : i32
    %sign3A_13 = arith.cmpi sgt, %jit3A, %sign3A_12 : i32
    %sign3A_14 = arith.extui %sign3A_13 : i1 to i32
    %sign3A_15 = arith.constant 0 : i32
    %sign3A_16 = arith.cmpi slt, %jit3A, %sign3A_15 : i32
    %sign3A_17 = arith.extui %sign3A_16 : i1 to i32
    %sign3A_18 = arith.subi %sign3A_14, %sign3A_17 : i32
    %ne3A = arith.cmpi ne, %sign3A_11, %sign3A_18 : i32
    %rem3A = arith.remsi %mul3A_2, %jit3A : i32
    %ne3A_19 = arith.constant 0 : i32
    %ne3A_20 = arith.cmpi ne, %rem3A, %ne3A_19 : i32
    %and3A = arith.andi %ne3A, %ne3A_20 : i1
    %sub3A = arith.constant 1 : i32
    %sub3A_21 = arith.subi %div3A, %sub3A : i32
    %select_n3A = arith.select %and3A, %sub3A_21, %div3A : i32
    %jit3A_22 = arith.constant 32 : i32
    %eq3A = arith.constant 0 : i32
    %eq3A_23 = arith.cmpi eq, %jit3A_22, %eq3A : i32
    %jit3A_24 = arith.constant 1 : i32
    %select_n3A_25 = arith.select %eq3A_23, %jit3A_24, %jit3A_22 : i32
    %rem3A_26 = arith.remsi %mul3A_2, %select_n3A_25 : i32
    %ne3A_27 = arith.constant 0 : i32
    %ne3A_28 = arith.cmpi ne, %rem3A_26, %ne3A_27 : i32
    %lt3A = arith.constant 0 : i32
    %lt3A_29 = arith.cmpi slt, %rem3A_26, %lt3A : i32
    %lt3A_30 = arith.constant 0 : i32
    %lt3A_31 = arith.cmpi slt, %select_n3A_25, %lt3A_30 : i32
    %ne3A_32 = arith.xori %lt3A_29, %lt3A_31 : i1
    %and3A_33 = arith.andi %ne3A_32, %ne3A_28 : i1
    %add3A_34 = arith.addi %rem3A_26, %select_n3A_25 : i32
    %select_n3A_35 = arith.select %and3A_33, %add3A_34, %rem3A_26 : i32
    %mul3A_36 = arith.constant 512 : i32
    %mul3A_37 = arith.muli %select_n3A_35, %mul3A_36 : i32
    "tpu.region"() ({
      %run_scoped3A = tpu.sem_alloc : memref<!tpu.dma_semaphore, #tpu.memory_space<semaphore_mem>>
      %dma_start3A_643 = tpu.memref_slice %arg2[%select_n3A, %mul3A_37] : memref<50x16384xi32, #tpu.memory_space<hbm>> -> memref<1x512xi32, #tpu.memory_space<hbm>>
      %dma_start3A_644 = tpu.memref_slice %arg2[%select_n3A, %mul3A_37] : memref<50x16384xi32, #tpu.memory_space<hbm>> -> memref<1x512xi32, #tpu.memory_space<hbm>>
      tpu.enqueue_dma source(%dma_start3A_644 : memref<1x512xi32, #tpu.memory_space<hbm>>) target(%arg5 : memref<1x512xi32, #tpu.memory_space<vmem>>) target_semaphore(%run_scoped3A : memref<!tpu.dma_semaphore, #tpu.memory_space<semaphore_mem>>)
      %dma_wait3A_645 = tpu.memref_slice %arg2[%select_n3A, %mul3A_37] : memref<50x16384xi32, #tpu.memory_space<hbm>> -> memref<1x512xi32, #tpu.memory_space<hbm>>
      %dma_wait3A_646 = tpu.memref_slice %arg2[%select_n3A, %mul3A_37] : memref<50x16384xi32, #tpu.memory_space<hbm>> -> memref<1x512xi32, #tpu.memory_space<hbm>>
      tpu.wait_dma2 semaphore(%run_scoped3A : memref<!tpu.dma_semaphore, #tpu.memory_space<semaphore_mem>>) src(%dma_wait3A_646 : memref<1x512xi32, #tpu.memory_space<hbm>>) dst(%arg5 : memref<1x512xi32, #tpu.memory_space<vmem>>)
      tpu.yield
    }) : () -> ()
    %get3A = arith.constant 0 : i32
    %get3A_38 = arith.index_cast %get3A : i32 to index
    %get3A_39 = arith.constant 0 : index
    %get3A_40 = tpu.vector_load %arg5[%get3A_38, %get3A_39] {strides = array<i32>} : memref<1x512xi32, #tpu.memory_space<vmem>>, vector<16xi32>,
    %mul3A_41 = arith.constant 2 : i32
    %mul3A_42 = vector.broadcast %mul3A_41 : i32 to vector<16xi32>
    %mul3A_43 = arith.muli %get3A_40, %mul3A_42 : vector<16xi32>
    %swap3A = arith.constant 0 : i32
    %swap3A_44 = arith.index_cast %swap3A : i32 to index
    %swap3A_45 = arith.constant 0 : index
    %swap3A_46 = tpu.vector_load %arg6[%swap3A_44, %swap3A_45] {strides = array<i32>} : memref<4x128xi32, #tpu.memory_space<vmem>>, vector<16xi32>,
    tpu.vector_store %arg6[%swap3A_44, %swap3A_45], %mul3A_43 {strides = array<i32>} : memref<4x128xi32, #tpu.memory_space<vmem>>, vector<16xi32>,
    %get3A_47 = arith.constant 0 : i32
    %get3A_48 = arith.index_cast %get3A_47 : i32 to index
    %get3A_49 = arith.constant 16 : index
    %get3A_50 = tpu.vector_load %arg5[%get3A_48, %get3A_49] {strides = array<i32>} : memref<1x512xi32, #tpu.memory_space<vmem>>, vector<16xi32>,
    %mul3A_51 = arith.constant 2 : i32
    %mul3A_52 = vector.broadcast %mul3A_51 : i32 to vector<16xi32>
    %mul3A_53 = arith.muli %get3A_50, %mul3A_52 : vector<16xi32>
    %swap3A_54 = arith.constant 0 : i32
    %swap3A_55 = arith.index_cast %swap3A_54 : i32 to index
    %swap3A_56 = arith.constant 16 : index
    %swap3A_57 = tpu.vector_load %arg6[%swap3A_55, %swap3A_56] {strides = array<i32>} : memref<4x128xi32, #tpu.memory_space<vmem>>, vector<16xi32>,
    tpu.vector_store %arg6[%swap3A_55, %swap3A_56], %mul3A_53 {strides = array<i32>} : memref<4x128xi32, #tpu.memory_space<vmem>>, vector<16xi32>,
    %get3A_58 = arith.constant 0 : i32
    %get3A_59 = arith.index_cast %get3A_58 : i32 to index
    %get3A_60 = arith.constant 32 : index
    %get3A_61 = tpu.vector_load %arg5[%get3A_59, %get3A_60] {strides = array<i32>} : memref<1x512xi32, #tpu.memory_space<vmem>>, vector<16xi32>,
    %mul3A_62 = arith.constant 2 : i32
    %mul3A_63 = vector.broadcast %mul3A_62 : i32 to vector<16xi32>
    %mul3A_64 = arith.muli %get3A_61, %mul3A_63 : vector<16xi32>
    %swap3A_65 = arith.constant 0 : i32
    %swap3A_66 = arith.index_cast %swap3A_65 : i32 to index
    %swap3A_67 = arith.constant 32 : index
    %swap3A_68 = tpu.vector_load %arg6[%swap3A_66, %swap3A_67] {strides = array<i32>} : memref<4x128xi32, #tpu.memory_space<vmem>>, vector<16xi32>,
    tpu.vector_store %arg6[%swap3A_66, %swap3A_67], %mul3A_64 {strides = array<i32>} : memref<4x128xi32, #tpu.memory_space<vmem>>, vector<16xi32>,
    %get3A_69 = arith.constant 0 : i32
    %get3A_70 = arith.index_cast %get3A_69 : i32 to index
    %get3A_71 = arith.constant 48 : index
    %get3A_72 = tpu.vector_load %arg5[%get3A_70, %get3A_71] {strides = array<i32>} : memref<1x512xi32, #tpu.memory_space<vmem>>, vector<16xi32>,
    %mul3A_73 = arith.constant 2 : i32
    %mul3A_74 = vector.broadcast %mul3A_73 : i32 to vector<16xi32>
    %mul3A_75 = arith.muli %get3A_72, %mul3A_74 : vector<16xi32>
    %swap3A_76 = arith.constant 0 : i32
    %swap3A_77 = arith.index_cast %swap3A_76 : i32 to index
    %swap3A_78 = arith.constant 48 : index
    %swap3A_79 = tpu.vector_load %arg6[%swap3A_77, %swap3A_78] {strides = array<i32>} : memref<4x128xi32, #tpu.memory_space<vmem>>, vector<16xi32>,
    tpu.vector_store %arg6[%swap3A_77, %swap3A_78], %mul3A_75 {strides = array<i32>} : memref<4x128xi32, #tpu.memory_space<vmem>>, vector<16xi32>,
    %get3A_80 = arith.constant 0 : i32
    %get3A_81 = arith.index_cast %get3A_80 : i32 to index
    %get3A_82 = arith.constant 64 : index
    %get3A_83 = tpu.vector_load %arg5[%get3A_81, %get3A_82] {strides = array<i32>} : memref<1x512xi32, #tpu.memory_space<vmem>>, vector<16xi32>,
    %mul3A_84 = arith.constant 2 : i32
    %mul3A_85 = vector.broadcast %mul3A_84 : i32 to vector<16xi32>
    %mul3A_86 = arith.muli %get3A_83, %mul3A_85 : vector<16xi32>
    %swap3A_87 = arith.constant 0 : i32
    %swap3A_88 = arith.index_cast %swap3A_87 : i32 to index
    %swap3A_89 = arith.constant 64 : index
    %swap3A_90 = tpu.vector_load %arg6[%swap3A_88, %swap3A_89] {strides = array<i32>} : memref<4x128xi32, #tpu.memory_space<vmem>>, vector<16xi32>,
    tpu.vector_store %arg6[%swap3A_88, %swap3A_89], %mul3A_86 {strides = array<i32>} : memref<4x128xi32, #tpu.memory_space<vmem>>, vector<16xi32>,
    %get3A_91 = arith.constant 0 : i32
    %get3A_92 = arith.index_cast %get3A_91 : i32 to index
    %get3A_93 = arith.constant 80 : index
    %get3A_94 = tpu.vector_load %arg5[%get3A_92, %get3A_93] {strides = array<i32>} : memref<1x512xi32, #tpu.memory_space<vmem>>, vector<16xi32>,
    %mul3A_95 = arith.constant 2 : i32
    %mul3A_96 = vector.broadcast %mul3A_95 : i32 to vector<16xi32>
    %mul3A_97 = arith.muli %get3A_94, %mul3A_96 : vector<16xi32>
    %swap3A_98 = arith.constant 0 : i32
    %swap3A_99 = arith.index_cast %swap3A_98 : i32 to index
    %swap3A_100 = arith.constant 80 : index
    %swap3A_101 = tpu.vector_load %arg6[%swap3A_99, %swap3A_100] {strides = array<i32>} : memref<4x128xi32, #tpu.memory_space<vmem>>, vector<16xi32>,
    tpu.vector_store %arg6[%swap3A_99, %swap3A_100], %mul3A_97 {strides = array<i32>} : memref<4x128xi32, #tpu.memory_space<vmem>>, vector<16xi32>,
    %get3A_102 = arith.constant 0 : i32
    %get3A_103 = arith.index_cast %get3A_102 : i32 to index
    %get3A_104 = arith.constant 96 : index
    %get3A_105 = tpu.vector_load %arg5[%get3A_103, %get3A_104] {strides = array<i32>} : memref<1x512xi32, #tpu.memory_space<vmem>>, vector<16xi32>,
    %mul3A_106 = arith.constant 2 : i32
    %mul3A_107 = vector.broadcast %mul3A_106 : i32 to vector<16xi32>
    %mul3A_108 = arith.muli %get3A_105, %mul3A_107 : vector<16xi32>
    %swap3A_109 = arith.constant 0 : i32
    %swap3A_110 = arith.index_cast %swap3A_109 : i32 to index
    %swap3A_111 = arith.constant 96 : index
    %swap3A_112 = tpu.vector_load %arg6[%swap3A_110, %swap3A_111] {strides = array<i32>} : memref<4x128xi32, #tpu.memory_space<vmem>>, vector<16xi32>,
    tpu.vector_store %arg6[%swap3A_110, %swap3A_111], %mul3A_108 {strides = array<i32>} : memref<4x128xi32, #tpu.memory_space<vmem>>, vector<16xi32>,
    %get3A_113 = arith.constant 0 : i32
    %get3A_114 = arith.index_cast %get3A_113 : i32 to index
    %get3A_115 = arith.constant 112 : index
    %get3A_116 = tpu.vector_load %arg5[%get3A_114, %get3A_115] {strides = array<i32>} : memref<1x512xi32, #tpu.memory_space<vmem>>, vector<16xi32>,
    %mul3A_117 = arith.constant 2 : i32
    %mul3A_118 = vector.broadcast %mul3A_117 : i32 to vector<16xi32>
    %mul3A_119 = arith.muli %get3A_116, %mul3A_118 : vector<16xi32>
    %swap3A_120 = arith.constant 0 : i32
    %swap3A_121 = arith.index_cast %swap3A_120 : i32 to index
    %swap3A_122 = arith.constant 112 : index
    %swap3A_123 = tpu.vector_load %arg6[%swap3A_121, %swap3A_122] {strides = array<i32>} : memref<4x128xi32, #tpu.memory_space<vmem>>, vector<16xi32>,
    tpu.vector_store %arg6[%swap3A_121, %swap3A_122], %mul3A_119 {strides = array<i32>} : memref<4x128xi32, #tpu.memory_space<vmem>>, vector<16xi32>,
    %get3A_124 = arith.constant 0 : i32
    %get3A_125 = arith.index_cast %get3A_124 : i32 to index
    %get3A_126 = arith.constant 128 : index
    %get3A_127 = tpu.vector_load %arg5[%get3A_125, %get3A_126] {strides = array<i32>} : memref<1x512xi32, #tpu.memory_space<vmem>>, vector<16xi32>,
    %mul3A_128 = arith.constant 2 : i32
    %mul3A_129 = vector.broadcast %mul3A_128 : i32 to vector<16xi32>
    %mul3A_130 = arith.muli %get3A_127, %mul3A_129 : vector<16xi32>
    %swap3A_131 = arith.constant 1 : i32
    %swap3A_132 = arith.index_cast %swap3A_131 : i32 to index
    %swap3A_133 = arith.constant 0 : index
    %swap3A_134 = tpu.vector_load %arg6[%swap3A_132, %swap3A_133] {strides = array<i32>} : memref<4x128xi32, #tpu.memory_space<vmem>>, vector<16xi32>,
    tpu.vector_store %arg6[%swap3A_132, %swap3A_133], %mul3A_130 {strides = array<i32>} : memref<4x128xi32, #tpu.memory_space<vmem>>, vector<16xi32>,
    %get3A_135 = arith.constant 0 : i32
    %get3A_136 = arith.index_cast %get3A_135 : i32 to index
    %get3A_137 = arith.constant 144 : index
    %get3A_138 = tpu.vector_load %arg5[%get3A_136, %get3A_137] {strides = array<i32>} : memref<1x512xi32, #tpu.memory_space<vmem>>, vector<16xi32>,
    %mul3A_139 = arith.constant 2 : i32
    %mul3A_140 = vector.broadcast %mul3A_139 : i32 to vector<16xi32>
    %mul3A_141 = arith.muli %get3A_138, %mul3A_140 : vector<16xi32>
    %swap3A_142 = arith.constant 1 : i32
    %swap3A_143 = arith.index_cast %swap3A_142 : i32 to index
    %swap3A_144 = arith.constant 16 : index
    %swap3A_145 = tpu.vector_load %arg6[%swap3A_143, %swap3A_144] {strides = array<i32>} : memref<4x128xi32, #tpu.memory_space<vmem>>, vector<16xi32>,
    tpu.vector_store %arg6[%swap3A_143, %swap3A_144], %mul3A_141 {strides = array<i32>} : memref<4x128xi32, #tpu.memory_space<vmem>>, vector<16xi32>,
    %get3A_146 = arith.constant 0 : i32
    %get3A_147 = arith.index_cast %get3A_146 : i32 to index
    %get3A_148 = arith.constant 160 : index
    %get3A_149 = tpu.vector_load %arg5[%get3A_147, %get3A_148] {strides = array<i32>} : memref<1x512xi32, #tpu.memory_space<vmem>>, vector<16xi32>,
    %mul3A_150 = arith.constant 2 : i32
    %mul3A_151 = vector.broadcast %mul3A_150 : i32 to vector<16xi32>
    %mul3A_152 = arith.muli %get3A_149, %mul3A_151 : vector<16xi32>
    %swap3A_153 = arith.constant 1 : i32
    %swap3A_154 = arith.index_cast %swap3A_153 : i32 to index
    %swap3A_155 = arith.constant 32 : index
    %swap3A_156 = tpu.vector_load %arg6[%swap3A_154, %swap3A_155] {strides = array<i32>} : memref<4x128xi32, #tpu.memory_space<vmem>>, vector<16xi32>,
    tpu.vector_store %arg6[%swap3A_154, %swap3A_155], %mul3A_152 {strides = array<i32>} : memref<4x128xi32, #tpu.memory_space<vmem>>, vector<16xi32>,
    %get3A_157 = arith.constant 0 : i32
    %get3A_158 = arith.index_cast %get3A_157 : i32 to index
    %get3A_159 = arith.constant 176 : index
    %get3A_160 = tpu.vector_load %arg5[%get3A_158, %get3A_159] {strides = array<i32>} : memref<1x512xi32, #tpu.memory_space<vmem>>, vector<16xi32>,
    %mul3A_161 = arith.constant 2 : i32
    %mul3A_162 = vector.broadcast %mul3A_161 : i32 to vector<16xi32>
    %mul3A_163 = arith.muli %get3A_160, %mul3A_162 : vector<16xi32>
    %swap3A_164 = arith.constant 1 : i32
    %swap3A_165 = arith.index_cast %swap3A_164 : i32 to index
    %swap3A_166 = arith.constant 48 : index
    %swap3A_167 = tpu.vector_load %arg6[%swap3A_165, %swap3A_166] {strides = array<i32>} : memref<4x128xi32, #tpu.memory_space<vmem>>, vector<16xi32>,
    tpu.vector_store %arg6[%swap3A_165, %swap3A_166], %mul3A_163 {strides = array<i32>} : memref<4x128xi32, #tpu.memory_space<vmem>>, vector<16xi32>,
    %get3A_168 = arith.constant 0 : i32
    %get3A_169 = arith.index_cast %get3A_168 : i32 to index
    %get3A_170 = arith.constant 192 : index
    %get3A_171 = tpu.vector_load %arg5[%get3A_169, %get3A_170] {strides = array<i32>} : memref<1x512xi32, #tpu.memory_space<vmem>>, vector<16xi32>,
    %mul3A_172 = arith.constant 2 : i32
    %mul3A_173 = vector.broadcast %mul3A_172 : i32 to vector<16xi32>
    %mul3A_174 = arith.muli %get3A_171, %mul3A_173 : vector<16xi32>
    %swap3A_175 = arith.constant 1 : i32
    %swap3A_176 = arith.index_cast %swap3A_175 : i32 to index
    %swap3A_177 = arith.constant 64 : index
    %swap3A_178 = tpu.vector_load %arg6[%swap3A_176, %swap3A_177] {strides = array<i32>} : memref<4x128xi32, #tpu.memory_space<vmem>>, vector<16xi32>,
    tpu.vector_store %arg6[%swap3A_176, %swap3A_177], %mul3A_174 {strides = array<i32>} : memref<4x128xi32, #tpu.memory_space<vmem>>, vector<16xi32>,
    %get3A_179 = arith.constant 0 : i32
    %get3A_180 = arith.index_cast %get3A_179 : i32 to index
    %get3A_181 = arith.constant 208 : index
    %get3A_182 = tpu.vector_load %arg5[%get3A_180, %get3A_181] {strides = array<i32>} : memref<1x512xi32, #tpu.memory_space<vmem>>, vector<16xi32>,
    %mul3A_183 = arith.constant 2 : i32
    %mul3A_184 = vector.broadcast %mul3A_183 : i32 to vector<16xi32>
    %mul3A_185 = arith.muli %get3A_182, %mul3A_184 : vector<16xi32>
    %swap3A_186 = arith.constant 1 : i32
    %swap3A_187 = arith.index_cast %swap3A_186 : i32 to index
    %swap3A_188 = arith.constant 80 : index
    %swap3A_189 = tpu.vector_load %arg6[%swap3A_187, %swap3A_188] {strides = array<i32>} : memref<4x128xi32, #tpu.memory_space<vmem>>, vector<16xi32>,
    tpu.vector_store %arg6[%swap3A_187, %swap3A_188], %mul3A_185 {strides = array<i32>} : memref<4x128xi32, #tpu.memory_space<vmem>>, vector<16xi32>,
    %get3A_190 = arith.constant 0 : i32
    %get3A_191 = arith.index_cast %get3A_190 : i32 to index
    %get3A_192 = arith.constant 224 : index
    %get3A_193 = tpu.vector_load %arg5[%get3A_191, %get3A_192] {strides = array<i32>} : memref<1x512xi32, #tpu.memory_space<vmem>>, vector<16xi32>,
    %mul3A_194 = arith.constant 2 : i32
    %mul3A_195 = vector.broadcast %mul3A_194 : i32 to vector<16xi32>
    %mul3A_196 = arith.muli %get3A_193, %mul3A_195 : vector<16xi32>
    %swap3A_197 = arith.constant 1 : i32
    %swap3A_198 = arith.index_cast %swap3A_197 : i32 to index
    %swap3A_199 = arith.constant 96 : index
    %swap3A_200 = tpu.vector_load %arg6[%swap3A_198, %swap3A_199] {strides = array<i32>} : memref<4x128xi32, #tpu.memory_space<vmem>>, vector<16xi32>,
    tpu.vector_store %arg6[%swap3A_198, %swap3A_199], %mul3A_196 {strides = array<i32>} : memref<4x128xi32, #tpu.memory_space<vmem>>, vector<16xi32>,
    %get3A_201 = arith.constant 0 : i32
    %get3A_202 = arith.index_cast %get3A_201 : i32 to index
    %get3A_203 = arith.constant 240 : index
    %get3A_204 = tpu.vector_load %arg5[%get3A_202, %get3A_203] {strides = array<i32>} : memref<1x512xi32, #tpu.memory_space<vmem>>, vector<16xi32>,
    %mul3A_205 = arith.constant 2 : i32
    %mul3A_206 = vector.broadcast %mul3A_205 : i32 to vector<16xi32>
    %mul3A_207 = arith.muli %get3A_204, %mul3A_206 : vector<16xi32>
    %swap3A_208 = arith.constant 1 : i32
    %swap3A_209 = arith.index_cast %swap3A_208 : i32 to index
    %swap3A_210 = arith.constant 112 : index
    %swap3A_211 = tpu.vector_load %arg6[%swap3A_209, %swap3A_210] {strides = array<i32>} : memref<4x128xi32, #tpu.memory_space<vmem>>, vector<16xi32>,
    tpu.vector_store %arg6[%swap3A_209, %swap3A_210], %mul3A_207 {strides = array<i32>} : memref<4x128xi32, #tpu.memory_space<vmem>>, vector<16xi32>,
    %get3A_212 = arith.constant 0 : i32
    %get3A_213 = arith.index_cast %get3A_212 : i32 to index
    %get3A_214 = arith.constant 256 : index
    %get3A_215 = tpu.vector_load %arg5[%get3A_213, %get3A_214] {strides = array<i32>} : memref<1x512xi32, #tpu.memory_space<vmem>>, vector<16xi32>,
    %mul3A_216 = arith.constant 2 : i32
    %mul3A_217 = vector.broadcast %mul3A_216 : i32 to vector<16xi32>
    %mul3A_218 = arith.muli %get3A_215, %mul3A_217 : vector<16xi32>
    %swap3A_219 = arith.constant 2 : i32
    %swap3A_220 = arith.index_cast %swap3A_219 : i32 to index
    %swap3A_221 = arith.constant 0 : index
    %swap3A_222 = tpu.vector_load %arg6[%swap3A_220, %swap3A_221] {strides = array<i32>} : memref<4x128xi32, #tpu.memory_space<vmem>>, vector<16xi32>,
    tpu.vector_store %arg6[%swap3A_220, %swap3A_221], %mul3A_218 {strides = array<i32>} : memref<4x128xi32, #tpu.memory_space<vmem>>, vector<16xi32>,
    %get3A_223 = arith.constant 0 : i32
    %get3A_224 = arith.index_cast %get3A_223 : i32 to index
    %get3A_225 = arith.constant 272 : index
    %get3A_226 = tpu.vector_load %arg5[%get3A_224, %get3A_225] {strides = array<i32>} : memref<1x512xi32, #tpu.memory_space<vmem>>, vector<16xi32>,
    %mul3A_227 = arith.constant 2 : i32
    %mul3A_228 = vector.broadcast %mul3A_227 : i32 to vector<16xi32>
    %mul3A_229 = arith.muli %get3A_226, %mul3A_228 : vector<16xi32>
    %swap3A_230 = arith.constant 2 : i32
    %swap3A_231 = arith.index_cast %swap3A_230 : i32 to index
    %swap3A_232 = arith.constant 16 : index
    %swap3A_233 = tpu.vector_load %arg6[%swap3A_231, %swap3A_232] {strides = array<i32>} : memref<4x128xi32, #tpu.memory_space<vmem>>, vector<16xi32>,
    tpu.vector_store %arg6[%swap3A_231, %swap3A_232], %mul3A_229 {strides = array<i32>} : memref<4x128xi32, #tpu.memory_space<vmem>>, vector<16xi32>,
    %get3A_234 = arith.constant 0 : i32
    %get3A_235 = arith.index_cast %get3A_234 : i32 to index
    %get3A_236 = arith.constant 288 : index
    %get3A_237 = tpu.vector_load %arg5[%get3A_235, %get3A_236] {strides = array<i32>} : memref<1x512xi32, #tpu.memory_space<vmem>>, vector<16xi32>,
    %mul3A_238 = arith.constant 2 : i32
    %mul3A_239 = vector.broadcast %mul3A_238 : i32 to vector<16xi32>
    %mul3A_240 = arith.muli %get3A_237, %mul3A_239 : vector<16xi32>
    %swap3A_241 = arith.constant 2 : i32
    %swap3A_242 = arith.index_cast %swap3A_241 : i32 to index
    %swap3A_243 = arith.constant 32 : index
    %swap3A_244 = tpu.vector_load %arg6[%swap3A_242, %swap3A_243] {strides = array<i32>} : memref<4x128xi32, #tpu.memory_space<vmem>>, vector<16xi32>,
    tpu.vector_store %arg6[%swap3A_242, %swap3A_243], %mul3A_240 {strides = array<i32>} : memref<4x128xi32, #tpu.memory_space<vmem>>, vector<16xi32>,
    %get3A_245 = arith.constant 0 : i32
    %get3A_246 = arith.index_cast %get3A_245 : i32 to index
    %get3A_247 = arith.constant 304 : index
    %get3A_248 = tpu.vector_load %arg5[%get3A_246, %get3A_247] {strides = array<i32>} : memref<1x512xi32, #tpu.memory_space<vmem>>, vector<16xi32>,
    %mul3A_249 = arith.constant 2 : i32
    %mul3A_250 = vector.broadcast %mul3A_249 : i32 to vector<16xi32>
    %mul3A_251 = arith.muli %get3A_248, %mul3A_250 : vector<16xi32>
    %swap3A_252 = arith.constant 2 : i32
    %swap3A_253 = arith.index_cast %swap3A_252 : i32 to index
    %swap3A_254 = arith.constant 48 : index
    %swap3A_255 = tpu.vector_load %arg6[%swap3A_253, %swap3A_254] {strides = array<i32>} : memref<4x128xi32, #tpu.memory_space<vmem>>, vector<16xi32>,
    tpu.vector_store %arg6[%swap3A_253, %swap3A_254], %mul3A_251 {strides = array<i32>} : memref<4x128xi32, #tpu.memory_space<vmem>>, vector<16xi32>,
    %get3A_256 = arith.constant 0 : i32
    %get3A_257 = arith.index_cast %get3A_256 : i32 to index
    %get3A_258 = arith.constant 320 : index
    %get3A_259 = tpu.vector_load %arg5[%get3A_257, %get3A_258] {strides = array<i32>} : memref<1x512xi32, #tpu.memory_space<vmem>>, vector<16xi32>,
    %mul3A_260 = arith.constant 2 : i32
    %mul3A_261 = vector.broadcast %mul3A_260 : i32 to vector<16xi32>
    %mul3A_262 = arith.muli %get3A_259, %mul3A_261 : vector<16xi32>
    %swap3A_263 = arith.constant 2 : i32
    %swap3A_264 = arith.index_cast %swap3A_263 : i32 to index
    %swap3A_265 = arith.constant 64 : index
    %swap3A_266 = tpu.vector_load %arg6[%swap3A_264, %swap3A_265] {strides = array<i32>} : memref<4x128xi32, #tpu.memory_space<vmem>>, vector<16xi32>,
    tpu.vector_store %arg6[%swap3A_264, %swap3A_265], %mul3A_262 {strides = array<i32>} : memref<4x128xi32, #tpu.memory_space<vmem>>, vector<16xi32>,
    %get3A_267 = arith.constant 0 : i32
    %get3A_268 = arith.index_cast %get3A_267 : i32 to index
    %get3A_269 = arith.constant 336 : index
    %get3A_270 = tpu.vector_load %arg5[%get3A_268, %get3A_269] {strides = array<i32>} : memref<1x512xi32, #tpu.memory_space<vmem>>, vector<16xi32>,
    %mul3A_271 = arith.constant 2 : i32
    %mul3A_272 = vector.broadcast %mul3A_271 : i32 to vector<16xi32>
    %mul3A_273 = arith.muli %get3A_270, %mul3A_272 : vector<16xi32>
    %swap3A_274 = arith.constant 2 : i32
    %swap3A_275 = arith.index_cast %swap3A_274 : i32 to index
    %swap3A_276 = arith.constant 80 : index
    %swap3A_277 = tpu.vector_load %arg6[%swap3A_275, %swap3A_276] {strides = array<i32>} : memref<4x128xi32, #tpu.memory_space<vmem>>, vector<16xi32>,
    tpu.vector_store %arg6[%swap3A_275, %swap3A_276], %mul3A_273 {strides = array<i32>} : memref<4x128xi32, #tpu.memory_space<vmem>>, vector<16xi32>,
    %get3A_278 = arith.constant 0 : i32
    %get3A_279 = arith.index_cast %get3A_278 : i32 to index
    %get3A_280 = arith.constant 352 : index
    %get3A_281 = tpu.vector_load %arg5[%get3A_279, %get3A_280] {strides = array<i32>} : memref<1x512xi32, #tpu.memory_space<vmem>>, vector<16xi32>,
    %mul3A_282 = arith.constant 2 : i32
    %mul3A_283 = vector.broadcast %mul3A_282 : i32 to vector<16xi32>
    %mul3A_284 = arith.muli %get3A_281, %mul3A_283 : vector<16xi32>
    %swap3A_285 = arith.constant 2 : i32
    %swap3A_286 = arith.index_cast %swap3A_285 : i32 to index
    %swap3A_287 = arith.constant 96 : index
    %swap3A_288 = tpu.vector_load %arg6[%swap3A_286, %swap3A_287] {strides = array<i32>} : memref<4x128xi32, #tpu.memory_space<vmem>>, vector<16xi32>,
    tpu.vector_store %arg6[%swap3A_286, %swap3A_287], %mul3A_284 {strides = array<i32>} : memref<4x128xi32, #tpu.memory_space<vmem>>, vector<16xi32>,
    %get3A_289 = arith.constant 0 : i32
    %get3A_290 = arith.index_cast %get3A_289 : i32 to index
    %get3A_291 = arith.constant 368 : index
    %get3A_292 = tpu.vector_load %arg5[%get3A_290, %get3A_291] {strides = array<i32>} : memref<1x512xi32, #tpu.memory_space<vmem>>, vector<16xi32>,
    %mul3A_293 = arith.constant 2 : i32
    %mul3A_294 = vector.broadcast %mul3A_293 : i32 to vector<16xi32>
    %mul3A_295 = arith.muli %get3A_292, %mul3A_294 : vector<16xi32>
    %swap3A_296 = arith.constant 2 : i32
    %swap3A_297 = arith.index_cast %swap3A_296 : i32 to index
    %swap3A_298 = arith.constant 112 : index
    %swap3A_299 = tpu.vector_load %arg6[%swap3A_297, %swap3A_298] {strides = array<i32>} : memref<4x128xi32, #tpu.memory_space<vmem>>, vector<16xi32>,
    tpu.vector_store %arg6[%swap3A_297, %swap3A_298], %mul3A_295 {strides = array<i32>} : memref<4x128xi32, #tpu.memory_space<vmem>>, vector<16xi32>,
    %get3A_300 = arith.constant 0 : i32
    %get3A_301 = arith.index_cast %get3A_300 : i32 to index
    %get3A_302 = arith.constant 384 : index
    %get3A_303 = tpu.vector_load %arg5[%get3A_301, %get3A_302] {strides = array<i32>} : memref<1x512xi32, #tpu.memory_space<vmem>>, vector<16xi32>,
    %mul3A_304 = arith.constant 2 : i32
    %mul3A_305 = vector.broadcast %mul3A_304 : i32 to vector<16xi32>
    %mul3A_306 = arith.muli %get3A_303, %mul3A_305 : vector<16xi32>
    %swap3A_307 = arith.constant 3 : i32
    %swap3A_308 = arith.index_cast %swap3A_307 : i32 to index
    %swap3A_309 = arith.constant 0 : index
    %swap3A_310 = tpu.vector_load %arg6[%swap3A_308, %swap3A_309] {strides = array<i32>} : memref<4x128xi32, #tpu.memory_space<vmem>>, vector<16xi32>,
    tpu.vector_store %arg6[%swap3A_308, %swap3A_309], %mul3A_306 {strides = array<i32>} : memref<4x128xi32, #tpu.memory_space<vmem>>, vector<16xi32>,
    %get3A_311 = arith.constant 0 : i32
    %get3A_312 = arith.index_cast %get3A_311 : i32 to index
    %get3A_313 = arith.constant 400 : index
    %get3A_314 = tpu.vector_load %arg5[%get3A_312, %get3A_313] {strides = array<i32>} : memref<1x512xi32, #tpu.memory_space<vmem>>, vector<16xi32>,
    %mul3A_315 = arith.constant 2 : i32
    %mul3A_316 = vector.broadcast %mul3A_315 : i32 to vector<16xi32>
    %mul3A_317 = arith.muli %get3A_314, %mul3A_316 : vector<16xi32>
    %swap3A_318 = arith.constant 3 : i32
    %swap3A_319 = arith.index_cast %swap3A_318 : i32 to index
    %swap3A_320 = arith.constant 16 : index
    %swap3A_321 = tpu.vector_load %arg6[%swap3A_319, %swap3A_320] {strides = array<i32>} : memref<4x128xi32, #tpu.memory_space<vmem>>, vector<16xi32>,
    tpu.vector_store %arg6[%swap3A_319, %swap3A_320], %mul3A_317 {strides = array<i32>} : memref<4x128xi32, #tpu.memory_space<vmem>>, vector<16xi32>,
    %get3A_322 = arith.constant 0 : i32
    %get3A_323 = arith.index_cast %get3A_322 : i32 to index
    %get3A_324 = arith.constant 416 : index
    %get3A_325 = tpu.vector_load %arg5[%get3A_323, %get3A_324] {strides = array<i32>} : memref<1x512xi32, #tpu.memory_space<vmem>>, vector<16xi32>,
    %mul3A_326 = arith.constant 2 : i32
    %mul3A_327 = vector.broadcast %mul3A_326 : i32 to vector<16xi32>
    %mul3A_328 = arith.muli %get3A_325, %mul3A_327 : vector<16xi32>
    %swap3A_329 = arith.constant 3 : i32
    %swap3A_330 = arith.index_cast %swap3A_329 : i32 to index
    %swap3A_331 = arith.constant 32 : index
    %swap3A_332 = tpu.vector_load %arg6[%swap3A_330, %swap3A_331] {strides = array<i32>} : memref<4x128xi32, #tpu.memory_space<vmem>>, vector<16xi32>,
    tpu.vector_store %arg6[%swap3A_330, %swap3A_331], %mul3A_328 {strides = array<i32>} : memref<4x128xi32, #tpu.memory_space<vmem>>, vector<16xi32>,
    %get3A_333 = arith.constant 0 : i32
    %get3A_334 = arith.index_cast %get3A_333 : i32 to index
    %get3A_335 = arith.constant 432 : index
    %get3A_336 = tpu.vector_load %arg5[%get3A_334, %get3A_335] {strides = array<i32>} : memref<1x512xi32, #tpu.memory_space<vmem>>, vector<16xi32>,
    %mul3A_337 = arith.constant 2 : i32
    %mul3A_338 = vector.broadcast %mul3A_337 : i32 to vector<16xi32>
    %mul3A_339 = arith.muli %get3A_336, %mul3A_338 : vector<16xi32>
    %swap3A_340 = arith.constant 3 : i32
    %swap3A_341 = arith.index_cast %swap3A_340 : i32 to index
    %swap3A_342 = arith.constant 48 : index
    %swap3A_343 = tpu.vector_load %arg6[%swap3A_341, %swap3A_342] {strides = array<i32>} : memref<4x128xi32, #tpu.memory_space<vmem>>, vector<16xi32>,
    tpu.vector_store %arg6[%swap3A_341, %swap3A_342], %mul3A_339 {strides = array<i32>} : memref<4x128xi32, #tpu.memory_space<vmem>>, vector<16xi32>,
    %get3A_344 = arith.constant 0 : i32
    %get3A_345 = arith.index_cast %get3A_344 : i32 to index
    %get3A_346 = arith.constant 448 : index
    %get3A_347 = tpu.vector_load %arg5[%get3A_345, %get3A_346] {strides = array<i32>} : memref<1x512xi32, #tpu.memory_space<vmem>>, vector<16xi32>,
    %mul3A_348 = arith.constant 2 : i32
    %mul3A_349 = vector.broadcast %mul3A_348 : i32 to vector<16xi32>
    %mul3A_350 = arith.muli %get3A_347, %mul3A_349 : vector<16xi32>
    %swap3A_351 = arith.constant 3 : i32
    %swap3A_352 = arith.index_cast %swap3A_351 : i32 to index
    %swap3A_353 = arith.constant 64 : index
    %swap3A_354 = tpu.vector_load %arg6[%swap3A_352, %swap3A_353] {strides = array<i32>} : memref<4x128xi32, #tpu.memory_space<vmem>>, vector<16xi32>,
    tpu.vector_store %arg6[%swap3A_352, %swap3A_353], %mul3A_350 {strides = array<i32>} : memref<4x128xi32, #tpu.memory_space<vmem>>, vector<16xi32>,
    %get3A_355 = arith.constant 0 : i32
    %get3A_356 = arith.index_cast %get3A_355 : i32 to index
    %get3A_357 = arith.constant 464 : index
    %get3A_358 = tpu.vector_load %arg5[%get3A_356, %get3A_357] {strides = array<i32>} : memref<1x512xi32, #tpu.memory_space<vmem>>, vector<16xi32>,
    %mul3A_359 = arith.constant 2 : i32
    %mul3A_360 = vector.broadcast %mul3A_359 : i32 to vector<16xi32>
    %mul3A_361 = arith.muli %get3A_358, %mul3A_360 : vector<16xi32>
    %swap3A_362 = arith.constant 3 : i32
    %swap3A_363 = arith.index_cast %swap3A_362 : i32 to index
    %swap3A_364 = arith.constant 80 : index
    %swap3A_365 = tpu.vector_load %arg6[%swap3A_363, %swap3A_364] {strides = array<i32>} : memref<4x128xi32, #tpu.memory_space<vmem>>, vector<16xi32>,
    tpu.vector_store %arg6[%swap3A_363, %swap3A_364], %mul3A_361 {strides = array<i32>} : memref<4x128xi32, #tpu.memory_space<vmem>>, vector<16xi32>,
    %get3A_366 = arith.constant 0 : i32
    %get3A_367 = arith.index_cast %get3A_366 : i32 to index
    %get3A_368 = arith.constant 480 : index
    %get3A_369 = tpu.vector_load %arg5[%get3A_367, %get3A_368] {strides = array<i32>} : memref<1x512xi32, #tpu.memory_space<vmem>>, vector<16xi32>,
    %mul3A_370 = arith.constant 2 : i32
    %mul3A_371 = vector.broadcast %mul3A_370 : i32 to vector<16xi32>
    %mul3A_372 = arith.muli %get3A_369, %mul3A_371 : vector<16xi32>
    %swap3A_373 = arith.constant 3 : i32
    %swap3A_374 = arith.index_cast %swap3A_373 : i32 to index
    %swap3A_375 = arith.constant 96 : index
    %swap3A_376 = tpu.vector_load %arg6[%swap3A_374, %swap3A_375] {strides = array<i32>} : memref<4x128xi32, #tpu.memory_space<vmem>>, vector<16xi32>,
    tpu.vector_store %arg6[%swap3A_374, %swap3A_375], %mul3A_372 {strides = array<i32>} : memref<4x128xi32, #tpu.memory_space<vmem>>, vector<16xi32>,
    %get3A_377 = arith.constant 0 : i32
    %get3A_378 = arith.index_cast %get3A_377 : i32 to index
    %get3A_379 = arith.constant 496 : index
    %get3A_380 = tpu.vector_load %arg5[%get3A_378, %get3A_379] {strides = array<i32>} : memref<1x512xi32, #tpu.memory_space<vmem>>, vector<16xi32>,
    %mul3A_381 = arith.constant 2 : i32
    %mul3A_382 = vector.broadcast %mul3A_381 : i32 to vector<16xi32>
    %mul3A_383 = arith.muli %get3A_380, %mul3A_382 : vector<16xi32>
    %swap3A_384 = arith.constant 3 : i32
    %swap3A_385 = arith.index_cast %swap3A_384 : i32 to index
    %swap3A_386 = arith.constant 112 : index
    %swap3A_387 = tpu.vector_load %arg6[%swap3A_385, %swap3A_386] {strides = array<i32>} : memref<4x128xi32, #tpu.memory_space<vmem>>, vector<16xi32>,
    tpu.vector_store %arg6[%swap3A_385, %swap3A_386], %mul3A_383 {strides = array<i32>} : memref<4x128xi32, #tpu.memory_space<vmem>>, vector<16xi32>,
    %dma_start3A = arith.constant 0 : i32
    %dma_start3A_388 = arith.constant 0 : i32
    %dma_start3A_389 = arith.constant 0 : i32
    %dma_start3A_390 = tpu.memref_slice %arg7[%dma_start3A_388, %dma_start3A_389] : memref<512x64xf32, #tpu.memory_space<vmem>> -> memref<128x64xf32, #tpu.memory_space<vmem>>
    %dma_start3A_391 = arith.constant 0 : i32
    %dma_start3A_392 = tpu.memref_slice %arg6[%dma_start3A, %dma_start3A_391] : memref<4x128xi32, #tpu.memory_space<vmem>> -> memref<1x128xi32, #tpu.memory_space<vmem>>
    %dma_start3A_393 = tpu.memref_squeeze %dma_start3A_392 : memref<1x128xi32, #tpu.memory_space<vmem>> -> memref<128xi32, #tpu.memory_space<vmem>>
    %dma_start3A_394 = arith.constant 0 : i32
    %dma_start3A_395 = arith.constant 0 : i32
    %dma_start3A_396 = tpu.memref_slice %arg3[%dma_start3A_394, %dma_start3A_395] : memref<2000000x64xf32, #tpu.memory_space<hbm>> -> memref<2000000x64xf32, #tpu.memory_space<hbm>>
    tpu.enqueue_indirect_dma source(%dma_start3A_396 : memref<2000000x64xf32, #tpu.memory_space<hbm>>) target(%dma_start3A_390 : memref<128x64xf32, #tpu.memory_space<vmem>>) offsets(%dma_start3A_393 : memref<128xi32, #tpu.memory_space<vmem>>) semaphore(%arg10 : memref<!tpu.dma_semaphore, #tpu.memory_space<semaphore_mem>>)
    %dma_start3A_397 = arith.constant 1 : i32
    %dma_start3A_398 = arith.constant 128 : i32
    %dma_start3A_399 = arith.constant 0 : i32
    %dma_start3A_400 = tpu.memref_slice %arg7[%dma_start3A_398, %dma_start3A_399] : memref<512x64xf32, #tpu.memory_space<vmem>> -> memref<128x64xf32, #tpu.memory_space<vmem>>
    %dma_start3A_401 = arith.constant 0 : i32
    %dma_start3A_402 = tpu.memref_slice %arg6[%dma_start3A_397, %dma_start3A_401] : memref<4x128xi32, #tpu.memory_space<vmem>> -> memref<1x128xi32, #tpu.memory_space<vmem>>
    %dma_start3A_403 = tpu.memref_squeeze %dma_start3A_402 : memref<1x128xi32, #tpu.memory_space<vmem>> -> memref<128xi32, #tpu.memory_space<vmem>>
    %dma_start3A_404 = arith.constant 0 : i32
    %dma_start3A_405 = arith.constant 0 : i32
    %dma_start3A_406 = tpu.memref_slice %arg3[%dma_start3A_404, %dma_start3A_405] : memref<2000000x64xf32, #tpu.memory_space<hbm>> -> memref<2000000x64xf32, #tpu.memory_space<hbm>>
    tpu.enqueue_indirect_dma source(%dma_start3A_406 : memref<2000000x64xf32, #tpu.memory_space<hbm>>) target(%dma_start3A_400 : memref<128x64xf32, #tpu.memory_space<vmem>>) offsets(%dma_start3A_403 : memref<128xi32, #tpu.memory_space<vmem>>) semaphore(%arg10 : memref<!tpu.dma_semaphore, #tpu.memory_space<semaphore_mem>>)
    %dma_start3A_407 = arith.constant 2 : i32
    %dma_start3A_408 = arith.constant 256 : i32
    %dma_start3A_409 = arith.constant 0 : i32
    %dma_start3A_410 = tpu.memref_slice %arg7[%dma_start3A_408, %dma_start3A_409] : memref<512x64xf32, #tpu.memory_space<vmem>> -> memref<128x64xf32, #tpu.memory_space<vmem>>
    %dma_start3A_411 = arith.constant 0 : i32
    %dma_start3A_412 = tpu.memref_slice %arg6[%dma_start3A_407, %dma_start3A_411] : memref<4x128xi32, #tpu.memory_space<vmem>> -> memref<1x128xi32, #tpu.memory_space<vmem>>
    %dma_start3A_413 = tpu.memref_squeeze %dma_start3A_412 : memref<1x128xi32, #tpu.memory_space<vmem>> -> memref<128xi32, #tpu.memory_space<vmem>>
    %dma_start3A_414 = arith.constant 0 : i32
    %dma_start3A_415 = arith.constant 0 : i32
    %dma_start3A_416 = tpu.memref_slice %arg3[%dma_start3A_414, %dma_start3A_415] : memref<2000000x64xf32, #tpu.memory_space<hbm>> -> memref<2000000x64xf32, #tpu.memory_space<hbm>>
    tpu.enqueue_indirect_dma source(%dma_start3A_416 : memref<2000000x64xf32, #tpu.memory_space<hbm>>) target(%dma_start3A_410 : memref<128x64xf32, #tpu.memory_space<vmem>>) offsets(%dma_start3A_413 : memref<128xi32, #tpu.memory_space<vmem>>) semaphore(%arg10 : memref<!tpu.dma_semaphore, #tpu.memory_space<semaphore_mem>>)
    %dma_start3A_417 = arith.constant 3 : i32
    %dma_start3A_418 = arith.constant 384 : i32
    %dma_start3A_419 = arith.constant 0 : i32
    %dma_start3A_420 = tpu.memref_slice %arg7[%dma_start3A_418, %dma_start3A_419] : memref<512x64xf32, #tpu.memory_space<vmem>> -> memref<128x64xf32, #tpu.memory_space<vmem>>
    %dma_start3A_421 = arith.constant 0 : i32
    %dma_start3A_422 = tpu.memref_slice %arg6[%dma_start3A_417, %dma_start3A_421] : memref<4x128xi32, #tpu.memory_space<vmem>> -> memref<1x128xi32, #tpu.memory_space<vmem>>
    %dma_start3A_423 = tpu.memref_squeeze %dma_start3A_422 : memref<1x128xi32, #tpu.memory_space<vmem>> -> memref<128xi32, #tpu.memory_space<vmem>>
    %dma_start3A_424 = arith.constant 0 : i32
    %dma_start3A_425 = arith.constant 0 : i32
    %dma_start3A_426 = tpu.memref_slice %arg3[%dma_start3A_424, %dma_start3A_425] : memref<2000000x64xf32, #tpu.memory_space<hbm>> -> memref<2000000x64xf32, #tpu.memory_space<hbm>>
    tpu.enqueue_indirect_dma source(%dma_start3A_426 : memref<2000000x64xf32, #tpu.memory_space<hbm>>) target(%dma_start3A_420 : memref<128x64xf32, #tpu.memory_space<vmem>>) offsets(%dma_start3A_423 : memref<128xi32, #tpu.memory_space<vmem>>) semaphore(%arg10 : memref<!tpu.dma_semaphore, #tpu.memory_space<semaphore_mem>>)
    %scan3A = arith.constant 0 : i32
    %scan3A_427 = arith.constant 0 : i32
    %scan3A_428 = arith.constant 50 : i32
    %scan3A_429 = arith.addi %scan3A_427, %scan3A_428 : i32
    %scan3A_430 = arith.constant 1 : i32
    scf.for %scan3A_643 = %scan3A_427 to %scan3A_429 step %scan3A_430  : i32 {
      %add3A_644 = arith.addi %mul3A_2, %scan3A_643 : i32
      %jit3A_645 = arith.constant 32 : i32
      %div3A_646 = arith.divsi %add3A_644, %jit3A_645 : i32
      %sign3A_647 = arith.constant 0 : i32
      %sign3A_648 = arith.cmpi sgt, %add3A_644, %sign3A_647 : i32
      %sign3A_649 = arith.extui %sign3A_648 : i1 to i32
      %sign3A_650 = arith.constant 0 : i32
      %sign3A_651 = arith.cmpi slt, %add3A_644, %sign3A_650 : i32
      %sign3A_652 = arith.extui %sign3A_651 : i1 to i32
      %sign3A_653 = arith.subi %sign3A_649, %sign3A_652 : i32
      %sign3A_654 = arith.constant 0 : i32
      %sign3A_655 = arith.cmpi sgt, %jit3A_645, %sign3A_654 : i32
      %sign3A_656 = arith.extui %sign3A_655 : i1 to i32
      %sign3A_657 = arith.constant 0 : i32
      %sign3A_658 = arith.cmpi slt, %jit3A_645, %sign3A_657 : i32
      %sign3A_659 = arith.extui %sign3A_658 : i1 to i32
      %sign3A_660 = arith.subi %sign3A_656, %sign3A_659 : i32
      %ne3A_661 = arith.cmpi ne, %sign3A_653, %sign3A_660 : i32
      %rem3A_662 = arith.remsi %add3A_644, %jit3A_645 : i32
      %ne3A_663 = arith.constant 0 : i32
      %ne3A_664 = arith.cmpi ne, %rem3A_662, %ne3A_663 : i32
      %and3A_665 = arith.andi %ne3A_661, %ne3A_664 : i1
      %sub3A_666 = arith.constant 1 : i32
      %sub3A_667 = arith.subi %div3A_646, %sub3A_666 : i32
      %select_n3A_668 = arith.select %and3A_665, %sub3A_667, %div3A_646 : i32
      %jit3A_669 = arith.constant 32 : i32
      %eq3A_670 = arith.constant 0 : i32
      %eq3A_671 = arith.cmpi eq, %jit3A_669, %eq3A_670 : i32
      %jit3A_672 = arith.constant 1 : i32
      %select_n3A_673 = arith.select %eq3A_671, %jit3A_672, %jit3A_669 : i32
      %rem3A_674 = arith.remsi %add3A_644, %select_n3A_673 : i32
      %ne3A_675 = arith.constant 0 : i32
      %ne3A_676 = arith.cmpi ne, %rem3A_674, %ne3A_675 : i32
      %lt3A_677 = arith.constant 0 : i32
      %lt3A_678 = arith.cmpi slt, %rem3A_674, %lt3A_677 : i32
      %lt3A_679 = arith.constant 0 : i32
      %lt3A_680 = arith.cmpi slt, %select_n3A_673, %lt3A_679 : i32
      %ne3A_681 = arith.xori %lt3A_678, %lt3A_680 : i1
      %and3A_682 = arith.andi %ne3A_681, %ne3A_676 : i1
      %add3A_683 = arith.addi %rem3A_674, %select_n3A_673 : i32
      %select_n3A_684 = arith.select %and3A_682, %add3A_683, %rem3A_674 : i32
      %dma_wait3A_685 = arith.constant 0 : i32
      %dma_wait3A_686 = arith.constant 0 : i32
      %dma_wait3A_687 = arith.constant 0 : i32
      %dma_wait3A_688 = tpu.memref_slice %arg7[%dma_wait3A_686, %dma_wait3A_687] : memref<512x64xf32, #tpu.memory_space<vmem>> -> memref<128x64xf32, #tpu.memory_space<vmem>>
      %dma_wait3A_689 = arith.constant 0 : i32
      %dma_wait3A_690 = tpu.memref_slice %arg6[%dma_wait3A_685, %dma_wait3A_689] : memref<4x128xi32, #tpu.memory_space<vmem>> -> memref<1x128xi32, #tpu.memory_space<vmem>>
      %dma_wait3A_691 = tpu.memref_squeeze %dma_wait3A_690 : memref<1x128xi32, #tpu.memory_space<vmem>> -> memref<128xi32, #tpu.memory_space<vmem>>
      %dma_wait3A_692 = arith.constant 0 : i32
      %dma_wait3A_693 = arith.constant 0 : i32
      %dma_wait3A_694 = tpu.memref_slice %arg3[%dma_wait3A_692, %dma_wait3A_693] : memref<2000000x64xf32, #tpu.memory_space<hbm>> -> memref<2000000x64xf32, #tpu.memory_space<hbm>>
      tpu.wait_indirect_dma semaphore(%arg10 : memref<!tpu.dma_semaphore, #tpu.memory_space<semaphore_mem>>) src(%dma_wait3A_694 : memref<2000000x64xf32, #tpu.memory_space<hbm>>) dst(%dma_wait3A_688 : memref<128x64xf32, #tpu.memory_space<vmem>>)
      %dma_wait3A_695 = arith.constant 1 : i32
      %dma_wait3A_696 = arith.constant 128 : i32
      %dma_wait3A_697 = arith.constant 0 : i32
      %dma_wait3A_698 = tpu.memref_slice %arg7[%dma_wait3A_696, %dma_wait3A_697] : memref<512x64xf32, #tpu.memory_space<vmem>> -> memref<128x64xf32, #tpu.memory_space<vmem>>
      %dma_wait3A_699 = arith.constant 0 : i32
      %dma_wait3A_700 = tpu.memref_slice %arg6[%dma_wait3A_695, %dma_wait3A_699] : memref<4x128xi32, #tpu.memory_space<vmem>> -> memref<1x128xi32, #tpu.memory_space<vmem>>
      %dma_wait3A_701 = tpu.memref_squeeze %dma_wait3A_700 : memref<1x128xi32, #tpu.memory_space<vmem>> -> memref<128xi32, #tpu.memory_space<vmem>>
      %dma_wait3A_702 = arith.constant 0 : i32
      %dma_wait3A_703 = arith.constant 0 : i32
      %dma_wait3A_704 = tpu.memref_slice %arg3[%dma_wait3A_702, %dma_wait3A_703] : memref<2000000x64xf32, #tpu.memory_space<hbm>> -> memref<2000000x64xf32, #tpu.memory_space<hbm>>
      tpu.wait_indirect_dma semaphore(%arg10 : memref<!tpu.dma_semaphore, #tpu.memory_space<semaphore_mem>>) src(%dma_wait3A_704 : memref<2000000x64xf32, #tpu.memory_space<hbm>>) dst(%dma_wait3A_698 : memref<128x64xf32, #tpu.memory_space<vmem>>)
      %dma_wait3A_705 = arith.constant 2 : i32
      %dma_wait3A_706 = arith.constant 256 : i32
      %dma_wait3A_707 = arith.constant 0 : i32
      %dma_wait3A_708 = tpu.memref_slice %arg7[%dma_wait3A_706, %dma_wait3A_707] : memref<512x64xf32, #tpu.memory_space<vmem>> -> memref<128x64xf32, #tpu.memory_space<vmem>>
      %dma_wait3A_709 = arith.constant 0 : i32
      %dma_wait3A_710 = tpu.memref_slice %arg6[%dma_wait3A_705, %dma_wait3A_709] : memref<4x128xi32, #tpu.memory_space<vmem>> -> memref<1x128xi32, #tpu.memory_space<vmem>>
      %dma_wait3A_711 = tpu.memref_squeeze %dma_wait3A_710 : memref<1x128xi32, #tpu.memory_space<vmem>> -> memref<128xi32, #tpu.memory_space<vmem>>
      %dma_wait3A_712 = arith.constant 0 : i32
      %dma_wait3A_713 = arith.constant 0 : i32
      %dma_wait3A_714 = tpu.memref_slice %arg3[%dma_wait3A_712, %dma_wait3A_713] : memref<2000000x64xf32, #tpu.memory_space<hbm>> -> memref<2000000x64xf32, #tpu.memory_space<hbm>>
      tpu.wait_indirect_dma semaphore(%arg10 : memref<!tpu.dma_semaphore, #tpu.memory_space<semaphore_mem>>) src(%dma_wait3A_714 : memref<2000000x64xf32, #tpu.memory_space<hbm>>) dst(%dma_wait3A_708 : memref<128x64xf32, #tpu.memory_space<vmem>>)
      %dma_wait3A_715 = arith.constant 3 : i32
      %dma_wait3A_716 = arith.constant 384 : i32
      %dma_wait3A_717 = arith.constant 0 : i32
      %dma_wait3A_718 = tpu.memref_slice %arg7[%dma_wait3A_716, %dma_wait3A_717] : memref<512x64xf32, #tpu.memory_space<vmem>> -> memref<128x64xf32, #tpu.memory_space<vmem>>
      %dma_wait3A_719 = arith.constant 0 : i32
      %dma_wait3A_720 = tpu.memref_slice %arg6[%dma_wait3A_715, %dma_wait3A_719] : memref<4x128xi32, #tpu.memory_space<vmem>> -> memref<1x128xi32, #tpu.memory_space<vmem>>
      %dma_wait3A_721 = tpu.memref_squeeze %dma_wait3A_720 : memref<1x128xi32, #tpu.memory_space<vmem>> -> memref<128xi32, #tpu.memory_space<vmem>>
      %dma_wait3A_722 = arith.constant 0 : i32
      %dma_wait3A_723 = arith.constant 0 : i32
      %dma_wait3A_724 = tpu.memref_slice %arg3[%dma_wait3A_722, %dma_wait3A_723] : memref<2000000x64xf32, #tpu.memory_space<hbm>> -> memref<2000000x64xf32, #tpu.memory_space<hbm>>
      tpu.wait_indirect_dma semaphore(%arg10 : memref<!tpu.dma_semaphore, #tpu.memory_space<semaphore_mem>>) src(%dma_wait3A_724 : memref<2000000x64xf32, #tpu.memory_space<hbm>>) dst(%dma_wait3A_718 : memref<128x64xf32, #tpu.memory_space<vmem>>)
      %parallel_loop3A = arith.constant 0 : i32
      %parallel_loop3A_725 = arith.constant 512 : i32
      %parallel_loop3A_726 = arith.constant 1 : i32
      scf.for %parallel_loop3A_905 = %parallel_loop3A to %parallel_loop3A_725 step %parallel_loop3A_726  : i32 {
        %parallel_loop3A_906 = arith.constant 65 : i32
        %parallel_loop3A_907 = arith.muli %parallel_loop3A_905, %parallel_loop3A_906 : i32
        %parallel_loop3A_908 = arith.index_cast %parallel_loop3A_905 : i32 to index
        %parallel_loop3A_909 = arith.constant 0 : index
        %parallel_loop3A_910 = tpu.vector_load %arg7[%parallel_loop3A_908, %parallel_loop3A_909] {strides = array<i32>} : memref<512x64xf32, #tpu.memory_space<vmem>>, vector<16xf32>,
        %parallel_loop3A_911 = arith.constant 8.000000e+00 : f32
        %parallel_loop3A_912 = vector.broadcast %parallel_loop3A_911 : f32 to vector<16xf32>
        %parallel_loop3A_913 = arith.mulf %parallel_loop3A_910, %parallel_loop3A_912 : vector<16xf32>
        %parallel_loop3A_914 = arith.constant 0 : i32
        %parallel_loop3A_915 = arith.addi %parallel_loop3A_907, %parallel_loop3A_914 : i32
        %parallel_loop3A_916 = vector.broadcast %parallel_loop3A_915 : i32 to vector<16xi32>
        %parallel_loop3A_917 = arith.addi %parallel_loop3A_916, %iota3A : vector<16xi32>
        tpu.vector_store_idx %arg8[%parallel_loop3A_917], %parallel_loop3A_913 : memref<33280xf32, #tpu.memory_space<vmem>>[vector<16xi32>], vector<16xf32>,
        %parallel_loop3A_918 = arith.index_cast %parallel_loop3A_905 : i32 to index
        %parallel_loop3A_919 = arith.constant 16 : index
        %parallel_loop3A_920 = tpu.vector_load %arg7[%parallel_loop3A_918, %parallel_loop3A_919] {strides = array<i32>} : memref<512x64xf32, #tpu.memory_space<vmem>>, vector<16xf32>,
        %parallel_loop3A_921 = arith.constant 8.000000e+00 : f32
        %parallel_loop3A_922 = vector.broadcast %parallel_loop3A_921 : f32 to vector<16xf32>
        %parallel_loop3A_923 = arith.mulf %parallel_loop3A_920, %parallel_loop3A_922 : vector<16xf32>
        %parallel_loop3A_924 = arith.constant 16 : i32
        %parallel_loop3A_925 = arith.addi %parallel_loop3A_907, %parallel_loop3A_924 : i32
        %parallel_loop3A_926 = vector.broadcast %parallel_loop3A_925 : i32 to vector<16xi32>
        %parallel_loop3A_927 = arith.addi %parallel_loop3A_926, %iota3A : vector<16xi32>
        tpu.vector_store_idx %arg8[%parallel_loop3A_927], %parallel_loop3A_923 : memref<33280xf32, #tpu.memory_space<vmem>>[vector<16xi32>], vector<16xf32>,
        %parallel_loop3A_928 = arith.index_cast %parallel_loop3A_905 : i32 to index
        %parallel_loop3A_929 = arith.constant 32 : index
        %parallel_loop3A_930 = tpu.vector_load %arg7[%parallel_loop3A_928, %parallel_loop3A_929] {strides = array<i32>} : memref<512x64xf32, #tpu.memory_space<vmem>>, vector<16xf32>,
        %parallel_loop3A_931 = arith.constant 8.000000e+00 : f32
        %parallel_loop3A_932 = vector.broadcast %parallel_loop3A_931 : f32 to vector<16xf32>
        %parallel_loop3A_933 = arith.mulf %parallel_loop3A_930, %parallel_loop3A_932 : vector<16xf32>
        %parallel_loop3A_934 = arith.constant 32 : i32
        %parallel_loop3A_935 = arith.addi %parallel_loop3A_907, %parallel_loop3A_934 : i32
        %parallel_loop3A_936 = vector.broadcast %parallel_loop3A_935 : i32 to vector<16xi32>
        %parallel_loop3A_937 = arith.addi %parallel_loop3A_936, %iota3A : vector<16xi32>
        tpu.vector_store_idx %arg8[%parallel_loop3A_937], %parallel_loop3A_933 : memref<33280xf32, #tpu.memory_space<vmem>>[vector<16xi32>], vector<16xf32>,
        %parallel_loop3A_938 = arith.index_cast %parallel_loop3A_905 : i32 to index
        %parallel_loop3A_939 = arith.constant 48 : index
        %parallel_loop3A_940 = tpu.vector_load %arg7[%parallel_loop3A_938, %parallel_loop3A_939] {strides = array<i32>} : memref<512x64xf32, #tpu.memory_space<vmem>>, vector<16xf32>,
        %parallel_loop3A_941 = arith.constant 8.000000e+00 : f32
        %parallel_loop3A_942 = vector.broadcast %parallel_loop3A_941 : f32 to vector<16xf32>
        %parallel_loop3A_943 = arith.mulf %parallel_loop3A_940, %parallel_loop3A_942 : vector<16xf32>
        %parallel_loop3A_944 = arith.constant 48 : i32
        %parallel_loop3A_945 = arith.addi %parallel_loop3A_907, %parallel_loop3A_944 : i32
        %parallel_loop3A_946 = vector.broadcast %parallel_loop3A_945 : i32 to vector<16xi32>
        %parallel_loop3A_947 = arith.addi %parallel_loop3A_946, %iota3A : vector<16xi32>
        tpu.vector_store_idx %arg8[%parallel_loop3A_947], %parallel_loop3A_943 : memref<33280xf32, #tpu.memory_space<vmem>>[vector<16xi32>], vector<16xf32>,
      } {sc.loop_unroll_factor = 16 : i64, sc.parallel_access}
      %lt3A_727 = arith.constant 49 : i32
      %lt3A_728 = arith.cmpi slt, %scan3A_643, %lt3A_727 : i32
      %convert_element_type3A = arith.extui %lt3A_728 : i1 to i32
      %cond3A = arith.constant 0 : i32
      %cond3A_729 = arith.cmpi ne, %convert_element_type3A, %cond3A : i32
      scf.if %cond3A_729 {
        %add3A_905 = arith.constant 1 : i32
        %add3A_906 = arith.addi %add3A_644, %add3A_905 : i32
        %jit3A_907 = arith.constant 32 : i32
        %div3A_908 = arith.divsi %add3A_906, %jit3A_907 : i32
        %sign3A_909 = arith.constant 0 : i32
        %sign3A_910 = arith.cmpi sgt, %add3A_906, %sign3A_909 : i32
        %sign3A_911 = arith.extui %sign3A_910 : i1 to i32
        %sign3A_912 = arith.constant 0 : i32
        %sign3A_913 = arith.cmpi slt, %add3A_906, %sign3A_912 : i32
        %sign3A_914 = arith.extui %sign3A_913 : i1 to i32
        %sign3A_915 = arith.subi %sign3A_911, %sign3A_914 : i32
        %sign3A_916 = arith.constant 0 : i32
        %sign3A_917 = arith.cmpi sgt, %jit3A_907, %sign3A_916 : i32
        %sign3A_918 = arith.extui %sign3A_917 : i1 to i32
        %sign3A_919 = arith.constant 0 : i32
        %sign3A_920 = arith.cmpi slt, %jit3A_907, %sign3A_919 : i32
        %sign3A_921 = arith.extui %sign3A_920 : i1 to i32
        %sign3A_922 = arith.subi %sign3A_918, %sign3A_921 : i32
        %ne3A_923 = arith.cmpi ne, %sign3A_915, %sign3A_922 : i32
        %rem3A_924 = arith.remsi %add3A_906, %jit3A_907 : i32
        %ne3A_925 = arith.constant 0 : i32
        %ne3A_926 = arith.cmpi ne, %rem3A_924, %ne3A_925 : i32
        %and3A_927 = arith.andi %ne3A_923, %ne3A_926 : i1
        %sub3A_928 = arith.constant 1 : i32
        %sub3A_929 = arith.subi %div3A_908, %sub3A_928 : i32
        %select_n3A_930 = arith.select %and3A_927, %sub3A_929, %div3A_908 : i32
        %jit3A_931 = arith.constant 32 : i32
        %eq3A_932 = arith.constant 0 : i32
        %eq3A_933 = arith.cmpi eq, %jit3A_931, %eq3A_932 : i32
        %jit3A_934 = arith.constant 1 : i32
        %select_n3A_935 = arith.select %eq3A_933, %jit3A_934, %jit3A_931 : i32
        %rem3A_936 = arith.remsi %add3A_906, %select_n3A_935 : i32
        %ne3A_937 = arith.constant 0 : i32
        %ne3A_938 = arith.cmpi ne, %rem3A_936, %ne3A_937 : i32
        %lt3A_939 = arith.constant 0 : i32
        %lt3A_940 = arith.cmpi slt, %rem3A_936, %lt3A_939 : i32
        %lt3A_941 = arith.constant 0 : i32
        %lt3A_942 = arith.cmpi slt, %select_n3A_935, %lt3A_941 : i32
        %ne3A_943 = arith.xori %lt3A_940, %lt3A_942 : i1
        %and3A_944 = arith.andi %ne3A_943, %ne3A_938 : i1
        %add3A_945 = arith.addi %rem3A_936, %select_n3A_935 : i32
        %select_n3A_946 = arith.select %and3A_944, %add3A_945, %rem3A_936 : i32
        %mul3A_947 = arith.constant 512 : i32
        %mul3A_948 = arith.muli %select_n3A_946, %mul3A_947 : i32
        "tpu.region"() ({
          %run_scoped3A = tpu.sem_alloc : memref<!tpu.dma_semaphore, #tpu.memory_space<semaphore_mem>>
          %dma_start3A_1341 = tpu.memref_slice %arg2[%select_n3A_930, %mul3A_948] : memref<50x16384xi32, #tpu.memory_space<hbm>> -> memref<1x512xi32, #tpu.memory_space<hbm>>
          %dma_start3A_1342 = tpu.memref_slice %arg2[%select_n3A_930, %mul3A_948] : memref<50x16384xi32, #tpu.memory_space<hbm>> -> memref<1x512xi32, #tpu.memory_space<hbm>>
          tpu.enqueue_dma source(%dma_start3A_1342 : memref<1x512xi32, #tpu.memory_space<hbm>>) target(%arg5 : memref<1x512xi32, #tpu.memory_space<vmem>>) target_semaphore(%run_scoped3A : memref<!tpu.dma_semaphore, #tpu.memory_space<semaphore_mem>>)
          %dma_wait3A_1343 = tpu.memref_slice %arg2[%select_n3A_930, %mul3A_948] : memref<50x16384xi32, #tpu.memory_space<hbm>> -> memref<1x512xi32, #tpu.memory_space<hbm>>
          %dma_wait3A_1344 = tpu.memref_slice %arg2[%select_n3A_930, %mul3A_948] : memref<50x16384xi32, #tpu.memory_space<hbm>> -> memref<1x512xi32, #tpu.memory_space<hbm>>
          tpu.wait_dma2 semaphore(%run_scoped3A : memref<!tpu.dma_semaphore, #tpu.memory_space<semaphore_mem>>) src(%dma_wait3A_1344 : memref<1x512xi32, #tpu.memory_space<hbm>>) dst(%arg5 : memref<1x512xi32, #tpu.memory_space<vmem>>)
          tpu.yield
        }) : () -> ()
        %get3A_949 = arith.constant 0 : i32
        %get3A_950 = arith.index_cast %get3A_949 : i32 to index
        %get3A_951 = arith.constant 0 : index
        %get3A_952 = tpu.vector_load %arg5[%get3A_950, %get3A_951] {strides = array<i32>} : memref<1x512xi32, #tpu.memory_space<vmem>>, vector<16xi32>,
        %mul3A_953 = arith.constant 2 : i32
        %mul3A_954 = vector.broadcast %mul3A_953 : i32 to vector<16xi32>
        %mul3A_955 = arith.muli %get3A_952, %mul3A_954 : vector<16xi32>
        %swap3A_956 = arith.constant 0 : i32
        %swap3A_957 = arith.index_cast %swap3A_956 : i32 to index
        %swap3A_958 = arith.constant 0 : index
        %swap3A_959 = tpu.vector_load %arg6[%swap3A_957, %swap3A_958] {strides = array<i32>} : memref<4x128xi32, #tpu.memory_space<vmem>>, vector<16xi32>,
        tpu.vector_store %arg6[%swap3A_957, %swap3A_958], %mul3A_955 {strides = array<i32>} : memref<4x128xi32, #tpu.memory_space<vmem>>, vector<16xi32>,
        %get3A_960 = arith.constant 0 : i32
        %get3A_961 = arith.index_cast %get3A_960 : i32 to index
        %get3A_962 = arith.constant 16 : index
        %get3A_963 = tpu.vector_load %arg5[%get3A_961, %get3A_962] {strides = array<i32>} : memref<1x512xi32, #tpu.memory_space<vmem>>, vector<16xi32>,
        %mul3A_964 = arith.constant 2 : i32
        %mul3A_965 = vector.broadcast %mul3A_964 : i32 to vector<16xi32>
        %mul3A_966 = arith.muli %get3A_963, %mul3A_965 : vector<16xi32>
        %swap3A_967 = arith.constant 0 : i32
        %swap3A_968 = arith.index_cast %swap3A_967 : i32 to index
        %swap3A_969 = arith.constant 16 : index
        %swap3A_970 = tpu.vector_load %arg6[%swap3A_968, %swap3A_969] {strides = array<i32>} : memref<4x128xi32, #tpu.memory_space<vmem>>, vector<16xi32>,
        tpu.vector_store %arg6[%swap3A_968, %swap3A_969], %mul3A_966 {strides = array<i32>} : memref<4x128xi32, #tpu.memory_space<vmem>>, vector<16xi32>,
        %get3A_971 = arith.constant 0 : i32
        %get3A_972 = arith.index_cast %get3A_971 : i32 to index
        %get3A_973 = arith.constant 32 : index
        %get3A_974 = tpu.vector_load %arg5[%get3A_972, %get3A_973] {strides = array<i32>} : memref<1x512xi32, #tpu.memory_space<vmem>>, vector<16xi32>,
        %mul3A_975 = arith.constant 2 : i32
        %mul3A_976 = vector.broadcast %mul3A_975 : i32 to vector<16xi32>
        %mul3A_977 = arith.muli %get3A_974, %mul3A_976 : vector<16xi32>
        %swap3A_978 = arith.constant 0 : i32
        %swap3A_979 = arith.index_cast %swap3A_978 : i32 to index
        %swap3A_980 = arith.constant 32 : index
        %swap3A_981 = tpu.vector_load %arg6[%swap3A_979, %swap3A_980] {strides = array<i32>} : memref<4x128xi32, #tpu.memory_space<vmem>>, vector<16xi32>,
        tpu.vector_store %arg6[%swap3A_979, %swap3A_980], %mul3A_977 {strides = array<i32>} : memref<4x128xi32, #tpu.memory_space<vmem>>, vector<16xi32>,
        %get3A_982 = arith.constant 0 : i32
        %get3A_983 = arith.index_cast %get3A_982 : i32 to index
        %get3A_984 = arith.constant 48 : index
        %get3A_985 = tpu.vector_load %arg5[%get3A_983, %get3A_984] {strides = array<i32>} : memref<1x512xi32, #tpu.memory_space<vmem>>, vector<16xi32>,
        %mul3A_986 = arith.constant 2 : i32
        %mul3A_987 = vector.broadcast %mul3A_986 : i32 to vector<16xi32>
        %mul3A_988 = arith.muli %get3A_985, %mul3A_987 : vector<16xi32>
        %swap3A_989 = arith.constant 0 : i32
        %swap3A_990 = arith.index_cast %swap3A_989 : i32 to index
        %swap3A_991 = arith.constant 48 : index
        %swap3A_992 = tpu.vector_load %arg6[%swap3A_990, %swap3A_991] {strides = array<i32>} : memref<4x128xi32, #tpu.memory_space<vmem>>, vector<16xi32>,
        tpu.vector_store %arg6[%swap3A_990, %swap3A_991], %mul3A_988 {strides = array<i32>} : memref<4x128xi32, #tpu.memory_space<vmem>>, vector<16xi32>,
        %get3A_993 = arith.constant 0 : i32
        %get3A_994 = arith.index_cast %get3A_993 : i32 to index
        %get3A_995 = arith.constant 64 : index
        %get3A_996 = tpu.vector_load %arg5[%get3A_994, %get3A_995] {strides = array<i32>} : memref<1x512xi32, #tpu.memory_space<vmem>>, vector<16xi32>,
        %mul3A_997 = arith.constant 2 : i32
        %mul3A_998 = vector.broadcast %mul3A_997 : i32 to vector<16xi32>
        %mul3A_999 = arith.muli %get3A_996, %mul3A_998 : vector<16xi32>
        %swap3A_1000 = arith.constant 0 : i32
        %swap3A_1001 = arith.index_cast %swap3A_1000 : i32 to index
        %swap3A_1002 = arith.constant 64 : index
        %swap3A_1003 = tpu.vector_load %arg6[%swap3A_1001, %swap3A_1002] {strides = array<i32>} : memref<4x128xi32, #tpu.memory_space<vmem>>, vector<16xi32>,
        tpu.vector_store %arg6[%swap3A_1001, %swap3A_1002], %mul3A_999 {strides = array<i32>} : memref<4x128xi32, #tpu.memory_space<vmem>>, vector<16xi32>,
        %get3A_1004 = arith.constant 0 : i32
        %get3A_1005 = arith.index_cast %get3A_1004 : i32 to index
        %get3A_1006 = arith.constant 80 : index
        %get3A_1007 = tpu.vector_load %arg5[%get3A_1005, %get3A_1006] {strides = array<i32>} : memref<1x512xi32, #tpu.memory_space<vmem>>, vector<16xi32>,
        %mul3A_1008 = arith.constant 2 : i32
        %mul3A_1009 = vector.broadcast %mul3A_1008 : i32 to vector<16xi32>
        %mul3A_1010 = arith.muli %get3A_1007, %mul3A_1009 : vector<16xi32>
        %swap3A_1011 = arith.constant 0 : i32
        %swap3A_1012 = arith.index_cast %swap3A_1011 : i32 to index
        %swap3A_1013 = arith.constant 80 : index
        %swap3A_1014 = tpu.vector_load %arg6[%swap3A_1012, %swap3A_1013] {strides = array<i32>} : memref<4x128xi32, #tpu.memory_space<vmem>>, vector<16xi32>,
        tpu.vector_store %arg6[%swap3A_1012, %swap3A_1013], %mul3A_1010 {strides = array<i32>} : memref<4x128xi32, #tpu.memory_space<vmem>>, vector<16xi32>,
        %get3A_1015 = arith.constant 0 : i32
        %get3A_1016 = arith.index_cast %get3A_1015 : i32 to index
        %get3A_1017 = arith.constant 96 : index
        %get3A_1018 = tpu.vector_load %arg5[%get3A_1016, %get3A_1017] {strides = array<i32>} : memref<1x512xi32, #tpu.memory_space<vmem>>, vector<16xi32>,
        %mul3A_1019 = arith.constant 2 : i32
        %mul3A_1020 = vector.broadcast %mul3A_1019 : i32 to vector<16xi32>
        %mul3A_1021 = arith.muli %get3A_1018, %mul3A_1020 : vector<16xi32>
        %swap3A_1022 = arith.constant 0 : i32
        %swap3A_1023 = arith.index_cast %swap3A_1022 : i32 to index
        %swap3A_1024 = arith.constant 96 : index
        %swap3A_1025 = tpu.vector_load %arg6[%swap3A_1023, %swap3A_1024] {strides = array<i32>} : memref<4x128xi32, #tpu.memory_space<vmem>>, vector<16xi32>,
        tpu.vector_store %arg6[%swap3A_1023, %swap3A_1024], %mul3A_1021 {strides = array<i32>} : memref<4x128xi32, #tpu.memory_space<vmem>>, vector<16xi32>,
        %get3A_1026 = arith.constant 0 : i32
        %get3A_1027 = arith.index_cast %get3A_1026 : i32 to index
        %get3A_1028 = arith.constant 112 : index
        %get3A_1029 = tpu.vector_load %arg5[%get3A_1027, %get3A_1028] {strides = array<i32>} : memref<1x512xi32, #tpu.memory_space<vmem>>, vector<16xi32>,
        %mul3A_1030 = arith.constant 2 : i32
        %mul3A_1031 = vector.broadcast %mul3A_1030 : i32 to vector<16xi32>
        %mul3A_1032 = arith.muli %get3A_1029, %mul3A_1031 : vector<16xi32>
        %swap3A_1033 = arith.constant 0 : i32
        %swap3A_1034 = arith.index_cast %swap3A_1033 : i32 to index
        %swap3A_1035 = arith.constant 112 : index
        %swap3A_1036 = tpu.vector_load %arg6[%swap3A_1034, %swap3A_1035] {strides = array<i32>} : memref<4x128xi32, #tpu.memory_space<vmem>>, vector<16xi32>,
        tpu.vector_store %arg6[%swap3A_1034, %swap3A_1035], %mul3A_1032 {strides = array<i32>} : memref<4x128xi32, #tpu.memory_space<vmem>>, vector<16xi32>,
        %get3A_1037 = arith.constant 0 : i32
        %get3A_1038 = arith.index_cast %get3A_1037 : i32 to index
        %get3A_1039 = arith.constant 128 : index
        %get3A_1040 = tpu.vector_load %arg5[%get3A_1038, %get3A_1039] {strides = array<i32>} : memref<1x512xi32, #tpu.memory_space<vmem>>, vector<16xi32>,
        %mul3A_1041 = arith.constant 2 : i32
        %mul3A_1042 = vector.broadcast %mul3A_1041 : i32 to vector<16xi32>
        %mul3A_1043 = arith.muli %get3A_1040, %mul3A_1042 : vector<16xi32>
        %swap3A_1044 = arith.constant 1 : i32
        %swap3A_1045 = arith.index_cast %swap3A_1044 : i32 to index
        %swap3A_1046 = arith.constant 0 : index
        %swap3A_1047 = tpu.vector_load %arg6[%swap3A_1045, %swap3A_1046] {strides = array<i32>} : memref<4x128xi32, #tpu.memory_space<vmem>>, vector<16xi32>,
        tpu.vector_store %arg6[%swap3A_1045, %swap3A_1046], %mul3A_1043 {strides = array<i32>} : memref<4x128xi32, #tpu.memory_space<vmem>>, vector<16xi32>,
        %get3A_1048 = arith.constant 0 : i32
        %get3A_1049 = arith.index_cast %get3A_1048 : i32 to index
        %get3A_1050 = arith.constant 144 : index
        %get3A_1051 = tpu.vector_load %arg5[%get3A_1049, %get3A_1050] {strides = array<i32>} : memref<1x512xi32, #tpu.memory_space<vmem>>, vector<16xi32>,
        %mul3A_1052 = arith.constant 2 : i32
        %mul3A_1053 = vector.broadcast %mul3A_1052 : i32 to vector<16xi32>
        %mul3A_1054 = arith.muli %get3A_1051, %mul3A_1053 : vector<16xi32>
        %swap3A_1055 = arith.constant 1 : i32
        %swap3A_1056 = arith.index_cast %swap3A_1055 : i32 to index
        %swap3A_1057 = arith.constant 16 : index
        %swap3A_1058 = tpu.vector_load %arg6[%swap3A_1056, %swap3A_1057] {strides = array<i32>} : memref<4x128xi32, #tpu.memory_space<vmem>>, vector<16xi32>,
        tpu.vector_store %arg6[%swap3A_1056, %swap3A_1057], %mul3A_1054 {strides = array<i32>} : memref<4x128xi32, #tpu.memory_space<vmem>>, vector<16xi32>,
        %get3A_1059 = arith.constant 0 : i32
        %get3A_1060 = arith.index_cast %get3A_1059 : i32 to index
        %get3A_1061 = arith.constant 160 : index
        %get3A_1062 = tpu.vector_load %arg5[%get3A_1060, %get3A_1061] {strides = array<i32>} : memref<1x512xi32, #tpu.memory_space<vmem>>, vector<16xi32>,
        %mul3A_1063 = arith.constant 2 : i32
        %mul3A_1064 = vector.broadcast %mul3A_1063 : i32 to vector<16xi32>
        %mul3A_1065 = arith.muli %get3A_1062, %mul3A_1064 : vector<16xi32>
        %swap3A_1066 = arith.constant 1 : i32
        %swap3A_1067 = arith.index_cast %swap3A_1066 : i32 to index
        %swap3A_1068 = arith.constant 32 : index
        %swap3A_1069 = tpu.vector_load %arg6[%swap3A_1067, %swap3A_1068] {strides = array<i32>} : memref<4x128xi32, #tpu.memory_space<vmem>>, vector<16xi32>,
        tpu.vector_store %arg6[%swap3A_1067, %swap3A_1068], %mul3A_1065 {strides = array<i32>} : memref<4x128xi32, #tpu.memory_space<vmem>>, vector<16xi32>,
        %get3A_1070 = arith.constant 0 : i32
        %get3A_1071 = arith.index_cast %get3A_1070 : i32 to index
        %get3A_1072 = arith.constant 176 : index
        %get3A_1073 = tpu.vector_load %arg5[%get3A_1071, %get3A_1072] {strides = array<i32>} : memref<1x512xi32, #tpu.memory_space<vmem>>, vector<16xi32>,
        %mul3A_1074 = arith.constant 2 : i32
        %mul3A_1075 = vector.broadcast %mul3A_1074 : i32 to vector<16xi32>
        %mul3A_1076 = arith.muli %get3A_1073, %mul3A_1075 : vector<16xi32>
        %swap3A_1077 = arith.constant 1 : i32
        %swap3A_1078 = arith.index_cast %swap3A_1077 : i32 to index
        %swap3A_1079 = arith.constant 48 : index
        %swap3A_1080 = tpu.vector_load %arg6[%swap3A_1078, %swap3A_1079] {strides = array<i32>} : memref<4x128xi32, #tpu.memory_space<vmem>>, vector<16xi32>,
        tpu.vector_store %arg6[%swap3A_1078, %swap3A_1079], %mul3A_1076 {strides = array<i32>} : memref<4x128xi32, #tpu.memory_space<vmem>>, vector<16xi32>,
        %get3A_1081 = arith.constant 0 : i32
        %get3A_1082 = arith.index_cast %get3A_1081 : i32 to index
        %get3A_1083 = arith.constant 192 : index
        %get3A_1084 = tpu.vector_load %arg5[%get3A_1082, %get3A_1083] {strides = array<i32>} : memref<1x512xi32, #tpu.memory_space<vmem>>, vector<16xi32>,
        %mul3A_1085 = arith.constant 2 : i32
        %mul3A_1086 = vector.broadcast %mul3A_1085 : i32 to vector<16xi32>
        %mul3A_1087 = arith.muli %get3A_1084, %mul3A_1086 : vector<16xi32>
        %swap3A_1088 = arith.constant 1 : i32
        %swap3A_1089 = arith.index_cast %swap3A_1088 : i32 to index
        %swap3A_1090 = arith.constant 64 : index
        %swap3A_1091 = tpu.vector_load %arg6[%swap3A_1089, %swap3A_1090] {strides = array<i32>} : memref<4x128xi32, #tpu.memory_space<vmem>>, vector<16xi32>,
        tpu.vector_store %arg6[%swap3A_1089, %swap3A_1090], %mul3A_1087 {strides = array<i32>} : memref<4x128xi32, #tpu.memory_space<vmem>>, vector<16xi32>,
        %get3A_1092 = arith.constant 0 : i32
        %get3A_1093 = arith.index_cast %get3A_1092 : i32 to index
        %get3A_1094 = arith.constant 208 : index
        %get3A_1095 = tpu.vector_load %arg5[%get3A_1093, %get3A_1094] {strides = array<i32>} : memref<1x512xi32, #tpu.memory_space<vmem>>, vector<16xi32>,
        %mul3A_1096 = arith.constant 2 : i32
        %mul3A_1097 = vector.broadcast %mul3A_1096 : i32 to vector<16xi32>
        %mul3A_1098 = arith.muli %get3A_1095, %mul3A_1097 : vector<16xi32>
        %swap3A_1099 = arith.constant 1 : i32
        %swap3A_1100 = arith.index_cast %swap3A_1099 : i32 to index
        %swap3A_1101 = arith.constant 80 : index
        %swap3A_1102 = tpu.vector_load %arg6[%swap3A_1100, %swap3A_1101] {strides = array<i32>} : memref<4x128xi32, #tpu.memory_space<vmem>>, vector<16xi32>,
        tpu.vector_store %arg6[%swap3A_1100, %swap3A_1101], %mul3A_1098 {strides = array<i32>} : memref<4x128xi32, #tpu.memory_space<vmem>>, vector<16xi32>,
        %get3A_1103 = arith.constant 0 : i32
        %get3A_1104 = arith.index_cast %get3A_1103 : i32 to index
        %get3A_1105 = arith.constant 224 : index
        %get3A_1106 = tpu.vector_load %arg5[%get3A_1104, %get3A_1105] {strides = array<i32>} : memref<1x512xi32, #tpu.memory_space<vmem>>, vector<16xi32>,
        %mul3A_1107 = arith.constant 2 : i32
        %mul3A_1108 = vector.broadcast %mul3A_1107 : i32 to vector<16xi32>
        %mul3A_1109 = arith.muli %get3A_1106, %mul3A_1108 : vector<16xi32>
        %swap3A_1110 = arith.constant 1 : i32
        %swap3A_1111 = arith.index_cast %swap3A_1110 : i32 to index
        %swap3A_1112 = arith.constant 96 : index
        %swap3A_1113 = tpu.vector_load %arg6[%swap3A_1111, %swap3A_1112] {strides = array<i32>} : memref<4x128xi32, #tpu.memory_space<vmem>>, vector<16xi32>,
        tpu.vector_store %arg6[%swap3A_1111, %swap3A_1112], %mul3A_1109 {strides = array<i32>} : memref<4x128xi32, #tpu.memory_space<vmem>>, vector<16xi32>,
        %get3A_1114 = arith.constant 0 : i32
        %get3A_1115 = arith.index_cast %get3A_1114 : i32 to index
        %get3A_1116 = arith.constant 240 : index
        %get3A_1117 = tpu.vector_load %arg5[%get3A_1115, %get3A_1116] {strides = array<i32>} : memref<1x512xi32, #tpu.memory_space<vmem>>, vector<16xi32>,
        %mul3A_1118 = arith.constant 2 : i32
        %mul3A_1119 = vector.broadcast %mul3A_1118 : i32 to vector<16xi32>
        %mul3A_1120 = arith.muli %get3A_1117, %mul3A_1119 : vector<16xi32>
        %swap3A_1121 = arith.constant 1 : i32
        %swap3A_1122 = arith.index_cast %swap3A_1121 : i32 to index
        %swap3A_1123 = arith.constant 112 : index
        %swap3A_1124 = tpu.vector_load %arg6[%swap3A_1122, %swap3A_1123] {strides = array<i32>} : memref<4x128xi32, #tpu.memory_space<vmem>>, vector<16xi32>,
        tpu.vector_store %arg6[%swap3A_1122, %swap3A_1123], %mul3A_1120 {strides = array<i32>} : memref<4x128xi32, #tpu.memory_space<vmem>>, vector<16xi32>,
        %get3A_1125 = arith.constant 0 : i32
        %get3A_1126 = arith.index_cast %get3A_1125 : i32 to index
        %get3A_1127 = arith.constant 256 : index
        %get3A_1128 = tpu.vector_load %arg5[%get3A_1126, %get3A_1127] {strides = array<i32>} : memref<1x512xi32, #tpu.memory_space<vmem>>, vector<16xi32>,
        %mul3A_1129 = arith.constant 2 : i32
        %mul3A_1130 = vector.broadcast %mul3A_1129 : i32 to vector<16xi32>
        %mul3A_1131 = arith.muli %get3A_1128, %mul3A_1130 : vector<16xi32>
        %swap3A_1132 = arith.constant 2 : i32
        %swap3A_1133 = arith.index_cast %swap3A_1132 : i32 to index
        %swap3A_1134 = arith.constant 0 : index
        %swap3A_1135 = tpu.vector_load %arg6[%swap3A_1133, %swap3A_1134] {strides = array<i32>} : memref<4x128xi32, #tpu.memory_space<vmem>>, vector<16xi32>,
        tpu.vector_store %arg6[%swap3A_1133, %swap3A_1134], %mul3A_1131 {strides = array<i32>} : memref<4x128xi32, #tpu.memory_space<vmem>>, vector<16xi32>,
        %get3A_1136 = arith.constant 0 : i32
        %get3A_1137 = arith.index_cast %get3A_1136 : i32 to index
        %get3A_1138 = arith.constant 272 : index
        %get3A_1139 = tpu.vector_load %arg5[%get3A_1137, %get3A_1138] {strides = array<i32>} : memref<1x512xi32, #tpu.memory_space<vmem>>, vector<16xi32>,
        %mul3A_1140 = arith.constant 2 : i32
        %mul3A_1141 = vector.broadcast %mul3A_1140 : i32 to vector<16xi32>
        %mul3A_1142 = arith.muli %get3A_1139, %mul3A_1141 : vector<16xi32>
        %swap3A_1143 = arith.constant 2 : i32
        %swap3A_1144 = arith.index_cast %swap3A_1143 : i32 to index
        %swap3A_1145 = arith.constant 16 : index
        %swap3A_1146 = tpu.vector_load %arg6[%swap3A_1144, %swap3A_1145] {strides = array<i32>} : memref<4x128xi32, #tpu.memory_space<vmem>>, vector<16xi32>,
        tpu.vector_store %arg6[%swap3A_1144, %swap3A_1145], %mul3A_1142 {strides = array<i32>} : memref<4x128xi32, #tpu.memory_space<vmem>>, vector<16xi32>,
        %get3A_1147 = arith.constant 0 : i32
        %get3A_1148 = arith.index_cast %get3A_1147 : i32 to index
        %get3A_1149 = arith.constant 288 : index
        %get3A_1150 = tpu.vector_load %arg5[%get3A_1148, %get3A_1149] {strides = array<i32>} : memref<1x512xi32, #tpu.memory_space<vmem>>, vector<16xi32>,
        %mul3A_1151 = arith.constant 2 : i32
        %mul3A_1152 = vector.broadcast %mul3A_1151 : i32 to vector<16xi32>
        %mul3A_1153 = arith.muli %get3A_1150, %mul3A_1152 : vector<16xi32>
        %swap3A_1154 = arith.constant 2 : i32
        %swap3A_1155 = arith.index_cast %swap3A_1154 : i32 to index
        %swap3A_1156 = arith.constant 32 : index
        %swap3A_1157 = tpu.vector_load %arg6[%swap3A_1155, %swap3A_1156] {strides = array<i32>} : memref<4x128xi32, #tpu.memory_space<vmem>>, vector<16xi32>,
        tpu.vector_store %arg6[%swap3A_1155, %swap3A_1156], %mul3A_1153 {strides = array<i32>} : memref<4x128xi32, #tpu.memory_space<vmem>>, vector<16xi32>,
        %get3A_1158 = arith.constant 0 : i32
        %get3A_1159 = arith.index_cast %get3A_1158 : i32 to index
        %get3A_1160 = arith.constant 304 : index
        %get3A_1161 = tpu.vector_load %arg5[%get3A_1159, %get3A_1160] {strides = array<i32>} : memref<1x512xi32, #tpu.memory_space<vmem>>, vector<16xi32>,
        %mul3A_1162 = arith.constant 2 : i32
        %mul3A_1163 = vector.broadcast %mul3A_1162 : i32 to vector<16xi32>
        %mul3A_1164 = arith.muli %get3A_1161, %mul3A_1163 : vector<16xi32>
        %swap3A_1165 = arith.constant 2 : i32
        %swap3A_1166 = arith.index_cast %swap3A_1165 : i32 to index
        %swap3A_1167 = arith.constant 48 : index
        %swap3A_1168 = tpu.vector_load %arg6[%swap3A_1166, %swap3A_1167] {strides = array<i32>} : memref<4x128xi32, #tpu.memory_space<vmem>>, vector<16xi32>,
        tpu.vector_store %arg6[%swap3A_1166, %swap3A_1167], %mul3A_1164 {strides = array<i32>} : memref<4x128xi32, #tpu.memory_space<vmem>>, vector<16xi32>,
        %get3A_1169 = arith.constant 0 : i32
        %get3A_1170 = arith.index_cast %get3A_1169 : i32 to index
        %get3A_1171 = arith.constant 320 : index
        %get3A_1172 = tpu.vector_load %arg5[%get3A_1170, %get3A_1171] {strides = array<i32>} : memref<1x512xi32, #tpu.memory_space<vmem>>, vector<16xi32>,
        %mul3A_1173 = arith.constant 2 : i32
        %mul3A_1174 = vector.broadcast %mul3A_1173 : i32 to vector<16xi32>
        %mul3A_1175 = arith.muli %get3A_1172, %mul3A_1174 : vector<16xi32>
        %swap3A_1176 = arith.constant 2 : i32
        %swap3A_1177 = arith.index_cast %swap3A_1176 : i32 to index
        %swap3A_1178 = arith.constant 64 : index
        %swap3A_1179 = tpu.vector_load %arg6[%swap3A_1177, %swap3A_1178] {strides = array<i32>} : memref<4x128xi32, #tpu.memory_space<vmem>>, vector<16xi32>,
        tpu.vector_store %arg6[%swap3A_1177, %swap3A_1178], %mul3A_1175 {strides = array<i32>} : memref<4x128xi32, #tpu.memory_space<vmem>>, vector<16xi32>,
        %get3A_1180 = arith.constant 0 : i32
        %get3A_1181 = arith.index_cast %get3A_1180 : i32 to index
        %get3A_1182 = arith.constant 336 : index
        %get3A_1183 = tpu.vector_load %arg5[%get3A_1181, %get3A_1182] {strides = array<i32>} : memref<1x512xi32, #tpu.memory_space<vmem>>, vector<16xi32>,
        %mul3A_1184 = arith.constant 2 : i32
        %mul3A_1185 = vector.broadcast %mul3A_1184 : i32 to vector<16xi32>
        %mul3A_1186 = arith.muli %get3A_1183, %mul3A_1185 : vector<16xi32>
        %swap3A_1187 = arith.constant 2 : i32
        %swap3A_1188 = arith.index_cast %swap3A_1187 : i32 to index
        %swap3A_1189 = arith.constant 80 : index
        %swap3A_1190 = tpu.vector_load %arg6[%swap3A_1188, %swap3A_1189] {strides = array<i32>} : memref<4x128xi32, #tpu.memory_space<vmem>>, vector<16xi32>,
        tpu.vector_store %arg6[%swap3A_1188, %swap3A_1189], %mul3A_1186 {strides = array<i32>} : memref<4x128xi32, #tpu.memory_space<vmem>>, vector<16xi32>,
        %get3A_1191 = arith.constant 0 : i32
        %get3A_1192 = arith.index_cast %get3A_1191 : i32 to index
        %get3A_1193 = arith.constant 352 : index
        %get3A_1194 = tpu.vector_load %arg5[%get3A_1192, %get3A_1193] {strides = array<i32>} : memref<1x512xi32, #tpu.memory_space<vmem>>, vector<16xi32>,
        %mul3A_1195 = arith.constant 2 : i32
        %mul3A_1196 = vector.broadcast %mul3A_1195 : i32 to vector<16xi32>
        %mul3A_1197 = arith.muli %get3A_1194, %mul3A_1196 : vector<16xi32>
        %swap3A_1198 = arith.constant 2 : i32
        %swap3A_1199 = arith.index_cast %swap3A_1198 : i32 to index
        %swap3A_1200 = arith.constant 96 : index
        %swap3A_1201 = tpu.vector_load %arg6[%swap3A_1199, %swap3A_1200] {strides = array<i32>} : memref<4x128xi32, #tpu.memory_space<vmem>>, vector<16xi32>,
        tpu.vector_store %arg6[%swap3A_1199, %swap3A_1200], %mul3A_1197 {strides = array<i32>} : memref<4x128xi32, #tpu.memory_space<vmem>>, vector<16xi32>,
        %get3A_1202 = arith.constant 0 : i32
        %get3A_1203 = arith.index_cast %get3A_1202 : i32 to index
        %get3A_1204 = arith.constant 368 : index
        %get3A_1205 = tpu.vector_load %arg5[%get3A_1203, %get3A_1204] {strides = array<i32>} : memref<1x512xi32, #tpu.memory_space<vmem>>, vector<16xi32>,
        %mul3A_1206 = arith.constant 2 : i32
        %mul3A_1207 = vector.broadcast %mul3A_1206 : i32 to vector<16xi32>
        %mul3A_1208 = arith.muli %get3A_1205, %mul3A_1207 : vector<16xi32>
        %swap3A_1209 = arith.constant 2 : i32
        %swap3A_1210 = arith.index_cast %swap3A_1209 : i32 to index
        %swap3A_1211 = arith.constant 112 : index
        %swap3A_1212 = tpu.vector_load %arg6[%swap3A_1210, %swap3A_1211] {strides = array<i32>} : memref<4x128xi32, #tpu.memory_space<vmem>>, vector<16xi32>,
        tpu.vector_store %arg6[%swap3A_1210, %swap3A_1211], %mul3A_1208 {strides = array<i32>} : memref<4x128xi32, #tpu.memory_space<vmem>>, vector<16xi32>,
        %get3A_1213 = arith.constant 0 : i32
        %get3A_1214 = arith.index_cast %get3A_1213 : i32 to index
        %get3A_1215 = arith.constant 384 : index
        %get3A_1216 = tpu.vector_load %arg5[%get3A_1214, %get3A_1215] {strides = array<i32>} : memref<1x512xi32, #tpu.memory_space<vmem>>, vector<16xi32>,
        %mul3A_1217 = arith.constant 2 : i32
        %mul3A_1218 = vector.broadcast %mul3A_1217 : i32 to vector<16xi32>
        %mul3A_1219 = arith.muli %get3A_1216, %mul3A_1218 : vector<16xi32>
        %swap3A_1220 = arith.constant 3 : i32
        %swap3A_1221 = arith.index_cast %swap3A_1220 : i32 to index
        %swap3A_1222 = arith.constant 0 : index
        %swap3A_1223 = tpu.vector_load %arg6[%swap3A_1221, %swap3A_1222] {strides = array<i32>} : memref<4x128xi32, #tpu.memory_space<vmem>>, vector<16xi32>,
        tpu.vector_store %arg6[%swap3A_1221, %swap3A_1222], %mul3A_1219 {strides = array<i32>} : memref<4x128xi32, #tpu.memory_space<vmem>>, vector<16xi32>,
        %get3A_1224 = arith.constant 0 : i32
        %get3A_1225 = arith.index_cast %get3A_1224 : i32 to index
        %get3A_1226 = arith.constant 400 : index
        %get3A_1227 = tpu.vector_load %arg5[%get3A_1225, %get3A_1226] {strides = array<i32>} : memref<1x512xi32, #tpu.memory_space<vmem>>, vector<16xi32>,
        %mul3A_1228 = arith.constant 2 : i32
        %mul3A_1229 = vector.broadcast %mul3A_1228 : i32 to vector<16xi32>
        %mul3A_1230 = arith.muli %get3A_1227, %mul3A_1229 : vector<16xi32>
        %swap3A_1231 = arith.constant 3 : i32
        %swap3A_1232 = arith.index_cast %swap3A_1231 : i32 to index
        %swap3A_1233 = arith.constant 16 : index
        %swap3A_1234 = tpu.vector_load %arg6[%swap3A_1232, %swap3A_1233] {strides = array<i32>} : memref<4x128xi32, #tpu.memory_space<vmem>>, vector<16xi32>,
        tpu.vector_store %arg6[%swap3A_1232, %swap3A_1233], %mul3A_1230 {strides = array<i32>} : memref<4x128xi32, #tpu.memory_space<vmem>>, vector<16xi32>,
        %get3A_1235 = arith.constant 0 : i32
        %get3A_1236 = arith.index_cast %get3A_1235 : i32 to index
        %get3A_1237 = arith.constant 416 : index
        %get3A_1238 = tpu.vector_load %arg5[%get3A_1236, %get3A_1237] {strides = array<i32>} : memref<1x512xi32, #tpu.memory_space<vmem>>, vector<16xi32>,
        %mul3A_1239 = arith.constant 2 : i32
        %mul3A_1240 = vector.broadcast %mul3A_1239 : i32 to vector<16xi32>
        %mul3A_1241 = arith.muli %get3A_1238, %mul3A_1240 : vector<16xi32>
        %swap3A_1242 = arith.constant 3 : i32
        %swap3A_1243 = arith.index_cast %swap3A_1242 : i32 to index
        %swap3A_1244 = arith.constant 32 : index
        %swap3A_1245 = tpu.vector_load %arg6[%swap3A_1243, %swap3A_1244] {strides = array<i32>} : memref<4x128xi32, #tpu.memory_space<vmem>>, vector<16xi32>,
        tpu.vector_store %arg6[%swap3A_1243, %swap3A_1244], %mul3A_1241 {strides = array<i32>} : memref<4x128xi32, #tpu.memory_space<vmem>>, vector<16xi32>,
        %get3A_1246 = arith.constant 0 : i32
        %get3A_1247 = arith.index_cast %get3A_1246 : i32 to index
        %get3A_1248 = arith.constant 432 : index
        %get3A_1249 = tpu.vector_load %arg5[%get3A_1247, %get3A_1248] {strides = array<i32>} : memref<1x512xi32, #tpu.memory_space<vmem>>, vector<16xi32>,
        %mul3A_1250 = arith.constant 2 : i32
        %mul3A_1251 = vector.broadcast %mul3A_1250 : i32 to vector<16xi32>
        %mul3A_1252 = arith.muli %get3A_1249, %mul3A_1251 : vector<16xi32>
        %swap3A_1253 = arith.constant 3 : i32
        %swap3A_1254 = arith.index_cast %swap3A_1253 : i32 to index
        %swap3A_1255 = arith.constant 48 : index
        %swap3A_1256 = tpu.vector_load %arg6[%swap3A_1254, %swap3A_1255] {strides = array<i32>} : memref<4x128xi32, #tpu.memory_space<vmem>>, vector<16xi32>,
        tpu.vector_store %arg6[%swap3A_1254, %swap3A_1255], %mul3A_1252 {strides = array<i32>} : memref<4x128xi32, #tpu.memory_space<vmem>>, vector<16xi32>,
        %get3A_1257 = arith.constant 0 : i32
        %get3A_1258 = arith.index_cast %get3A_1257 : i32 to index
        %get3A_1259 = arith.constant 448 : index
        %get3A_1260 = tpu.vector_load %arg5[%get3A_1258, %get3A_1259] {strides = array<i32>} : memref<1x512xi32, #tpu.memory_space<vmem>>, vector<16xi32>,
        %mul3A_1261 = arith.constant 2 : i32
        %mul3A_1262 = vector.broadcast %mul3A_1261 : i32 to vector<16xi32>
        %mul3A_1263 = arith.muli %get3A_1260, %mul3A_1262 : vector<16xi32>
        %swap3A_1264 = arith.constant 3 : i32
        %swap3A_1265 = arith.index_cast %swap3A_1264 : i32 to index
        %swap3A_1266 = arith.constant 64 : index
        %swap3A_1267 = tpu.vector_load %arg6[%swap3A_1265, %swap3A_1266] {strides = array<i32>} : memref<4x128xi32, #tpu.memory_space<vmem>>, vector<16xi32>,
        tpu.vector_store %arg6[%swap3A_1265, %swap3A_1266], %mul3A_1263 {strides = array<i32>} : memref<4x128xi32, #tpu.memory_space<vmem>>, vector<16xi32>,
        %get3A_1268 = arith.constant 0 : i32
        %get3A_1269 = arith.index_cast %get3A_1268 : i32 to index
        %get3A_1270 = arith.constant 464 : index
        %get3A_1271 = tpu.vector_load %arg5[%get3A_1269, %get3A_1270] {strides = array<i32>} : memref<1x512xi32, #tpu.memory_space<vmem>>, vector<16xi32>,
        %mul3A_1272 = arith.constant 2 : i32
        %mul3A_1273 = vector.broadcast %mul3A_1272 : i32 to vector<16xi32>
        %mul3A_1274 = arith.muli %get3A_1271, %mul3A_1273 : vector<16xi32>
        %swap3A_1275 = arith.constant 3 : i32
        %swap3A_1276 = arith.index_cast %swap3A_1275 : i32 to index
        %swap3A_1277 = arith.constant 80 : index
        %swap3A_1278 = tpu.vector_load %arg6[%swap3A_1276, %swap3A_1277] {strides = array<i32>} : memref<4x128xi32, #tpu.memory_space<vmem>>, vector<16xi32>,
        tpu.vector_store %arg6[%swap3A_1276, %swap3A_1277], %mul3A_1274 {strides = array<i32>} : memref<4x128xi32, #tpu.memory_space<vmem>>, vector<16xi32>,
        %get3A_1279 = arith.constant 0 : i32
        %get3A_1280 = arith.index_cast %get3A_1279 : i32 to index
        %get3A_1281 = arith.constant 480 : index
        %get3A_1282 = tpu.vector_load %arg5[%get3A_1280, %get3A_1281] {strides = array<i32>} : memref<1x512xi32, #tpu.memory_space<vmem>>, vector<16xi32>,
        %mul3A_1283 = arith.constant 2 : i32
        %mul3A_1284 = vector.broadcast %mul3A_1283 : i32 to vector<16xi32>
        %mul3A_1285 = arith.muli %get3A_1282, %mul3A_1284 : vector<16xi32>
        %swap3A_1286 = arith.constant 3 : i32
        %swap3A_1287 = arith.index_cast %swap3A_1286 : i32 to index
        %swap3A_1288 = arith.constant 96 : index
        %swap3A_1289 = tpu.vector_load %arg6[%swap3A_1287, %swap3A_1288] {strides = array<i32>} : memref<4x128xi32, #tpu.memory_space<vmem>>, vector<16xi32>,
        tpu.vector_store %arg6[%swap3A_1287, %swap3A_1288], %mul3A_1285 {strides = array<i32>} : memref<4x128xi32, #tpu.memory_space<vmem>>, vector<16xi32>,
        %get3A_1290 = arith.constant 0 : i32
        %get3A_1291 = arith.index_cast %get3A_1290 : i32 to index
        %get3A_1292 = arith.constant 496 : index
        %get3A_1293 = tpu.vector_load %arg5[%get3A_1291, %get3A_1292] {strides = array<i32>} : memref<1x512xi32, #tpu.memory_space<vmem>>, vector<16xi32>,
        %mul3A_1294 = arith.constant 2 : i32
        %mul3A_1295 = vector.broadcast %mul3A_1294 : i32 to vector<16xi32>
        %mul3A_1296 = arith.muli %get3A_1293, %mul3A_1295 : vector<16xi32>
        %swap3A_1297 = arith.constant 3 : i32
        %swap3A_1298 = arith.index_cast %swap3A_1297 : i32 to index
        %swap3A_1299 = arith.constant 112 : index
        %swap3A_1300 = tpu.vector_load %arg6[%swap3A_1298, %swap3A_1299] {strides = array<i32>} : memref<4x128xi32, #tpu.memory_space<vmem>>, vector<16xi32>,
        tpu.vector_store %arg6[%swap3A_1298, %swap3A_1299], %mul3A_1296 {strides = array<i32>} : memref<4x128xi32, #tpu.memory_space<vmem>>, vector<16xi32>,
        %dma_start3A_1301 = arith.constant 0 : i32
        %dma_start3A_1302 = arith.constant 0 : i32
        %dma_start3A_1303 = arith.constant 0 : i32
        %dma_start3A_1304 = tpu.memref_slice %arg7[%dma_start3A_1302, %dma_start3A_1303] : memref<512x64xf32, #tpu.memory_space<vmem>> -> memref<128x64xf32, #tpu.memory_space<vmem>>
        %dma_start3A_1305 = arith.constant 0 : i32
        %dma_start3A_1306 = tpu.memref_slice %arg6[%dma_start3A_1301, %dma_start3A_1305] : memref<4x128xi32, #tpu.memory_space<vmem>> -> memref<1x128xi32, #tpu.memory_space<vmem>>
        %dma_start3A_1307 = tpu.memref_squeeze %dma_start3A_1306 : memref<1x128xi32, #tpu.memory_space<vmem>> -> memref<128xi32, #tpu.memory_space<vmem>>
        %dma_start3A_1308 = arith.constant 0 : i32
        %dma_start3A_1309 = arith.constant 0 : i32
        %dma_start3A_1310 = tpu.memref_slice %arg3[%dma_start3A_1308, %dma_start3A_1309] : memref<2000000x64xf32, #tpu.memory_space<hbm>> -> memref<2000000x64xf32, #tpu.memory_space<hbm>>
        tpu.enqueue_indirect_dma source(%dma_start3A_1310 : memref<2000000x64xf32, #tpu.memory_space<hbm>>) target(%dma_start3A_1304 : memref<128x64xf32, #tpu.memory_space<vmem>>) offsets(%dma_start3A_1307 : memref<128xi32, #tpu.memory_space<vmem>>) semaphore(%arg10 : memref<!tpu.dma_semaphore, #tpu.memory_space<semaphore_mem>>)
        %dma_start3A_1311 = arith.constant 1 : i32
        %dma_start3A_1312 = arith.constant 128 : i32
        %dma_start3A_1313 = arith.constant 0 : i32
        %dma_start3A_1314 = tpu.memref_slice %arg7[%dma_start3A_1312, %dma_start3A_1313] : memref<512x64xf32, #tpu.memory_space<vmem>> -> memref<128x64xf32, #tpu.memory_space<vmem>>
        %dma_start3A_1315 = arith.constant 0 : i32
        %dma_start3A_1316 = tpu.memref_slice %arg6[%dma_start3A_1311, %dma_start3A_1315] : memref<4x128xi32, #tpu.memory_space<vmem>> -> memref<1x128xi32, #tpu.memory_space<vmem>>
        %dma_start3A_1317 = tpu.memref_squeeze %dma_start3A_1316 : memref<1x128xi32, #tpu.memory_space<vmem>> -> memref<128xi32, #tpu.memory_space<vmem>>
        %dma_start3A_1318 = arith.constant 0 : i32
        %dma_start3A_1319 = arith.constant 0 : i32
        %dma_start3A_1320 = tpu.memref_slice %arg3[%dma_start3A_1318, %dma_start3A_1319] : memref<2000000x64xf32, #tpu.memory_space<hbm>> -> memref<2000000x64xf32, #tpu.memory_space<hbm>>
        tpu.enqueue_indirect_dma source(%dma_start3A_1320 : memref<2000000x64xf32, #tpu.memory_space<hbm>>) target(%dma_start3A_1314 : memref<128x64xf32, #tpu.memory_space<vmem>>) offsets(%dma_start3A_1317 : memref<128xi32, #tpu.memory_space<vmem>>) semaphore(%arg10 : memref<!tpu.dma_semaphore, #tpu.memory_space<semaphore_mem>>)
        %dma_start3A_1321 = arith.constant 2 : i32
        %dma_start3A_1322 = arith.constant 256 : i32
        %dma_start3A_1323 = arith.constant 0 : i32
        %dma_start3A_1324 = tpu.memref_slice %arg7[%dma_start3A_1322, %dma_start3A_1323] : memref<512x64xf32, #tpu.memory_space<vmem>> -> memref<128x64xf32, #tpu.memory_space<vmem>>
        %dma_start3A_1325 = arith.constant 0 : i32
        %dma_start3A_1326 = tpu.memref_slice %arg6[%dma_start3A_1321, %dma_start3A_1325] : memref<4x128xi32, #tpu.memory_space<vmem>> -> memref<1x128xi32, #tpu.memory_space<vmem>>
        %dma_start3A_1327 = tpu.memref_squeeze %dma_start3A_1326 : memref<1x128xi32, #tpu.memory_space<vmem>> -> memref<128xi32, #tpu.memory_space<vmem>>
        %dma_start3A_1328 = arith.constant 0 : i32
        %dma_start3A_1329 = arith.constant 0 : i32
        %dma_start3A_1330 = tpu.memref_slice %arg3[%dma_start3A_1328, %dma_start3A_1329] : memref<2000000x64xf32, #tpu.memory_space<hbm>> -> memref<2000000x64xf32, #tpu.memory_space<hbm>>
        tpu.enqueue_indirect_dma source(%dma_start3A_1330 : memref<2000000x64xf32, #tpu.memory_space<hbm>>) target(%dma_start3A_1324 : memref<128x64xf32, #tpu.memory_space<vmem>>) offsets(%dma_start3A_1327 : memref<128xi32, #tpu.memory_space<vmem>>) semaphore(%arg10 : memref<!tpu.dma_semaphore, #tpu.memory_space<semaphore_mem>>)
        %dma_start3A_1331 = arith.constant 3 : i32
        %dma_start3A_1332 = arith.constant 384 : i32
        %dma_start3A_1333 = arith.constant 0 : i32
        %dma_start3A_1334 = tpu.memref_slice %arg7[%dma_start3A_1332, %dma_start3A_1333] : memref<512x64xf32, #tpu.memory_space<vmem>> -> memref<128x64xf32, #tpu.memory_space<vmem>>
        %dma_start3A_1335 = arith.constant 0 : i32
        %dma_start3A_1336 = tpu.memref_slice %arg6[%dma_start3A_1331, %dma_start3A_1335] : memref<4x128xi32, #tpu.memory_space<vmem>> -> memref<1x128xi32, #tpu.memory_space<vmem>>
        %dma_start3A_1337 = tpu.memref_squeeze %dma_start3A_1336 : memref<1x128xi32, #tpu.memory_space<vmem>> -> memref<128xi32, #tpu.memory_space<vmem>>
        %dma_start3A_1338 = arith.constant 0 : i32
        %dma_start3A_1339 = arith.constant 0 : i32
        %dma_start3A_1340 = tpu.memref_slice %arg3[%dma_start3A_1338, %dma_start3A_1339] : memref<2000000x64xf32, #tpu.memory_space<hbm>> -> memref<2000000x64xf32, #tpu.memory_space<hbm>>
        tpu.enqueue_indirect_dma source(%dma_start3A_1340 : memref<2000000x64xf32, #tpu.memory_space<hbm>>) target(%dma_start3A_1334 : memref<128x64xf32, #tpu.memory_space<vmem>>) offsets(%dma_start3A_1337 : memref<128xi32, #tpu.memory_space<vmem>>) semaphore(%arg10 : memref<!tpu.dma_semaphore, #tpu.memory_space<semaphore_mem>>)
      } else {
      }
      %gt3A = arith.constant 0 : i32
      %gt3A_730 = arith.cmpi sgt, %scan3A_643, %gt3A : i32
      %convert_element_type3A_731 = arith.extui %gt3A_730 : i1 to i32
      %cond3A_732 = arith.constant 0 : i32
      %cond3A_733 = arith.cmpi ne, %convert_element_type3A_731, %cond3A_732 : i32
      scf.if %cond3A_733 {
        %mul3A_905 = arith.constant 1024 : i32
        %mul3A_906 = arith.muli %select_n3A_668, %mul3A_905 : i32
        %add3A_907 = arith.constant 0 : i32
        %add3A_908 = arith.addi %mul3A_906, %add3A_907 : i32
        %mul3A_909 = arith.constant 4 : i32
        %mul3A_910 = arith.muli %select_n3A_684, %mul3A_909 : i32
        %add3A_911 = arith.addi %add3A_908, %mul3A_910 : i32
        %dma_wait3A_912 = arith.constant 0 : i32
        %dma_wait3A_913 = arith.constant 0 : i32
        %dma_wait3A_914 = arith.constant 0 : i32
        %dma_wait3A_915 = tpu.memref_slice %arg9[%dma_wait3A_912, %dma_wait3A_913, %dma_wait3A_914] : memref<32x8x128xf32, #tpu.memory_space<vmem>> -> memref<4x8x128xf32, #tpu.memory_space<vmem>>
        %dma_wait3A_916 = arith.constant 0 : i32
        %dma_wait3A_917 = arith.constant 0 : i32
        %dma_wait3A_918 = tpu.memref_slice %arg4[%add3A_911, %dma_wait3A_916, %dma_wait3A_917] : memref<51200x8x128xf32, #tpu.memory_space<hbm>> -> memref<4x8x128xf32, #tpu.memory_space<hbm>>
        %dma_wait3A_919 = arith.constant 0 : i32
        %dma_wait3A_920 = arith.constant 0 : i32
        %dma_wait3A_921 = tpu.memref_slice %arg4[%add3A_911, %dma_wait3A_919, %dma_wait3A_920] : memref<51200x8x128xf32, #tpu.memory_space<hbm>> -> memref<4x8x128xf32, #tpu.memory_space<hbm>>
        %dma_wait3A_922 = arith.constant 0 : i32
        %dma_wait3A_923 = arith.constant 0 : i32
        %dma_wait3A_924 = arith.constant 0 : i32
        %dma_wait3A_925 = tpu.memref_slice %arg9[%dma_wait3A_922, %dma_wait3A_923, %dma_wait3A_924] : memref<32x8x128xf32, #tpu.memory_space<vmem>> -> memref<4x8x128xf32, #tpu.memory_space<vmem>>
        tpu.wait_dma2 semaphore(%arg11 : memref<!tpu.dma_semaphore, #tpu.memory_space<semaphore_mem>>) src(%dma_wait3A_925 : memref<4x8x128xf32, #tpu.memory_space<vmem>>) dst(%dma_wait3A_921 : memref<4x8x128xf32, #tpu.memory_space<hbm>>)
        %mul3A_926 = arith.constant 1024 : i32
        %mul3A_927 = arith.muli %select_n3A_668, %mul3A_926 : i32
        %add3A_928 = arith.constant 128 : i32
        %add3A_929 = arith.addi %mul3A_927, %add3A_928 : i32
        %mul3A_930 = arith.constant 4 : i32
        %mul3A_931 = arith.muli %select_n3A_684, %mul3A_930 : i32
        %add3A_932 = arith.addi %add3A_929, %mul3A_931 : i32
        %dma_wait3A_933 = arith.constant 4 : i32
        %dma_wait3A_934 = arith.constant 0 : i32
        %dma_wait3A_935 = arith.constant 0 : i32
        %dma_wait3A_936 = tpu.memref_slice %arg9[%dma_wait3A_933, %dma_wait3A_934, %dma_wait3A_935] : memref<32x8x128xf32, #tpu.memory_space<vmem>> -> memref<4x8x128xf32, #tpu.memory_space<vmem>>
        %dma_wait3A_937 = arith.constant 0 : i32
        %dma_wait3A_938 = arith.constant 0 : i32
        %dma_wait3A_939 = tpu.memref_slice %arg4[%add3A_932, %dma_wait3A_937, %dma_wait3A_938] : memref<51200x8x128xf32, #tpu.memory_space<hbm>> -> memref<4x8x128xf32, #tpu.memory_space<hbm>>
        %dma_wait3A_940 = arith.constant 0 : i32
        %dma_wait3A_941 = arith.constant 0 : i32
        %dma_wait3A_942 = tpu.memref_slice %arg4[%add3A_932, %dma_wait3A_940, %dma_wait3A_941] : memref<51200x8x128xf32, #tpu.memory_space<hbm>> -> memref<4x8x128xf32, #tpu.memory_space<hbm>>
        %dma_wait3A_943 = arith.constant 4 : i32
        %dma_wait3A_944 = arith.constant 0 : i32
        %dma_wait3A_945 = arith.constant 0 : i32
        %dma_wait3A_946 = tpu.memref_slice %arg9[%dma_wait3A_943, %dma_wait3A_944, %dma_wait3A_945] : memref<32x8x128xf32, #tpu.memory_space<vmem>> -> memref<4x8x128xf32, #tpu.memory_space<vmem>>
        tpu.wait_dma2 semaphore(%arg11 : memref<!tpu.dma_semaphore, #tpu.memory_space<semaphore_mem>>) src(%dma_wait3A_946 : memref<4x8x128xf32, #tpu.memory_space<vmem>>) dst(%dma_wait3A_942 : memref<4x8x128xf32, #tpu.memory_space<hbm>>)
        %mul3A_947 = arith.constant 1024 : i32
        %mul3A_948 = arith.muli %select_n3A_668, %mul3A_947 : i32
        %add3A_949 = arith.constant 256 : i32
        %add3A_950 = arith.addi %mul3A_948, %add3A_949 : i32
        %mul3A_951 = arith.constant 4 : i32
        %mul3A_952 = arith.muli %select_n3A_684, %mul3A_951 : i32
        %add3A_953 = arith.addi %add3A_950, %mul3A_952 : i32
        %dma_wait3A_954 = arith.constant 8 : i32
        %dma_wait3A_955 = arith.constant 0 : i32
        %dma_wait3A_956 = arith.constant 0 : i32
        %dma_wait3A_957 = tpu.memref_slice %arg9[%dma_wait3A_954, %dma_wait3A_955, %dma_wait3A_956] : memref<32x8x128xf32, #tpu.memory_space<vmem>> -> memref<4x8x128xf32, #tpu.memory_space<vmem>>
        %dma_wait3A_958 = arith.constant 0 : i32
        %dma_wait3A_959 = arith.constant 0 : i32
        %dma_wait3A_960 = tpu.memref_slice %arg4[%add3A_953, %dma_wait3A_958, %dma_wait3A_959] : memref<51200x8x128xf32, #tpu.memory_space<hbm>> -> memref<4x8x128xf32, #tpu.memory_space<hbm>>
        %dma_wait3A_961 = arith.constant 0 : i32
        %dma_wait3A_962 = arith.constant 0 : i32
        %dma_wait3A_963 = tpu.memref_slice %arg4[%add3A_953, %dma_wait3A_961, %dma_wait3A_962] : memref<51200x8x128xf32, #tpu.memory_space<hbm>> -> memref<4x8x128xf32, #tpu.memory_space<hbm>>
        %dma_wait3A_964 = arith.constant 8 : i32
        %dma_wait3A_965 = arith.constant 0 : i32
        %dma_wait3A_966 = arith.constant 0 : i32
        %dma_wait3A_967 = tpu.memref_slice %arg9[%dma_wait3A_964, %dma_wait3A_965, %dma_wait3A_966] : memref<32x8x128xf32, #tpu.memory_space<vmem>> -> memref<4x8x128xf32, #tpu.memory_space<vmem>>
        tpu.wait_dma2 semaphore(%arg11 : memref<!tpu.dma_semaphore, #tpu.memory_space<semaphore_mem>>) src(%dma_wait3A_967 : memref<4x8x128xf32, #tpu.memory_space<vmem>>) dst(%dma_wait3A_963 : memref<4x8x128xf32, #tpu.memory_space<hbm>>)
        %mul3A_968 = arith.constant 1024 : i32
        %mul3A_969 = arith.muli %select_n3A_668, %mul3A_968 : i32
        %add3A_970 = arith.constant 384 : i32
        %add3A_971 = arith.addi %mul3A_969, %add3A_970 : i32
        %mul3A_972 = arith.constant 4 : i32
        %mul3A_973 = arith.muli %select_n3A_684, %mul3A_972 : i32
        %add3A_974 = arith.addi %add3A_971, %mul3A_973 : i32
        %dma_wait3A_975 = arith.constant 12 : i32
        %dma_wait3A_976 = arith.constant 0 : i32
        %dma_wait3A_977 = arith.constant 0 : i32
        %dma_wait3A_978 = tpu.memref_slice %arg9[%dma_wait3A_975, %dma_wait3A_976, %dma_wait3A_977] : memref<32x8x128xf32, #tpu.memory_space<vmem>> -> memref<4x8x128xf32, #tpu.memory_space<vmem>>
        %dma_wait3A_979 = arith.constant 0 : i32
        %dma_wait3A_980 = arith.constant 0 : i32
        %dma_wait3A_981 = tpu.memref_slice %arg4[%add3A_974, %dma_wait3A_979, %dma_wait3A_980] : memref<51200x8x128xf32, #tpu.memory_space<hbm>> -> memref<4x8x128xf32, #tpu.memory_space<hbm>>
        %dma_wait3A_982 = arith.constant 0 : i32
        %dma_wait3A_983 = arith.constant 0 : i32
        %dma_wait3A_984 = tpu.memref_slice %arg4[%add3A_974, %dma_wait3A_982, %dma_wait3A_983] : memref<51200x8x128xf32, #tpu.memory_space<hbm>> -> memref<4x8x128xf32, #tpu.memory_space<hbm>>
        %dma_wait3A_985 = arith.constant 12 : i32
        %dma_wait3A_986 = arith.constant 0 : i32
        %dma_wait3A_987 = arith.constant 0 : i32
        %dma_wait3A_988 = tpu.memref_slice %arg9[%dma_wait3A_985, %dma_wait3A_986, %dma_wait3A_987] : memref<32x8x128xf32, #tpu.memory_space<vmem>> -> memref<4x8x128xf32, #tpu.memory_space<vmem>>
        tpu.wait_dma2 semaphore(%arg11 : memref<!tpu.dma_semaphore, #tpu.memory_space<semaphore_mem>>) src(%dma_wait3A_988 : memref<4x8x128xf32, #tpu.memory_space<vmem>>) dst(%dma_wait3A_984 : memref<4x8x128xf32, #tpu.memory_space<hbm>>)
        %mul3A_989 = arith.constant 1024 : i32
        %mul3A_990 = arith.muli %select_n3A_668, %mul3A_989 : i32
        %add3A_991 = arith.constant 512 : i32
        %add3A_992 = arith.addi %mul3A_990, %add3A_991 : i32
        %mul3A_993 = arith.constant 4 : i32
        %mul3A_994 = arith.muli %select_n3A_684, %mul3A_993 : i32
        %add3A_995 = arith.addi %add3A_992, %mul3A_994 : i32
        %dma_wait3A_996 = arith.constant 16 : i32
        %dma_wait3A_997 = arith.constant 0 : i32
        %dma_wait3A_998 = arith.constant 0 : i32
        %dma_wait3A_999 = tpu.memref_slice %arg9[%dma_wait3A_996, %dma_wait3A_997, %dma_wait3A_998] : memref<32x8x128xf32, #tpu.memory_space<vmem>> -> memref<4x8x128xf32, #tpu.memory_space<vmem>>
        %dma_wait3A_1000 = arith.constant 0 : i32
        %dma_wait3A_1001 = arith.constant 0 : i32
        %dma_wait3A_1002 = tpu.memref_slice %arg4[%add3A_995, %dma_wait3A_1000, %dma_wait3A_1001] : memref<51200x8x128xf32, #tpu.memory_space<hbm>> -> memref<4x8x128xf32, #tpu.memory_space<hbm>>
        %dma_wait3A_1003 = arith.constant 0 : i32
        %dma_wait3A_1004 = arith.constant 0 : i32
        %dma_wait3A_1005 = tpu.memref_slice %arg4[%add3A_995, %dma_wait3A_1003, %dma_wait3A_1004] : memref<51200x8x128xf32, #tpu.memory_space<hbm>> -> memref<4x8x128xf32, #tpu.memory_space<hbm>>
        %dma_wait3A_1006 = arith.constant 16 : i32
        %dma_wait3A_1007 = arith.constant 0 : i32
        %dma_wait3A_1008 = arith.constant 0 : i32
        %dma_wait3A_1009 = tpu.memref_slice %arg9[%dma_wait3A_1006, %dma_wait3A_1007, %dma_wait3A_1008] : memref<32x8x128xf32, #tpu.memory_space<vmem>> -> memref<4x8x128xf32, #tpu.memory_space<vmem>>
        tpu.wait_dma2 semaphore(%arg11 : memref<!tpu.dma_semaphore, #tpu.memory_space<semaphore_mem>>) src(%dma_wait3A_1009 : memref<4x8x128xf32, #tpu.memory_space<vmem>>) dst(%dma_wait3A_1005 : memref<4x8x128xf32, #tpu.memory_space<hbm>>)
        %mul3A_1010 = arith.constant 1024 : i32
        %mul3A_1011 = arith.muli %select_n3A_668, %mul3A_1010 : i32
        %add3A_1012 = arith.constant 640 : i32
        %add3A_1013 = arith.addi %mul3A_1011, %add3A_1012 : i32
        %mul3A_1014 = arith.constant 4 : i32
        %mul3A_1015 = arith.muli %select_n3A_684, %mul3A_1014 : i32
        %add3A_1016 = arith.addi %add3A_1013, %mul3A_1015 : i32
        %dma_wait3A_1017 = arith.constant 20 : i32
        %dma_wait3A_1018 = arith.constant 0 : i32
        %dma_wait3A_1019 = arith.constant 0 : i32
        %dma_wait3A_1020 = tpu.memref_slice %arg9[%dma_wait3A_1017, %dma_wait3A_1018, %dma_wait3A_1019] : memref<32x8x128xf32, #tpu.memory_space<vmem>> -> memref<4x8x128xf32, #tpu.memory_space<vmem>>
        %dma_wait3A_1021 = arith.constant 0 : i32
        %dma_wait3A_1022 = arith.constant 0 : i32
        %dma_wait3A_1023 = tpu.memref_slice %arg4[%add3A_1016, %dma_wait3A_1021, %dma_wait3A_1022] : memref<51200x8x128xf32, #tpu.memory_space<hbm>> -> memref<4x8x128xf32, #tpu.memory_space<hbm>>
        %dma_wait3A_1024 = arith.constant 0 : i32
        %dma_wait3A_1025 = arith.constant 0 : i32
        %dma_wait3A_1026 = tpu.memref_slice %arg4[%add3A_1016, %dma_wait3A_1024, %dma_wait3A_1025] : memref<51200x8x128xf32, #tpu.memory_space<hbm>> -> memref<4x8x128xf32, #tpu.memory_space<hbm>>
        %dma_wait3A_1027 = arith.constant 20 : i32
        %dma_wait3A_1028 = arith.constant 0 : i32
        %dma_wait3A_1029 = arith.constant 0 : i32
        %dma_wait3A_1030 = tpu.memref_slice %arg9[%dma_wait3A_1027, %dma_wait3A_1028, %dma_wait3A_1029] : memref<32x8x128xf32, #tpu.memory_space<vmem>> -> memref<4x8x128xf32, #tpu.memory_space<vmem>>
        tpu.wait_dma2 semaphore(%arg11 : memref<!tpu.dma_semaphore, #tpu.memory_space<semaphore_mem>>) src(%dma_wait3A_1030 : memref<4x8x128xf32, #tpu.memory_space<vmem>>) dst(%dma_wait3A_1026 : memref<4x8x128xf32, #tpu.memory_space<hbm>>)
        %mul3A_1031 = arith.constant 1024 : i32
        %mul3A_1032 = arith.muli %select_n3A_668, %mul3A_1031 : i32
        %add3A_1033 = arith.constant 768 : i32
        %add3A_1034 = arith.addi %mul3A_1032, %add3A_1033 : i32
        %mul3A_1035 = arith.constant 4 : i32
        %mul3A_1036 = arith.muli %select_n3A_684, %mul3A_1035 : i32
        %add3A_1037 = arith.addi %add3A_1034, %mul3A_1036 : i32
        %dma_wait3A_1038 = arith.constant 24 : i32
        %dma_wait3A_1039 = arith.constant 0 : i32
        %dma_wait3A_1040 = arith.constant 0 : i32
        %dma_wait3A_1041 = tpu.memref_slice %arg9[%dma_wait3A_1038, %dma_wait3A_1039, %dma_wait3A_1040] : memref<32x8x128xf32, #tpu.memory_space<vmem>> -> memref<4x8x128xf32, #tpu.memory_space<vmem>>
        %dma_wait3A_1042 = arith.constant 0 : i32
        %dma_wait3A_1043 = arith.constant 0 : i32
        %dma_wait3A_1044 = tpu.memref_slice %arg4[%add3A_1037, %dma_wait3A_1042, %dma_wait3A_1043] : memref<51200x8x128xf32, #tpu.memory_space<hbm>> -> memref<4x8x128xf32, #tpu.memory_space<hbm>>
        %dma_wait3A_1045 = arith.constant 0 : i32
        %dma_wait3A_1046 = arith.constant 0 : i32
        %dma_wait3A_1047 = tpu.memref_slice %arg4[%add3A_1037, %dma_wait3A_1045, %dma_wait3A_1046] : memref<51200x8x128xf32, #tpu.memory_space<hbm>> -> memref<4x8x128xf32, #tpu.memory_space<hbm>>
        %dma_wait3A_1048 = arith.constant 24 : i32
        %dma_wait3A_1049 = arith.constant 0 : i32
        %dma_wait3A_1050 = arith.constant 0 : i32
        %dma_wait3A_1051 = tpu.memref_slice %arg9[%dma_wait3A_1048, %dma_wait3A_1049, %dma_wait3A_1050] : memref<32x8x128xf32, #tpu.memory_space<vmem>> -> memref<4x8x128xf32, #tpu.memory_space<vmem>>
        tpu.wait_dma2 semaphore(%arg11 : memref<!tpu.dma_semaphore, #tpu.memory_space<semaphore_mem>>) src(%dma_wait3A_1051 : memref<4x8x128xf32, #tpu.memory_space<vmem>>) dst(%dma_wait3A_1047 : memref<4x8x128xf32, #tpu.memory_space<hbm>>)
        %mul3A_1052 = arith.constant 1024 : i32
        %mul3A_1053 = arith.muli %select_n3A_668, %mul3A_1052 : i32
        %add3A_1054 = arith.constant 896 : i32
        %add3A_1055 = arith.addi %mul3A_1053, %add3A_1054 : i32
        %mul3A_1056 = arith.constant 4 : i32
        %mul3A_1057 = arith.muli %select_n3A_684, %mul3A_1056 : i32
        %add3A_1058 = arith.addi %add3A_1055, %mul3A_1057 : i32
        %dma_wait3A_1059 = arith.constant 28 : i32
        %dma_wait3A_1060 = arith.constant 0 : i32
        %dma_wait3A_1061 = arith.constant 0 : i32
        %dma_wait3A_1062 = tpu.memref_slice %arg9[%dma_wait3A_1059, %dma_wait3A_1060, %dma_wait3A_1061] : memref<32x8x128xf32, #tpu.memory_space<vmem>> -> memref<4x8x128xf32, #tpu.memory_space<vmem>>
        %dma_wait3A_1063 = arith.constant 0 : i32
        %dma_wait3A_1064 = arith.constant 0 : i32
        %dma_wait3A_1065 = tpu.memref_slice %arg4[%add3A_1058, %dma_wait3A_1063, %dma_wait3A_1064] : memref<51200x8x128xf32, #tpu.memory_space<hbm>> -> memref<4x8x128xf32, #tpu.memory_space<hbm>>
        %dma_wait3A_1066 = arith.constant 0 : i32
        %dma_wait3A_1067 = arith.constant 0 : i32
        %dma_wait3A_1068 = tpu.memref_slice %arg4[%add3A_1058, %dma_wait3A_1066, %dma_wait3A_1067] : memref<51200x8x128xf32, #tpu.memory_space<hbm>> -> memref<4x8x128xf32, #tpu.memory_space<hbm>>
        %dma_wait3A_1069 = arith.constant 28 : i32
        %dma_wait3A_1070 = arith.constant 0 : i32
        %dma_wait3A_1071 = arith.constant 0 : i32
        %dma_wait3A_1072 = tpu.memref_slice %arg9[%dma_wait3A_1069, %dma_wait3A_1070, %dma_wait3A_1071] : memref<32x8x128xf32, #tpu.memory_space<vmem>> -> memref<4x8x128xf32, #tpu.memory_space<vmem>>
        tpu.wait_dma2 semaphore(%arg11 : memref<!tpu.dma_semaphore, #tpu.memory_space<semaphore_mem>>) src(%dma_wait3A_1072 : memref<4x8x128xf32, #tpu.memory_space<vmem>>) dst(%dma_wait3A_1068 : memref<4x8x128xf32, #tpu.memory_space<hbm>>)
      } else {
      }
      %parallel_loop3A_734 = arith.constant 0 : i32
      %parallel_loop3A_735 = arith.constant 256 : i32
      %parallel_loop3A_736 = arith.constant 1 : i32
      scf.for %parallel_loop3A_905 = %parallel_loop3A_734 to %parallel_loop3A_735 step %parallel_loop3A_736  : i32 {
        %parallel_loop3A_906 = arith.constant 8 : i32
        %parallel_loop3A_907 = arith.divsi %parallel_loop3A_905, %parallel_loop3A_906 : i32
        %parallel_loop3A_908 = arith.constant 0 : i32
        %parallel_loop3A_909 = arith.cmpi sgt, %parallel_loop3A_905, %parallel_loop3A_908 : i32
        %parallel_loop3A_910 = arith.extui %parallel_loop3A_909 : i1 to i32
        %parallel_loop3A_911 = arith.constant 0 : i32
        %parallel_loop3A_912 = arith.cmpi slt, %parallel_loop3A_905, %parallel_loop3A_911 : i32
        %parallel_loop3A_913 = arith.extui %parallel_loop3A_912 : i1 to i32
        %parallel_loop3A_914 = arith.subi %parallel_loop3A_910, %parallel_loop3A_913 : i32
        %parallel_loop3A_915 = arith.constant 0 : i32
        %parallel_loop3A_916 = arith.cmpi sgt, %parallel_loop3A_906, %parallel_loop3A_915 : i32
        %parallel_loop3A_917 = arith.extui %parallel_loop3A_916 : i1 to i32
        %parallel_loop3A_918 = arith.constant 0 : i32
        %parallel_loop3A_919 = arith.cmpi slt, %parallel_loop3A_906, %parallel_loop3A_918 : i32
        %parallel_loop3A_920 = arith.extui %parallel_loop3A_919 : i1 to i32
        %parallel_loop3A_921 = arith.subi %parallel_loop3A_917, %parallel_loop3A_920 : i32
        %parallel_loop3A_922 = arith.cmpi ne, %parallel_loop3A_914, %parallel_loop3A_921 : i32
        %parallel_loop3A_923 = arith.remsi %parallel_loop3A_905, %parallel_loop3A_906 : i32
        %parallel_loop3A_924 = arith.constant 0 : i32
        %parallel_loop3A_925 = arith.cmpi ne, %parallel_loop3A_923, %parallel_loop3A_924 : i32
        %parallel_loop3A_926 = arith.andi %parallel_loop3A_922, %parallel_loop3A_925 : i1
        %parallel_loop3A_927 = arith.constant 1 : i32
        %parallel_loop3A_928 = arith.subi %parallel_loop3A_907, %parallel_loop3A_927 : i32
        %parallel_loop3A_929 = arith.select %parallel_loop3A_926, %parallel_loop3A_928, %parallel_loop3A_907 : i32
        %parallel_loop3A_930 = arith.constant 8 : i32
        %parallel_loop3A_931 = arith.constant 0 : i32
        %parallel_loop3A_932 = arith.cmpi eq, %parallel_loop3A_930, %parallel_loop3A_931 : i32
        %parallel_loop3A_933 = arith.constant 1 : i32
        %parallel_loop3A_934 = arith.select %parallel_loop3A_932, %parallel_loop3A_933, %parallel_loop3A_930 : i32
        %parallel_loop3A_935 = arith.remsi %parallel_loop3A_905, %parallel_loop3A_934 : i32
        %parallel_loop3A_936 = arith.constant 0 : i32
        %parallel_loop3A_937 = arith.cmpi ne, %parallel_loop3A_935, %parallel_loop3A_936 : i32
        %parallel_loop3A_938 = arith.constant 0 : i32
        %parallel_loop3A_939 = arith.cmpi slt, %parallel_loop3A_935, %parallel_loop3A_938 : i32
        %parallel_loop3A_940 = arith.constant 0 : i32
        %parallel_loop3A_941 = arith.cmpi slt, %parallel_loop3A_934, %parallel_loop3A_940 : i32
        %parallel_loop3A_942 = arith.xori %parallel_loop3A_939, %parallel_loop3A_941 : i1
        %parallel_loop3A_943 = arith.andi %parallel_loop3A_942, %parallel_loop3A_937 : i1
        %parallel_loop3A_944 = arith.addi %parallel_loop3A_935, %parallel_loop3A_934 : i32
        %parallel_loop3A_945 = arith.select %parallel_loop3A_943, %parallel_loop3A_944, %parallel_loop3A_935 : i32
        %parallel_loop3A_946 = arith.constant 4 : i32
        %parallel_loop3A_947 = arith.divsi %parallel_loop3A_929, %parallel_loop3A_946 : i32
        %parallel_loop3A_948 = arith.constant 0 : i32
        %parallel_loop3A_949 = arith.cmpi sgt, %parallel_loop3A_929, %parallel_loop3A_948 : i32
        %parallel_loop3A_950 = arith.extui %parallel_loop3A_949 : i1 to i32
        %parallel_loop3A_951 = arith.constant 0 : i32
        %parallel_loop3A_952 = arith.cmpi slt, %parallel_loop3A_929, %parallel_loop3A_951 : i32
        %parallel_loop3A_953 = arith.extui %parallel_loop3A_952 : i1 to i32
        %parallel_loop3A_954 = arith.subi %parallel_loop3A_950, %parallel_loop3A_953 : i32
        %parallel_loop3A_955 = arith.constant 0 : i32
        %parallel_loop3A_956 = arith.cmpi sgt, %parallel_loop3A_946, %parallel_loop3A_955 : i32
        %parallel_loop3A_957 = arith.extui %parallel_loop3A_956 : i1 to i32
        %parallel_loop3A_958 = arith.constant 0 : i32
        %parallel_loop3A_959 = arith.cmpi slt, %parallel_loop3A_946, %parallel_loop3A_958 : i32
        %parallel_loop3A_960 = arith.extui %parallel_loop3A_959 : i1 to i32
        %parallel_loop3A_961 = arith.subi %parallel_loop3A_957, %parallel_loop3A_960 : i32
        %parallel_loop3A_962 = arith.cmpi ne, %parallel_loop3A_954, %parallel_loop3A_961 : i32
        %parallel_loop3A_963 = arith.remsi %parallel_loop3A_929, %parallel_loop3A_946 : i32
        %parallel_loop3A_964 = arith.constant 0 : i32
        %parallel_loop3A_965 = arith.cmpi ne, %parallel_loop3A_963, %parallel_loop3A_964 : i32
        %parallel_loop3A_966 = arith.andi %parallel_loop3A_962, %parallel_loop3A_965 : i1
        %parallel_loop3A_967 = arith.constant 1 : i32
        %parallel_loop3A_968 = arith.subi %parallel_loop3A_947, %parallel_loop3A_967 : i32
        %parallel_loop3A_969 = arith.select %parallel_loop3A_966, %parallel_loop3A_968, %parallel_loop3A_947 : i32
        %parallel_loop3A_970 = arith.constant 4 : i32
        %parallel_loop3A_971 = arith.constant 0 : i32
        %parallel_loop3A_972 = arith.cmpi eq, %parallel_loop3A_970, %parallel_loop3A_971 : i32
        %parallel_loop3A_973 = arith.constant 1 : i32
        %parallel_loop3A_974 = arith.select %parallel_loop3A_972, %parallel_loop3A_973, %parallel_loop3A_970 : i32
        %parallel_loop3A_975 = arith.remsi %parallel_loop3A_929, %parallel_loop3A_974 : i32
        %parallel_loop3A_976 = arith.constant 0 : i32
        %parallel_loop3A_977 = arith.cmpi ne, %parallel_loop3A_975, %parallel_loop3A_976 : i32
        %parallel_loop3A_978 = arith.constant 0 : i32
        %parallel_loop3A_979 = arith.cmpi slt, %parallel_loop3A_975, %parallel_loop3A_978 : i32
        %parallel_loop3A_980 = arith.constant 0 : i32
        %parallel_loop3A_981 = arith.cmpi slt, %parallel_loop3A_974, %parallel_loop3A_980 : i32
        %parallel_loop3A_982 = arith.xori %parallel_loop3A_979, %parallel_loop3A_981 : i1
        %parallel_loop3A_983 = arith.andi %parallel_loop3A_982, %parallel_loop3A_977 : i1
        %parallel_loop3A_984 = arith.addi %parallel_loop3A_975, %parallel_loop3A_974 : i32
        %parallel_loop3A_985 = arith.select %parallel_loop3A_983, %parallel_loop3A_984, %parallel_loop3A_975 : i32
        %parallel_loop3A_986 = arith.constant 128 : i32
        %parallel_loop3A_987 = arith.muli %parallel_loop3A_985, %parallel_loop3A_986 : i32
        %parallel_loop3A_988 = arith.constant 16 : i32
        %parallel_loop3A_989 = arith.muli %parallel_loop3A_988, %parallel_loop3A_945 : i32
        %parallel_loop3A_990 = arith.addi %parallel_loop3A_987, %parallel_loop3A_989 : i32
        %parallel_loop3A_991 = arith.constant 65 : i32
        %parallel_loop3A_992 = arith.muli %parallel_loop3A_990, %parallel_loop3A_991 : i32
        %parallel_loop3A_993 = arith.constant 8 : i32
        %parallel_loop3A_994 = arith.muli %parallel_loop3A_993, %parallel_loop3A_969 : i32
        %parallel_loop3A_995 = arith.addi %parallel_loop3A_992, %parallel_loop3A_994 : i32
        %parallel_loop3A_996 = arith.constant 0 : i32
        %parallel_loop3A_997 = arith.addi %parallel_loop3A_995, %parallel_loop3A_996 : i32
        %parallel_loop3A_998 = vector.broadcast %parallel_loop3A_997 : i32 to vector<16xi32>
        %parallel_loop3A_999 = arith.addi %mul3A_5, %parallel_loop3A_998 : vector<16xi32>
        %parallel_loop3A_1000 = tpu.vector_load_idx %arg8[%parallel_loop3A_999] : memref<33280xf32, #tpu.memory_space<vmem>>[vector<16xi32>], vector<16xf32>,
        %parallel_loop3A_1001 = arith.constant 16 : i32
        %parallel_loop3A_1002 = arith.muli %parallel_loop3A_1001, %parallel_loop3A_945 : i32
        %parallel_loop3A_1003 = arith.constant 0 : i32
        %parallel_loop3A_1004 = arith.index_cast %parallel_loop3A_929 : i32 to index
        %parallel_loop3A_1005 = arith.index_cast %parallel_loop3A_1003 : i32 to index
        %parallel_loop3A_1006 = arith.index_cast %parallel_loop3A_1002 : i32 to index
        %parallel_loop3A_1007 = tpu.vector_load %arg9[%parallel_loop3A_1004, %parallel_loop3A_1005, %parallel_loop3A_1006] {strides = array<i32>} : memref<32x8x128xf32, #tpu.memory_space<vmem>>, vector<16xf32>,
        tpu.vector_store %arg9[%parallel_loop3A_1004, %parallel_loop3A_1005, %parallel_loop3A_1006], %parallel_loop3A_1000 {strides = array<i32>} : memref<32x8x128xf32, #tpu.memory_space<vmem>>, vector<16xf32>,
        %parallel_loop3A_1008 = arith.constant 1 : i32
        %parallel_loop3A_1009 = arith.addi %parallel_loop3A_995, %parallel_loop3A_1008 : i32
        %parallel_loop3A_1010 = vector.broadcast %parallel_loop3A_1009 : i32 to vector<16xi32>
        %parallel_loop3A_1011 = arith.addi %mul3A_5, %parallel_loop3A_1010 : vector<16xi32>
        %parallel_loop3A_1012 = tpu.vector_load_idx %arg8[%parallel_loop3A_1011] : memref<33280xf32, #tpu.memory_space<vmem>>[vector<16xi32>], vector<16xf32>,
        %parallel_loop3A_1013 = arith.constant 16 : i32
        %parallel_loop3A_1014 = arith.muli %parallel_loop3A_1013, %parallel_loop3A_945 : i32
        %parallel_loop3A_1015 = arith.constant 1 : i32
        %parallel_loop3A_1016 = arith.index_cast %parallel_loop3A_929 : i32 to index
        %parallel_loop3A_1017 = arith.index_cast %parallel_loop3A_1015 : i32 to index
        %parallel_loop3A_1018 = arith.index_cast %parallel_loop3A_1014 : i32 to index
        %parallel_loop3A_1019 = tpu.vector_load %arg9[%parallel_loop3A_1016, %parallel_loop3A_1017, %parallel_loop3A_1018] {strides = array<i32>} : memref<32x8x128xf32, #tpu.memory_space<vmem>>, vector<16xf32>,
        tpu.vector_store %arg9[%parallel_loop3A_1016, %parallel_loop3A_1017, %parallel_loop3A_1018], %parallel_loop3A_1012 {strides = array<i32>} : memref<32x8x128xf32, #tpu.memory_space<vmem>>, vector<16xf32>,
        %parallel_loop3A_1020 = arith.constant 2 : i32
        %parallel_loop3A_1021 = arith.addi %parallel_loop3A_995, %parallel_loop3A_1020 : i32
        %parallel_loop3A_1022 = vector.broadcast %parallel_loop3A_1021 : i32 to vector<16xi32>
        %parallel_loop3A_1023 = arith.addi %mul3A_5, %parallel_loop3A_1022 : vector<16xi32>
        %parallel_loop3A_1024 = tpu.vector_load_idx %arg8[%parallel_loop3A_1023] : memref<33280xf32, #tpu.memory_space<vmem>>[vector<16xi32>], vector<16xf32>,
        %parallel_loop3A_1025 = arith.constant 16 : i32
        %parallel_loop3A_1026 = arith.muli %parallel_loop3A_1025, %parallel_loop3A_945 : i32
        %parallel_loop3A_1027 = arith.constant 2 : i32
        %parallel_loop3A_1028 = arith.index_cast %parallel_loop3A_929 : i32 to index
        %parallel_loop3A_1029 = arith.index_cast %parallel_loop3A_1027 : i32 to index
        %parallel_loop3A_1030 = arith.index_cast %parallel_loop3A_1026 : i32 to index
        %parallel_loop3A_1031 = tpu.vector_load %arg9[%parallel_loop3A_1028, %parallel_loop3A_1029, %parallel_loop3A_1030] {strides = array<i32>} : memref<32x8x128xf32, #tpu.memory_space<vmem>>, vector<16xf32>,
        tpu.vector_store %arg9[%parallel_loop3A_1028, %parallel_loop3A_1029, %parallel_loop3A_1030], %parallel_loop3A_1024 {strides = array<i32>} : memref<32x8x128xf32, #tpu.memory_space<vmem>>, vector<16xf32>,
        %parallel_loop3A_1032 = arith.constant 3 : i32
        %parallel_loop3A_1033 = arith.addi %parallel_loop3A_995, %parallel_loop3A_1032 : i32
        %parallel_loop3A_1034 = vector.broadcast %parallel_loop3A_1033 : i32 to vector<16xi32>
        %parallel_loop3A_1035 = arith.addi %mul3A_5, %parallel_loop3A_1034 : vector<16xi32>
        %parallel_loop3A_1036 = tpu.vector_load_idx %arg8[%parallel_loop3A_1035] : memref<33280xf32, #tpu.memory_space<vmem>>[vector<16xi32>], vector<16xf32>,
        %parallel_loop3A_1037 = arith.constant 16 : i32
        %parallel_loop3A_1038 = arith.muli %parallel_loop3A_1037, %parallel_loop3A_945 : i32
        %parallel_loop3A_1039 = arith.constant 3 : i32
        %parallel_loop3A_1040 = arith.index_cast %parallel_loop3A_929 : i32 to index
        %parallel_loop3A_1041 = arith.index_cast %parallel_loop3A_1039 : i32 to index
        %parallel_loop3A_1042 = arith.index_cast %parallel_loop3A_1038 : i32 to index
        %parallel_loop3A_1043 = tpu.vector_load %arg9[%parallel_loop3A_1040, %parallel_loop3A_1041, %parallel_loop3A_1042] {strides = array<i32>} : memref<32x8x128xf32, #tpu.memory_space<vmem>>, vector<16xf32>,
        tpu.vector_store %arg9[%parallel_loop3A_1040, %parallel_loop3A_1041, %parallel_loop3A_1042], %parallel_loop3A_1036 {strides = array<i32>} : memref<32x8x128xf32, #tpu.memory_space<vmem>>, vector<16xf32>,
        %parallel_loop3A_1044 = arith.constant 4 : i32
        %parallel_loop3A_1045 = arith.addi %parallel_loop3A_995, %parallel_loop3A_1044 : i32
        %parallel_loop3A_1046 = vector.broadcast %parallel_loop3A_1045 : i32 to vector<16xi32>
        %parallel_loop3A_1047 = arith.addi %mul3A_5, %parallel_loop3A_1046 : vector<16xi32>
        %parallel_loop3A_1048 = tpu.vector_load_idx %arg8[%parallel_loop3A_1047] : memref<33280xf32, #tpu.memory_space<vmem>>[vector<16xi32>], vector<16xf32>,
        %parallel_loop3A_1049 = arith.constant 16 : i32
        %parallel_loop3A_1050 = arith.muli %parallel_loop3A_1049, %parallel_loop3A_945 : i32
        %parallel_loop3A_1051 = arith.constant 4 : i32
        %parallel_loop3A_1052 = arith.index_cast %parallel_loop3A_929 : i32 to index
        %parallel_loop3A_1053 = arith.index_cast %parallel_loop3A_1051 : i32 to index
        %parallel_loop3A_1054 = arith.index_cast %parallel_loop3A_1050 : i32 to index
        %parallel_loop3A_1055 = tpu.vector_load %arg9[%parallel_loop3A_1052, %parallel_loop3A_1053, %parallel_loop3A_1054] {strides = array<i32>} : memref<32x8x128xf32, #tpu.memory_space<vmem>>, vector<16xf32>,
        tpu.vector_store %arg9[%parallel_loop3A_1052, %parallel_loop3A_1053, %parallel_loop3A_1054], %parallel_loop3A_1048 {strides = array<i32>} : memref<32x8x128xf32, #tpu.memory_space<vmem>>, vector<16xf32>,
        %parallel_loop3A_1056 = arith.constant 5 : i32
        %parallel_loop3A_1057 = arith.addi %parallel_loop3A_995, %parallel_loop3A_1056 : i32
        %parallel_loop3A_1058 = vector.broadcast %parallel_loop3A_1057 : i32 to vector<16xi32>
        %parallel_loop3A_1059 = arith.addi %mul3A_5, %parallel_loop3A_1058 : vector<16xi32>
        %parallel_loop3A_1060 = tpu.vector_load_idx %arg8[%parallel_loop3A_1059] : memref<33280xf32, #tpu.memory_space<vmem>>[vector<16xi32>], vector<16xf32>,
        %parallel_loop3A_1061 = arith.constant 16 : i32
        %parallel_loop3A_1062 = arith.muli %parallel_loop3A_1061, %parallel_loop3A_945 : i32
        %parallel_loop3A_1063 = arith.constant 5 : i32
        %parallel_loop3A_1064 = arith.index_cast %parallel_loop3A_929 : i32 to index
        %parallel_loop3A_1065 = arith.index_cast %parallel_loop3A_1063 : i32 to index
        %parallel_loop3A_1066 = arith.index_cast %parallel_loop3A_1062 : i32 to index
        %parallel_loop3A_1067 = tpu.vector_load %arg9[%parallel_loop3A_1064, %parallel_loop3A_1065, %parallel_loop3A_1066] {strides = array<i32>} : memref<32x8x128xf32, #tpu.memory_space<vmem>>, vector<16xf32>,
        tpu.vector_store %arg9[%parallel_loop3A_1064, %parallel_loop3A_1065, %parallel_loop3A_1066], %parallel_loop3A_1060 {strides = array<i32>} : memref<32x8x128xf32, #tpu.memory_space<vmem>>, vector<16xf32>,
        %parallel_loop3A_1068 = arith.constant 6 : i32
        %parallel_loop3A_1069 = arith.addi %parallel_loop3A_995, %parallel_loop3A_1068 : i32
        %parallel_loop3A_1070 = vector.broadcast %parallel_loop3A_1069 : i32 to vector<16xi32>
        %parallel_loop3A_1071 = arith.addi %mul3A_5, %parallel_loop3A_1070 : vector<16xi32>
        %parallel_loop3A_1072 = tpu.vector_load_idx %arg8[%parallel_loop3A_1071] : memref<33280xf32, #tpu.memory_space<vmem>>[vector<16xi32>], vector<16xf32>,
        %parallel_loop3A_1073 = arith.constant 16 : i32
        %parallel_loop3A_1074 = arith.muli %parallel_loop3A_1073, %parallel_loop3A_945 : i32
        %parallel_loop3A_1075 = arith.constant 6 : i32
        %parallel_loop3A_1076 = arith.index_cast %parallel_loop3A_929 : i32 to index
        %parallel_loop3A_1077 = arith.index_cast %parallel_loop3A_1075 : i32 to index
        %parallel_loop3A_1078 = arith.index_cast %parallel_loop3A_1074 : i32 to index
        %parallel_loop3A_1079 = tpu.vector_load %arg9[%parallel_loop3A_1076, %parallel_loop3A_1077, %parallel_loop3A_1078] {strides = array<i32>} : memref<32x8x128xf32, #tpu.memory_space<vmem>>, vector<16xf32>,
        tpu.vector_store %arg9[%parallel_loop3A_1076, %parallel_loop3A_1077, %parallel_loop3A_1078], %parallel_loop3A_1072 {strides = array<i32>} : memref<32x8x128xf32, #tpu.memory_space<vmem>>, vector<16xf32>,
        %parallel_loop3A_1080 = arith.constant 7 : i32
        %parallel_loop3A_1081 = arith.addi %parallel_loop3A_995, %parallel_loop3A_1080 : i32
        %parallel_loop3A_1082 = vector.broadcast %parallel_loop3A_1081 : i32 to vector<16xi32>
        %parallel_loop3A_1083 = arith.addi %mul3A_5, %parallel_loop3A_1082 : vector<16xi32>
        %parallel_loop3A_1084 = tpu.vector_load_idx %arg8[%parallel_loop3A_1083] : memref<33280xf32, #tpu.memory_space<vmem>>[vector<16xi32>], vector<16xf32>,
        %parallel_loop3A_1085 = arith.constant 16 : i32
        %parallel_loop3A_1086 = arith.muli %parallel_loop3A_1085, %parallel_loop3A_945 : i32
        %parallel_loop3A_1087 = arith.constant 7 : i32
        %parallel_loop3A_1088 = arith.index_cast %parallel_loop3A_929 : i32 to index
        %parallel_loop3A_1089 = arith.index_cast %parallel_loop3A_1087 : i32 to index
        %parallel_loop3A_1090 = arith.index_cast %parallel_loop3A_1086 : i32 to index
        %parallel_loop3A_1091 = tpu.vector_load %arg9[%parallel_loop3A_1088, %parallel_loop3A_1089, %parallel_loop3A_1090] {strides = array<i32>} : memref<32x8x128xf32, #tpu.memory_space<vmem>>, vector<16xf32>,
        tpu.vector_store %arg9[%parallel_loop3A_1088, %parallel_loop3A_1089, %parallel_loop3A_1090], %parallel_loop3A_1084 {strides = array<i32>} : memref<32x8x128xf32, #tpu.memory_space<vmem>>, vector<16xf32>,
      } {sc.loop_unroll_factor = 8 : i64, sc.parallel_access}
      %mul3A_737 = arith.constant 1024 : i32
      %mul3A_738 = arith.muli %select_n3A_668, %mul3A_737 : i32
      %add3A_739 = arith.constant 0 : i32
      %add3A_740 = arith.addi %mul3A_738, %add3A_739 : i32
      %mul3A_741 = arith.constant 4 : i32
      %mul3A_742 = arith.muli %select_n3A_684, %mul3A_741 : i32
      %add3A_743 = arith.addi %add3A_740, %mul3A_742 : i32
      %dma_start3A_744 = arith.constant 0 : i32
      %dma_start3A_745 = arith.constant 0 : i32
      %dma_start3A_746 = arith.constant 0 : i32
      %dma_start3A_747 = tpu.memref_slice %arg9[%dma_start3A_744, %dma_start3A_745, %dma_start3A_746] : memref<32x8x128xf32, #tpu.memory_space<vmem>> -> memref<4x8x128xf32, #tpu.memory_space<vmem>>
      %dma_start3A_748 = arith.constant 0 : i32
      %dma_start3A_749 = arith.constant 0 : i32
      %dma_start3A_750 = tpu.memref_slice %arg4[%add3A_743, %dma_start3A_748, %dma_start3A_749] : memref<51200x8x128xf32, #tpu.memory_space<hbm>> -> memref<4x8x128xf32, #tpu.memory_space<hbm>>
      %dma_start3A_751 = arith.constant 0 : i32
      %dma_start3A_752 = arith.constant 0 : i32
      %dma_start3A_753 = tpu.memref_slice %arg4[%add3A_743, %dma_start3A_751, %dma_start3A_752] : memref<51200x8x128xf32, #tpu.memory_space<hbm>> -> memref<4x8x128xf32, #tpu.memory_space<hbm>>
      %dma_start3A_754 = arith.constant 0 : i32
      %dma_start3A_755 = arith.constant 0 : i32
      %dma_start3A_756 = arith.constant 0 : i32
      %dma_start3A_757 = tpu.memref_slice %arg9[%dma_start3A_754, %dma_start3A_755, %dma_start3A_756] : memref<32x8x128xf32, #tpu.memory_space<vmem>> -> memref<4x8x128xf32, #tpu.memory_space<vmem>>
      tpu.enqueue_dma source(%dma_start3A_757 : memref<4x8x128xf32, #tpu.memory_space<vmem>>) target(%dma_start3A_753 : memref<4x8x128xf32, #tpu.memory_space<hbm>>) target_semaphore(%arg11 : memref<!tpu.dma_semaphore, #tpu.memory_space<semaphore_mem>>)
      %mul3A_758 = arith.constant 1024 : i32
      %mul3A_759 = arith.muli %select_n3A_668, %mul3A_758 : i32
      %add3A_760 = arith.constant 128 : i32
      %add3A_761 = arith.addi %mul3A_759, %add3A_760 : i32
      %mul3A_762 = arith.constant 4 : i32
      %mul3A_763 = arith.muli %select_n3A_684, %mul3A_762 : i32
      %add3A_764 = arith.addi %add3A_761, %mul3A_763 : i32
      %dma_start3A_765 = arith.constant 4 : i32
      %dma_start3A_766 = arith.constant 0 : i32
      %dma_start3A_767 = arith.constant 0 : i32
      %dma_start3A_768 = tpu.memref_slice %arg9[%dma_start3A_765, %dma_start3A_766, %dma_start3A_767] : memref<32x8x128xf32, #tpu.memory_space<vmem>> -> memref<4x8x128xf32, #tpu.memory_space<vmem>>
      %dma_start3A_769 = arith.constant 0 : i32
      %dma_start3A_770 = arith.constant 0 : i32
      %dma_start3A_771 = tpu.memref_slice %arg4[%add3A_764, %dma_start3A_769, %dma_start3A_770] : memref<51200x8x128xf32, #tpu.memory_space<hbm>> -> memref<4x8x128xf32, #tpu.memory_space<hbm>>
      %dma_start3A_772 = arith.constant 0 : i32
      %dma_start3A_773 = arith.constant 0 : i32
      %dma_start3A_774 = tpu.memref_slice %arg4[%add3A_764, %dma_start3A_772, %dma_start3A_773] : memref<51200x8x128xf32, #tpu.memory_space<hbm>> -> memref<4x8x128xf32, #tpu.memory_space<hbm>>
      %dma_start3A_775 = arith.constant 4 : i32
      %dma_start3A_776 = arith.constant 0 : i32
      %dma_start3A_777 = arith.constant 0 : i32
      %dma_start3A_778 = tpu.memref_slice %arg9[%dma_start3A_775, %dma_start3A_776, %dma_start3A_777] : memref<32x8x128xf32, #tpu.memory_space<vmem>> -> memref<4x8x128xf32, #tpu.memory_space<vmem>>
      tpu.enqueue_dma source(%dma_start3A_778 : memref<4x8x128xf32, #tpu.memory_space<vmem>>) target(%dma_start3A_774 : memref<4x8x128xf32, #tpu.memory_space<hbm>>) target_semaphore(%arg11 : memref<!tpu.dma_semaphore, #tpu.memory_space<semaphore_mem>>)
      %mul3A_779 = arith.constant 1024 : i32
      %mul3A_780 = arith.muli %select_n3A_668, %mul3A_779 : i32
      %add3A_781 = arith.constant 256 : i32
      %add3A_782 = arith.addi %mul3A_780, %add3A_781 : i32
      %mul3A_783 = arith.constant 4 : i32
      %mul3A_784 = arith.muli %select_n3A_684, %mul3A_783 : i32
      %add3A_785 = arith.addi %add3A_782, %mul3A_784 : i32
      %dma_start3A_786 = arith.constant 8 : i32
      %dma_start3A_787 = arith.constant 0 : i32
      %dma_start3A_788 = arith.constant 0 : i32
      %dma_start3A_789 = tpu.memref_slice %arg9[%dma_start3A_786, %dma_start3A_787, %dma_start3A_788] : memref<32x8x128xf32, #tpu.memory_space<vmem>> -> memref<4x8x128xf32, #tpu.memory_space<vmem>>
      %dma_start3A_790 = arith.constant 0 : i32
      %dma_start3A_791 = arith.constant 0 : i32
      %dma_start3A_792 = tpu.memref_slice %arg4[%add3A_785, %dma_start3A_790, %dma_start3A_791] : memref<51200x8x128xf32, #tpu.memory_space<hbm>> -> memref<4x8x128xf32, #tpu.memory_space<hbm>>
      %dma_start3A_793 = arith.constant 0 : i32
      %dma_start3A_794 = arith.constant 0 : i32
      %dma_start3A_795 = tpu.memref_slice %arg4[%add3A_785, %dma_start3A_793, %dma_start3A_794] : memref<51200x8x128xf32, #tpu.memory_space<hbm>> -> memref<4x8x128xf32, #tpu.memory_space<hbm>>
      %dma_start3A_796 = arith.constant 8 : i32
      %dma_start3A_797 = arith.constant 0 : i32
      %dma_start3A_798 = arith.constant 0 : i32
      %dma_start3A_799 = tpu.memref_slice %arg9[%dma_start3A_796, %dma_start3A_797, %dma_start3A_798] : memref<32x8x128xf32, #tpu.memory_space<vmem>> -> memref<4x8x128xf32, #tpu.memory_space<vmem>>
      tpu.enqueue_dma source(%dma_start3A_799 : memref<4x8x128xf32, #tpu.memory_space<vmem>>) target(%dma_start3A_795 : memref<4x8x128xf32, #tpu.memory_space<hbm>>) target_semaphore(%arg11 : memref<!tpu.dma_semaphore, #tpu.memory_space<semaphore_mem>>)
      %mul3A_800 = arith.constant 1024 : i32
      %mul3A_801 = arith.muli %select_n3A_668, %mul3A_800 : i32
      %add3A_802 = arith.constant 384 : i32
      %add3A_803 = arith.addi %mul3A_801, %add3A_802 : i32
      %mul3A_804 = arith.constant 4 : i32
      %mul3A_805 = arith.muli %select_n3A_684, %mul3A_804 : i32
      %add3A_806 = arith.addi %add3A_803, %mul3A_805 : i32
      %dma_start3A_807 = arith.constant 12 : i32
      %dma_start3A_808 = arith.constant 0 : i32
      %dma_start3A_809 = arith.constant 0 : i32
      %dma_start3A_810 = tpu.memref_slice %arg9[%dma_start3A_807, %dma_start3A_808, %dma_start3A_809] : memref<32x8x128xf32, #tpu.memory_space<vmem>> -> memref<4x8x128xf32, #tpu.memory_space<vmem>>
      %dma_start3A_811 = arith.constant 0 : i32
      %dma_start3A_812 = arith.constant 0 : i32
      %dma_start3A_813 = tpu.memref_slice %arg4[%add3A_806, %dma_start3A_811, %dma_start3A_812] : memref<51200x8x128xf32, #tpu.memory_space<hbm>> -> memref<4x8x128xf32, #tpu.memory_space<hbm>>
      %dma_start3A_814 = arith.constant 0 : i32
      %dma_start3A_815 = arith.constant 0 : i32
      %dma_start3A_816 = tpu.memref_slice %arg4[%add3A_806, %dma_start3A_814, %dma_start3A_815] : memref<51200x8x128xf32, #tpu.memory_space<hbm>> -> memref<4x8x128xf32, #tpu.memory_space<hbm>>
      %dma_start3A_817 = arith.constant 12 : i32
      %dma_start3A_818 = arith.constant 0 : i32
      %dma_start3A_819 = arith.constant 0 : i32
      %dma_start3A_820 = tpu.memref_slice %arg9[%dma_start3A_817, %dma_start3A_818, %dma_start3A_819] : memref<32x8x128xf32, #tpu.memory_space<vmem>> -> memref<4x8x128xf32, #tpu.memory_space<vmem>>
      tpu.enqueue_dma source(%dma_start3A_820 : memref<4x8x128xf32, #tpu.memory_space<vmem>>) target(%dma_start3A_816 : memref<4x8x128xf32, #tpu.memory_space<hbm>>) target_semaphore(%arg11 : memref<!tpu.dma_semaphore, #tpu.memory_space<semaphore_mem>>)
      %mul3A_821 = arith.constant 1024 : i32
      %mul3A_822 = arith.muli %select_n3A_668, %mul3A_821 : i32
      %add3A_823 = arith.constant 512 : i32
      %add3A_824 = arith.addi %mul3A_822, %add3A_823 : i32
      %mul3A_825 = arith.constant 4 : i32
      %mul3A_826 = arith.muli %select_n3A_684, %mul3A_825 : i32
      %add3A_827 = arith.addi %add3A_824, %mul3A_826 : i32
      %dma_start3A_828 = arith.constant 16 : i32
      %dma_start3A_829 = arith.constant 0 : i32
      %dma_start3A_830 = arith.constant 0 : i32
      %dma_start3A_831 = tpu.memref_slice %arg9[%dma_start3A_828, %dma_start3A_829, %dma_start3A_830] : memref<32x8x128xf32, #tpu.memory_space<vmem>> -> memref<4x8x128xf32, #tpu.memory_space<vmem>>
      %dma_start3A_832 = arith.constant 0 : i32
      %dma_start3A_833 = arith.constant 0 : i32
      %dma_start3A_834 = tpu.memref_slice %arg4[%add3A_827, %dma_start3A_832, %dma_start3A_833] : memref<51200x8x128xf32, #tpu.memory_space<hbm>> -> memref<4x8x128xf32, #tpu.memory_space<hbm>>
      %dma_start3A_835 = arith.constant 0 : i32
      %dma_start3A_836 = arith.constant 0 : i32
      %dma_start3A_837 = tpu.memref_slice %arg4[%add3A_827, %dma_start3A_835, %dma_start3A_836] : memref<51200x8x128xf32, #tpu.memory_space<hbm>> -> memref<4x8x128xf32, #tpu.memory_space<hbm>>
      %dma_start3A_838 = arith.constant 16 : i32
      %dma_start3A_839 = arith.constant 0 : i32
      %dma_start3A_840 = arith.constant 0 : i32
      %dma_start3A_841 = tpu.memref_slice %arg9[%dma_start3A_838, %dma_start3A_839, %dma_start3A_840] : memref<32x8x128xf32, #tpu.memory_space<vmem>> -> memref<4x8x128xf32, #tpu.memory_space<vmem>>
      tpu.enqueue_dma source(%dma_start3A_841 : memref<4x8x128xf32, #tpu.memory_space<vmem>>) target(%dma_start3A_837 : memref<4x8x128xf32, #tpu.memory_space<hbm>>) target_semaphore(%arg11 : memref<!tpu.dma_semaphore, #tpu.memory_space<semaphore_mem>>)
      %mul3A_842 = arith.constant 1024 : i32
      %mul3A_843 = arith.muli %select_n3A_668, %mul3A_842 : i32
      %add3A_844 = arith.constant 640 : i32
      %add3A_845 = arith.addi %mul3A_843, %add3A_844 : i32
      %mul3A_846 = arith.constant 4 : i32
      %mul3A_847 = arith.muli %select_n3A_684, %mul3A_846 : i32
      %add3A_848 = arith.addi %add3A_845, %mul3A_847 : i32
      %dma_start3A_849 = arith.constant 20 : i32
      %dma_start3A_850 = arith.constant 0 : i32
      %dma_start3A_851 = arith.constant 0 : i32
      %dma_start3A_852 = tpu.memref_slice %arg9[%dma_start3A_849, %dma_start3A_850, %dma_start3A_851] : memref<32x8x128xf32, #tpu.memory_space<vmem>> -> memref<4x8x128xf32, #tpu.memory_space<vmem>>
      %dma_start3A_853 = arith.constant 0 : i32
      %dma_start3A_854 = arith.constant 0 : i32
      %dma_start3A_855 = tpu.memref_slice %arg4[%add3A_848, %dma_start3A_853, %dma_start3A_854] : memref<51200x8x128xf32, #tpu.memory_space<hbm>> -> memref<4x8x128xf32, #tpu.memory_space<hbm>>
      %dma_start3A_856 = arith.constant 0 : i32
      %dma_start3A_857 = arith.constant 0 : i32
      %dma_start3A_858 = tpu.memref_slice %arg4[%add3A_848, %dma_start3A_856, %dma_start3A_857] : memref<51200x8x128xf32, #tpu.memory_space<hbm>> -> memref<4x8x128xf32, #tpu.memory_space<hbm>>
      %dma_start3A_859 = arith.constant 20 : i32
      %dma_start3A_860 = arith.constant 0 : i32
      %dma_start3A_861 = arith.constant 0 : i32
      %dma_start3A_862 = tpu.memref_slice %arg9[%dma_start3A_859, %dma_start3A_860, %dma_start3A_861] : memref<32x8x128xf32, #tpu.memory_space<vmem>> -> memref<4x8x128xf32, #tpu.memory_space<vmem>>
      tpu.enqueue_dma source(%dma_start3A_862 : memref<4x8x128xf32, #tpu.memory_space<vmem>>) target(%dma_start3A_858 : memref<4x8x128xf32, #tpu.memory_space<hbm>>) target_semaphore(%arg11 : memref<!tpu.dma_semaphore, #tpu.memory_space<semaphore_mem>>)
      %mul3A_863 = arith.constant 1024 : i32
      %mul3A_864 = arith.muli %select_n3A_668, %mul3A_863 : i32
      %add3A_865 = arith.constant 768 : i32
      %add3A_866 = arith.addi %mul3A_864, %add3A_865 : i32
      %mul3A_867 = arith.constant 4 : i32
      %mul3A_868 = arith.muli %select_n3A_684, %mul3A_867 : i32
      %add3A_869 = arith.addi %add3A_866, %mul3A_868 : i32
      %dma_start3A_870 = arith.constant 24 : i32
      %dma_start3A_871 = arith.constant 0 : i32
      %dma_start3A_872 = arith.constant 0 : i32
      %dma_start3A_873 = tpu.memref_slice %arg9[%dma_start3A_870, %dma_start3A_871, %dma_start3A_872] : memref<32x8x128xf32, #tpu.memory_space<vmem>> -> memref<4x8x128xf32, #tpu.memory_space<vmem>>
      %dma_start3A_874 = arith.constant 0 : i32
      %dma_start3A_875 = arith.constant 0 : i32
      %dma_start3A_876 = tpu.memref_slice %arg4[%add3A_869, %dma_start3A_874, %dma_start3A_875] : memref<51200x8x128xf32, #tpu.memory_space<hbm>> -> memref<4x8x128xf32, #tpu.memory_space<hbm>>
      %dma_start3A_877 = arith.constant 0 : i32
      %dma_start3A_878 = arith.constant 0 : i32
      %dma_start3A_879 = tpu.memref_slice %arg4[%add3A_869, %dma_start3A_877, %dma_start3A_878] : memref<51200x8x128xf32, #tpu.memory_space<hbm>> -> memref<4x8x128xf32, #tpu.memory_space<hbm>>
      %dma_start3A_880 = arith.constant 24 : i32
      %dma_start3A_881 = arith.constant 0 : i32
      %dma_start3A_882 = arith.constant 0 : i32
      %dma_start3A_883 = tpu.memref_slice %arg9[%dma_start3A_880, %dma_start3A_881, %dma_start3A_882] : memref<32x8x128xf32, #tpu.memory_space<vmem>> -> memref<4x8x128xf32, #tpu.memory_space<vmem>>
      tpu.enqueue_dma source(%dma_start3A_883 : memref<4x8x128xf32, #tpu.memory_space<vmem>>) target(%dma_start3A_879 : memref<4x8x128xf32, #tpu.memory_space<hbm>>) target_semaphore(%arg11 : memref<!tpu.dma_semaphore, #tpu.memory_space<semaphore_mem>>)
      %mul3A_884 = arith.constant 1024 : i32
      %mul3A_885 = arith.muli %select_n3A_668, %mul3A_884 : i32
      %add3A_886 = arith.constant 896 : i32
      %add3A_887 = arith.addi %mul3A_885, %add3A_886 : i32
      %mul3A_888 = arith.constant 4 : i32
      %mul3A_889 = arith.muli %select_n3A_684, %mul3A_888 : i32
      %add3A_890 = arith.addi %add3A_887, %mul3A_889 : i32
      %dma_start3A_891 = arith.constant 28 : i32
      %dma_start3A_892 = arith.constant 0 : i32
      %dma_start3A_893 = arith.constant 0 : i32
      %dma_start3A_894 = tpu.memref_slice %arg9[%dma_start3A_891, %dma_start3A_892, %dma_start3A_893] : memref<32x8x128xf32, #tpu.memory_space<vmem>> -> memref<4x8x128xf32, #tpu.memory_space<vmem>>
      %dma_start3A_895 = arith.constant 0 : i32
      %dma_start3A_896 = arith.constant 0 : i32
      %dma_start3A_897 = tpu.memref_slice %arg4[%add3A_890, %dma_start3A_895, %dma_start3A_896] : memref<51200x8x128xf32, #tpu.memory_space<hbm>> -> memref<4x8x128xf32, #tpu.memory_space<hbm>>
      %dma_start3A_898 = arith.constant 0 : i32
      %dma_start3A_899 = arith.constant 0 : i32
      %dma_start3A_900 = tpu.memref_slice %arg4[%add3A_890, %dma_start3A_898, %dma_start3A_899] : memref<51200x8x128xf32, #tpu.memory_space<hbm>> -> memref<4x8x128xf32, #tpu.memory_space<hbm>>
      %dma_start3A_901 = arith.constant 28 : i32
      %dma_start3A_902 = arith.constant 0 : i32
      %dma_start3A_903 = arith.constant 0 : i32
      %dma_start3A_904 = tpu.memref_slice %arg9[%dma_start3A_901, %dma_start3A_902, %dma_start3A_903] : memref<32x8x128xf32, #tpu.memory_space<vmem>> -> memref<4x8x128xf32, #tpu.memory_space<vmem>>
      tpu.enqueue_dma source(%dma_start3A_904 : memref<4x8x128xf32, #tpu.memory_space<vmem>>) target(%dma_start3A_900 : memref<4x8x128xf32, #tpu.memory_space<hbm>>) target_semaphore(%arg11 : memref<!tpu.dma_semaphore, #tpu.memory_space<semaphore_mem>>)
    }
    %scan3A_431 = arith.constant 50 : i32
    %add3A_432 = arith.constant 50 : i32
    %add3A_433 = arith.addi %mul3A_2, %add3A_432 : i32
    %sub3A_434 = arith.constant 1 : i32
    %sub3A_435 = arith.subi %add3A_433, %sub3A_434 : i32
    %jit3A_436 = arith.constant 32 : i32
    %div3A_437 = arith.divsi %sub3A_435, %jit3A_436 : i32
    %sign3A_438 = arith.constant 0 : i32
    %sign3A_439 = arith.cmpi sgt, %sub3A_435, %sign3A_438 : i32
    %sign3A_440 = arith.extui %sign3A_439 : i1 to i32
    %sign3A_441 = arith.constant 0 : i32
    %sign3A_442 = arith.cmpi slt, %sub3A_435, %sign3A_441 : i32
    %sign3A_443 = arith.extui %sign3A_442 : i1 to i32
    %sign3A_444 = arith.subi %sign3A_440, %sign3A_443 : i32
    %sign3A_445 = arith.constant 0 : i32
    %sign3A_446 = arith.cmpi sgt, %jit3A_436, %sign3A_445 : i32
    %sign3A_447 = arith.extui %sign3A_446 : i1 to i32
    %sign3A_448 = arith.constant 0 : i32
    %sign3A_449 = arith.cmpi slt, %jit3A_436, %sign3A_448 : i32
    %sign3A_450 = arith.extui %sign3A_449 : i1 to i32
    %sign3A_451 = arith.subi %sign3A_447, %sign3A_450 : i32
    %ne3A_452 = arith.cmpi ne, %sign3A_444, %sign3A_451 : i32
    %rem3A_453 = arith.remsi %sub3A_435, %jit3A_436 : i32
    %ne3A_454 = arith.constant 0 : i32
    %ne3A_455 = arith.cmpi ne, %rem3A_453, %ne3A_454 : i32
    %and3A_456 = arith.andi %ne3A_452, %ne3A_455 : i1
    %sub3A_457 = arith.constant 1 : i32
    %sub3A_458 = arith.subi %div3A_437, %sub3A_457 : i32
    %select_n3A_459 = arith.select %and3A_456, %sub3A_458, %div3A_437 : i32
    %jit3A_460 = arith.constant 32 : i32
    %eq3A_461 = arith.constant 0 : i32
    %eq3A_462 = arith.cmpi eq, %jit3A_460, %eq3A_461 : i32
    %jit3A_463 = arith.constant 1 : i32
    %select_n3A_464 = arith.select %eq3A_462, %jit3A_463, %jit3A_460 : i32
    %rem3A_465 = arith.remsi %sub3A_435, %select_n3A_464 : i32
    %ne3A_466 = arith.constant 0 : i32
    %ne3A_467 = arith.cmpi ne, %rem3A_465, %ne3A_466 : i32
    %lt3A_468 = arith.constant 0 : i32
    %lt3A_469 = arith.cmpi slt, %rem3A_465, %lt3A_468 : i32
    %lt3A_470 = arith.constant 0 : i32
    %lt3A_471 = arith.cmpi slt, %select_n3A_464, %lt3A_470 : i32
    %ne3A_472 = arith.xori %lt3A_469, %lt3A_471 : i1
    %and3A_473 = arith.andi %ne3A_472, %ne3A_467 : i1
    %add3A_474 = arith.addi %rem3A_465, %select_n3A_464 : i32
    %select_n3A_475 = arith.select %and3A_473, %add3A_474, %rem3A_465 : i32
    %mul3A_476 = arith.constant 1024 : i32
    %mul3A_477 = arith.muli %select_n3A_459, %mul3A_476 : i32
    %add3A_478 = arith.constant 0 : i32
    %add3A_479 = arith.addi %mul3A_477, %add3A_478 : i32
    %mul3A_480 = arith.constant 4 : i32
    %mul3A_481 = arith.muli %select_n3A_475, %mul3A_480 : i32
    %add3A_482 = arith.addi %add3A_479, %mul3A_481 : i32
    %dma_wait3A = arith.constant 0 : i32
    %dma_wait3A_483 = arith.constant 0 : i32
    %dma_wait3A_484 = arith.constant 0 : i32
    %dma_wait3A_485 = tpu.memref_slice %arg9[%dma_wait3A, %dma_wait3A_483, %dma_wait3A_484] : memref<32x8x128xf32, #tpu.memory_space<vmem>> -> memref<4x8x128xf32, #tpu.memory_space<vmem>>
    %dma_wait3A_486 = arith.constant 0 : i32
    %dma_wait3A_487 = arith.constant 0 : i32
    %dma_wait3A_488 = tpu.memref_slice %arg4[%add3A_482, %dma_wait3A_486, %dma_wait3A_487] : memref<51200x8x128xf32, #tpu.memory_space<hbm>> -> memref<4x8x128xf32, #tpu.memory_space<hbm>>
    %dma_wait3A_489 = arith.constant 0 : i32
    %dma_wait3A_490 = arith.constant 0 : i32
    %dma_wait3A_491 = tpu.memref_slice %arg4[%add3A_482, %dma_wait3A_489, %dma_wait3A_490] : memref<51200x8x128xf32, #tpu.memory_space<hbm>> -> memref<4x8x128xf32, #tpu.memory_space<hbm>>
    %dma_wait3A_492 = arith.constant 0 : i32
    %dma_wait3A_493 = arith.constant 0 : i32
    %dma_wait3A_494 = arith.constant 0 : i32
    %dma_wait3A_495 = tpu.memref_slice %arg9[%dma_wait3A_492, %dma_wait3A_493, %dma_wait3A_494] : memref<32x8x128xf32, #tpu.memory_space<vmem>> -> memref<4x8x128xf32, #tpu.memory_space<vmem>>
    tpu.wait_dma2 semaphore(%arg11 : memref<!tpu.dma_semaphore, #tpu.memory_space<semaphore_mem>>) src(%dma_wait3A_495 : memref<4x8x128xf32, #tpu.memory_space<vmem>>) dst(%dma_wait3A_491 : memref<4x8x128xf32, #tpu.memory_space<hbm>>)
    %mul3A_496 = arith.constant 1024 : i32
    %mul3A_497 = arith.muli %select_n3A_459, %mul3A_496 : i32
    %add3A_498 = arith.constant 128 : i32
    %add3A_499 = arith.addi %mul3A_497, %add3A_498 : i32
    %mul3A_500 = arith.constant 4 : i32
    %mul3A_501 = arith.muli %select_n3A_475, %mul3A_500 : i32
    %add3A_502 = arith.addi %add3A_499, %mul3A_501 : i32
    %dma_wait3A_503 = arith.constant 4 : i32
    %dma_wait3A_504 = arith.constant 0 : i32
    %dma_wait3A_505 = arith.constant 0 : i32
    %dma_wait3A_506 = tpu.memref_slice %arg9[%dma_wait3A_503, %dma_wait3A_504, %dma_wait3A_505] : memref<32x8x128xf32, #tpu.memory_space<vmem>> -> memref<4x8x128xf32, #tpu.memory_space<vmem>>
    %dma_wait3A_507 = arith.constant 0 : i32
    %dma_wait3A_508 = arith.constant 0 : i32
    %dma_wait3A_509 = tpu.memref_slice %arg4[%add3A_502, %dma_wait3A_507, %dma_wait3A_508] : memref<51200x8x128xf32, #tpu.memory_space<hbm>> -> memref<4x8x128xf32, #tpu.memory_space<hbm>>
    %dma_wait3A_510 = arith.constant 0 : i32
    %dma_wait3A_511 = arith.constant 0 : i32
    %dma_wait3A_512 = tpu.memref_slice %arg4[%add3A_502, %dma_wait3A_510, %dma_wait3A_511] : memref<51200x8x128xf32, #tpu.memory_space<hbm>> -> memref<4x8x128xf32, #tpu.memory_space<hbm>>
    %dma_wait3A_513 = arith.constant 4 : i32
    %dma_wait3A_514 = arith.constant 0 : i32
    %dma_wait3A_515 = arith.constant 0 : i32
    %dma_wait3A_516 = tpu.memref_slice %arg9[%dma_wait3A_513, %dma_wait3A_514, %dma_wait3A_515] : memref<32x8x128xf32, #tpu.memory_space<vmem>> -> memref<4x8x128xf32, #tpu.memory_space<vmem>>
    tpu.wait_dma2 semaphore(%arg11 : memref<!tpu.dma_semaphore, #tpu.memory_space<semaphore_mem>>) src(%dma_wait3A_516 : memref<4x8x128xf32, #tpu.memory_space<vmem>>) dst(%dma_wait3A_512 : memref<4x8x128xf32, #tpu.memory_space<hbm>>)
    %mul3A_517 = arith.constant 1024 : i32
    %mul3A_518 = arith.muli %select_n3A_459, %mul3A_517 : i32
    %add3A_519 = arith.constant 256 : i32
    %add3A_520 = arith.addi %mul3A_518, %add3A_519 : i32
    %mul3A_521 = arith.constant 4 : i32
    %mul3A_522 = arith.muli %select_n3A_475, %mul3A_521 : i32
    %add3A_523 = arith.addi %add3A_520, %mul3A_522 : i32
    %dma_wait3A_524 = arith.constant 8 : i32
    %dma_wait3A_525 = arith.constant 0 : i32
    %dma_wait3A_526 = arith.constant 0 : i32
    %dma_wait3A_527 = tpu.memref_slice %arg9[%dma_wait3A_524, %dma_wait3A_525, %dma_wait3A_526] : memref<32x8x128xf32, #tpu.memory_space<vmem>> -> memref<4x8x128xf32, #tpu.memory_space<vmem>>
    %dma_wait3A_528 = arith.constant 0 : i32
    %dma_wait3A_529 = arith.constant 0 : i32
    %dma_wait3A_530 = tpu.memref_slice %arg4[%add3A_523, %dma_wait3A_528, %dma_wait3A_529] : memref<51200x8x128xf32, #tpu.memory_space<hbm>> -> memref<4x8x128xf32, #tpu.memory_space<hbm>>
    %dma_wait3A_531 = arith.constant 0 : i32
    %dma_wait3A_532 = arith.constant 0 : i32
    %dma_wait3A_533 = tpu.memref_slice %arg4[%add3A_523, %dma_wait3A_531, %dma_wait3A_532] : memref<51200x8x128xf32, #tpu.memory_space<hbm>> -> memref<4x8x128xf32, #tpu.memory_space<hbm>>
    %dma_wait3A_534 = arith.constant 8 : i32
    %dma_wait3A_535 = arith.constant 0 : i32
    %dma_wait3A_536 = arith.constant 0 : i32
    %dma_wait3A_537 = tpu.memref_slice %arg9[%dma_wait3A_534, %dma_wait3A_535, %dma_wait3A_536] : memref<32x8x128xf32, #tpu.memory_space<vmem>> -> memref<4x8x128xf32, #tpu.memory_space<vmem>>
    tpu.wait_dma2 semaphore(%arg11 : memref<!tpu.dma_semaphore, #tpu.memory_space<semaphore_mem>>) src(%dma_wait3A_537 : memref<4x8x128xf32, #tpu.memory_space<vmem>>) dst(%dma_wait3A_533 : memref<4x8x128xf32, #tpu.memory_space<hbm>>)
    %mul3A_538 = arith.constant 1024 : i32
    %mul3A_539 = arith.muli %select_n3A_459, %mul3A_538 : i32
    %add3A_540 = arith.constant 384 : i32
    %add3A_541 = arith.addi %mul3A_539, %add3A_540 : i32
    %mul3A_542 = arith.constant 4 : i32
    %mul3A_543 = arith.muli %select_n3A_475, %mul3A_542 : i32
    %add3A_544 = arith.addi %add3A_541, %mul3A_543 : i32
    %dma_wait3A_545 = arith.constant 12 : i32
    %dma_wait3A_546 = arith.constant 0 : i32
    %dma_wait3A_547 = arith.constant 0 : i32
    %dma_wait3A_548 = tpu.memref_slice %arg9[%dma_wait3A_545, %dma_wait3A_546, %dma_wait3A_547] : memref<32x8x128xf32, #tpu.memory_space<vmem>> -> memref<4x8x128xf32, #tpu.memory_space<vmem>>
    %dma_wait3A_549 = arith.constant 0 : i32
    %dma_wait3A_550 = arith.constant 0 : i32
    %dma_wait3A_551 = tpu.memref_slice %arg4[%add3A_544, %dma_wait3A_549, %dma_wait3A_550] : memref<51200x8x128xf32, #tpu.memory_space<hbm>> -> memref<4x8x128xf32, #tpu.memory_space<hbm>>
    %dma_wait3A_552 = arith.constant 0 : i32
    %dma_wait3A_553 = arith.constant 0 : i32
    %dma_wait3A_554 = tpu.memref_slice %arg4[%add3A_544, %dma_wait3A_552, %dma_wait3A_553] : memref<51200x8x128xf32, #tpu.memory_space<hbm>> -> memref<4x8x128xf32, #tpu.memory_space<hbm>>
    %dma_wait3A_555 = arith.constant 12 : i32
    %dma_wait3A_556 = arith.constant 0 : i32
    %dma_wait3A_557 = arith.constant 0 : i32
    %dma_wait3A_558 = tpu.memref_slice %arg9[%dma_wait3A_555, %dma_wait3A_556, %dma_wait3A_557] : memref<32x8x128xf32, #tpu.memory_space<vmem>> -> memref<4x8x128xf32, #tpu.memory_space<vmem>>
    tpu.wait_dma2 semaphore(%arg11 : memref<!tpu.dma_semaphore, #tpu.memory_space<semaphore_mem>>) src(%dma_wait3A_558 : memref<4x8x128xf32, #tpu.memory_space<vmem>>) dst(%dma_wait3A_554 : memref<4x8x128xf32, #tpu.memory_space<hbm>>)
    %mul3A_559 = arith.constant 1024 : i32
    %mul3A_560 = arith.muli %select_n3A_459, %mul3A_559 : i32
    %add3A_561 = arith.constant 512 : i32
    %add3A_562 = arith.addi %mul3A_560, %add3A_561 : i32
    %mul3A_563 = arith.constant 4 : i32
    %mul3A_564 = arith.muli %select_n3A_475, %mul3A_563 : i32
    %add3A_565 = arith.addi %add3A_562, %mul3A_564 : i32
    %dma_wait3A_566 = arith.constant 16 : i32
    %dma_wait3A_567 = arith.constant 0 : i32
    %dma_wait3A_568 = arith.constant 0 : i32
    %dma_wait3A_569 = tpu.memref_slice %arg9[%dma_wait3A_566, %dma_wait3A_567, %dma_wait3A_568] : memref<32x8x128xf32, #tpu.memory_space<vmem>> -> memref<4x8x128xf32, #tpu.memory_space<vmem>>
    %dma_wait3A_570 = arith.constant 0 : i32
    %dma_wait3A_571 = arith.constant 0 : i32
    %dma_wait3A_572 = tpu.memref_slice %arg4[%add3A_565, %dma_wait3A_570, %dma_wait3A_571] : memref<51200x8x128xf32, #tpu.memory_space<hbm>> -> memref<4x8x128xf32, #tpu.memory_space<hbm>>
    %dma_wait3A_573 = arith.constant 0 : i32
    %dma_wait3A_574 = arith.constant 0 : i32
    %dma_wait3A_575 = tpu.memref_slice %arg4[%add3A_565, %dma_wait3A_573, %dma_wait3A_574] : memref<51200x8x128xf32, #tpu.memory_space<hbm>> -> memref<4x8x128xf32, #tpu.memory_space<hbm>>
    %dma_wait3A_576 = arith.constant 16 : i32
    %dma_wait3A_577 = arith.constant 0 : i32
    %dma_wait3A_578 = arith.constant 0 : i32
    %dma_wait3A_579 = tpu.memref_slice %arg9[%dma_wait3A_576, %dma_wait3A_577, %dma_wait3A_578] : memref<32x8x128xf32, #tpu.memory_space<vmem>> -> memref<4x8x128xf32, #tpu.memory_space<vmem>>
    tpu.wait_dma2 semaphore(%arg11 : memref<!tpu.dma_semaphore, #tpu.memory_space<semaphore_mem>>) src(%dma_wait3A_579 : memref<4x8x128xf32, #tpu.memory_space<vmem>>) dst(%dma_wait3A_575 : memref<4x8x128xf32, #tpu.memory_space<hbm>>)
    %mul3A_580 = arith.constant 1024 : i32
    %mul3A_581 = arith.muli %select_n3A_459, %mul3A_580 : i32
    %add3A_582 = arith.constant 640 : i32
    %add3A_583 = arith.addi %mul3A_581, %add3A_582 : i32
    %mul3A_584 = arith.constant 4 : i32
    %mul3A_585 = arith.muli %select_n3A_475, %mul3A_584 : i32
    %add3A_586 = arith.addi %add3A_583, %mul3A_585 : i32
    %dma_wait3A_587 = arith.constant 20 : i32
    %dma_wait3A_588 = arith.constant 0 : i32
    %dma_wait3A_589 = arith.constant 0 : i32
    %dma_wait3A_590 = tpu.memref_slice %arg9[%dma_wait3A_587, %dma_wait3A_588, %dma_wait3A_589] : memref<32x8x128xf32, #tpu.memory_space<vmem>> -> memref<4x8x128xf32, #tpu.memory_space<vmem>>
    %dma_wait3A_591 = arith.constant 0 : i32
    %dma_wait3A_592 = arith.constant 0 : i32
    %dma_wait3A_593 = tpu.memref_slice %arg4[%add3A_586, %dma_wait3A_591, %dma_wait3A_592] : memref<51200x8x128xf32, #tpu.memory_space<hbm>> -> memref<4x8x128xf32, #tpu.memory_space<hbm>>
    %dma_wait3A_594 = arith.constant 0 : i32
    %dma_wait3A_595 = arith.constant 0 : i32
    %dma_wait3A_596 = tpu.memref_slice %arg4[%add3A_586, %dma_wait3A_594, %dma_wait3A_595] : memref<51200x8x128xf32, #tpu.memory_space<hbm>> -> memref<4x8x128xf32, #tpu.memory_space<hbm>>
    %dma_wait3A_597 = arith.constant 20 : i32
    %dma_wait3A_598 = arith.constant 0 : i32
    %dma_wait3A_599 = arith.constant 0 : i32
    %dma_wait3A_600 = tpu.memref_slice %arg9[%dma_wait3A_597, %dma_wait3A_598, %dma_wait3A_599] : memref<32x8x128xf32, #tpu.memory_space<vmem>> -> memref<4x8x128xf32, #tpu.memory_space<vmem>>
    tpu.wait_dma2 semaphore(%arg11 : memref<!tpu.dma_semaphore, #tpu.memory_space<semaphore_mem>>) src(%dma_wait3A_600 : memref<4x8x128xf32, #tpu.memory_space<vmem>>) dst(%dma_wait3A_596 : memref<4x8x128xf32, #tpu.memory_space<hbm>>)
    %mul3A_601 = arith.constant 1024 : i32
    %mul3A_602 = arith.muli %select_n3A_459, %mul3A_601 : i32
    %add3A_603 = arith.constant 768 : i32
    %add3A_604 = arith.addi %mul3A_602, %add3A_603 : i32
    %mul3A_605 = arith.constant 4 : i32
    %mul3A_606 = arith.muli %select_n3A_475, %mul3A_605 : i32
    %add3A_607 = arith.addi %add3A_604, %mul3A_606 : i32
    %dma_wait3A_608 = arith.constant 24 : i32
    %dma_wait3A_609 = arith.constant 0 : i32
    %dma_wait3A_610 = arith.constant 0 : i32
    %dma_wait3A_611 = tpu.memref_slice %arg9[%dma_wait3A_608, %dma_wait3A_609, %dma_wait3A_610] : memref<32x8x128xf32, #tpu.memory_space<vmem>> -> memref<4x8x128xf32, #tpu.memory_space<vmem>>
    %dma_wait3A_612 = arith.constant 0 : i32
    %dma_wait3A_613 = arith.constant 0 : i32
    %dma_wait3A_614 = tpu.memref_slice %arg4[%add3A_607, %dma_wait3A_612, %dma_wait3A_613] : memref<51200x8x128xf32, #tpu.memory_space<hbm>> -> memref<4x8x128xf32, #tpu.memory_space<hbm>>
    %dma_wait3A_615 = arith.constant 0 : i32
    %dma_wait3A_616 = arith.constant 0 : i32
    %dma_wait3A_617 = tpu.memref_slice %arg4[%add3A_607, %dma_wait3A_615, %dma_wait3A_616] : memref<51200x8x128xf32, #tpu.memory_space<hbm>> -> memref<4x8x128xf32, #tpu.memory_space<hbm>>
    %dma_wait3A_618 = arith.constant 24 : i32
    %dma_wait3A_619 = arith.constant 0 : i32
    %dma_wait3A_620 = arith.constant 0 : i32
    %dma_wait3A_621 = tpu.memref_slice %arg9[%dma_wait3A_618, %dma_wait3A_619, %dma_wait3A_620] : memref<32x8x128xf32, #tpu.memory_space<vmem>> -> memref<4x8x128xf32, #tpu.memory_space<vmem>>
    tpu.wait_dma2 semaphore(%arg11 : memref<!tpu.dma_semaphore, #tpu.memory_space<semaphore_mem>>) src(%dma_wait3A_621 : memref<4x8x128xf32, #tpu.memory_space<vmem>>) dst(%dma_wait3A_617 : memref<4x8x128xf32, #tpu.memory_space<hbm>>)
    %mul3A_622 = arith.constant 1024 : i32
    %mul3A_623 = arith.muli %select_n3A_459, %mul3A_622 : i32
    %add3A_624 = arith.constant 896 : i32
    %add3A_625 = arith.addi %mul3A_623, %add3A_624 : i32
    %mul3A_626 = arith.constant 4 : i32
    %mul3A_627 = arith.muli %select_n3A_475, %mul3A_626 : i32
    %add3A_628 = arith.addi %add3A_625, %mul3A_627 : i32
    %dma_wait3A_629 = arith.constant 28 : i32
    %dma_wait3A_630 = arith.constant 0 : i32
    %dma_wait3A_631 = arith.constant 0 : i32
    %dma_wait3A_632 = tpu.memref_slice %arg9[%dma_wait3A_629, %dma_wait3A_630, %dma_wait3A_631] : memref<32x8x128xf32, #tpu.memory_space<vmem>> -> memref<4x8x128xf32, #tpu.memory_space<vmem>>
    %dma_wait3A_633 = arith.constant 0 : i32
    %dma_wait3A_634 = arith.constant 0 : i32
    %dma_wait3A_635 = tpu.memref_slice %arg4[%add3A_628, %dma_wait3A_633, %dma_wait3A_634] : memref<51200x8x128xf32, #tpu.memory_space<hbm>> -> memref<4x8x128xf32, #tpu.memory_space<hbm>>
    %dma_wait3A_636 = arith.constant 0 : i32
    %dma_wait3A_637 = arith.constant 0 : i32
    %dma_wait3A_638 = tpu.memref_slice %arg4[%add3A_628, %dma_wait3A_636, %dma_wait3A_637] : memref<51200x8x128xf32, #tpu.memory_space<hbm>> -> memref<4x8x128xf32, #tpu.memory_space<hbm>>
    %dma_wait3A_639 = arith.constant 28 : i32
    %dma_wait3A_640 = arith.constant 0 : i32
    %dma_wait3A_641 = arith.constant 0 : i32
    %dma_wait3A_642 = tpu.memref_slice %arg9[%dma_wait3A_639, %dma_wait3A_640, %dma_wait3A_641] : memref<32x8x128xf32, #tpu.memory_space<vmem>> -> memref<4x8x128xf32, #tpu.memory_space<vmem>>
    tpu.wait_dma2 semaphore(%arg11 : memref<!tpu.dma_semaphore, #tpu.memory_space<semaphore_mem>>) src(%dma_wait3A_642 : memref<4x8x128xf32, #tpu.memory_space<vmem>>) dst(%dma_wait3A_638 : memref<4x8x128xf32, #tpu.memory_space<hbm>>)
    return
  }
}

</mosaic_0001>

<sc_bundles>
// kernel: kernel.3.cloned.1.call-start
scs
__scs_entry_jumppad:
0x0: {  	(pc) =	sbr.rel $0x88, $3  }
0x1: {  	(tag) =	ssettag $0x0;
	lr =	simm.s32 $0x1  }
0x2: {  	[smem:$0x3F9F] =	sst lr;
	_ =	strace $0xD0000000  }
0x3: {  	_ = 	snop  }
0x4: {  	_ = 	snop  }
0x5: {  	_ = 	snop  }
0x6: {  	_ = 	snop  }
0x7: {  	_ = 	snop  }
__scs_overlays_trampoline_lowered:
0x8: {  	[smem:$0x3FAE] =	sst s0  }
0x9: {  	[smem:$0x3FAF] =	sst s1  }
0xa: {  	[smem:$0x3FB0] =	sst s2  }
0xb: {  	[smem:$0x3FB1] =	sst s3  }
0xc: {  	[smem:$0x3FB2] =	sst s4  }
0xd: {  	[smem:$0x3FB3] =	sst s5  }
0xe: {  	[smem:$0x3FB4] =	sst s6  }
0xf: {  	[smem:$0x3FB5] =	sst s7  }
0x10: {  	[smem:$0x3FB6] =	sst s8  }
0x11: {  	[smem:$0x3FB7] =	sst s9;
	s0 =	simm.s32 @!p0 $0x0  }
0x12: {  	s1 =	sld [smem:$0x3F9D];
	s0 =	simm.s32 @p0 $0x1  }
0x13: {  	[smem:$0x3FB8] =	sst s0;
	s0 =	simm.s32 @!p1 $0x0  }
0x14: {  	s2 =	sld [smem:$0x3F9C];
	s0 =	simm.s32 @p1 $0x1  }
0x15: {  	[smem:$0x3FB9] =	sst s0;
	s0 =	simm.s32 @!p2 $0x0  }
0x16: {  	s3 =	sld [smem:$0x3FDB];
	s0 =	simm.s32 @p2 $0x1  }
0x17: {  	s4 =	simm.s32 $0x1BF5;
	[smem:$0x3FBB] =	sst s0  }
0x18: {  	s0 =	sld [smem:$0x3F9E];
	_ =	swait.ge [sflag:s4], $0x0  }
0x19: {  	s7 =	sld [smem:$0x3F9F]  }
0x1a: {  	s8 =	sadd.s32 $0xFFFFE003, lr  }
0x1b: {  	s9 =	sadd.s32 $0xFFFFFEF7, lr;
	s5 =	simm.s32 $0xFFFFFFFF;
	p2 =	slt.u32 s8, $0xFFFFF086  }
0x1c: {  	p1 =	slt.u32 s9, $0xF7A;
	s5 =	simm.s32 @!p2 $0x0  }
0x1d: {  	s5 =	simm.s32 @p1 $0x1;
	p0 =	seq.s32 s7, s2  }
0x1e: {  	s7 =	smul.u32 @!p0 $0xF7A, s2;
	p2 =	seq.s32 @!p0 s5, $0x0  }
0x1f: {  	s9 =	smul.u32 $0xF7A, s1;
	s8 =	simm.s32 @!p0 $0x1BF5;
	p2 =	por !p2, p0  }
0x20: {  	[sflag:s8] =	ssyncset.s32 @!p0 $0xFFFFF086;
	s6 =	sadd.s32 @!p0 s3, s7;
	s7 =	simm.s32 @!p0 $0x108  }
0x21: {  	s3 =	sadd.s32 s3, s9;
	s6 =	sadd.s32 @!p0 $0x88, s6;
	s7 =	simm.s32 @p2 $0x1082  }
0x22: {  	[simem:s7], [sflag:s8] =	dma.local @!p0 [hbm:s6], $0xF7A  }
0x23: {  	s9 =	sor.u32 $0xD0000000, s2;
	s6 =	simm.s32 $0x108;
	_ =	swait.ge @!p0 [sflag:s8], $0x0  }
0x24: {  	s3 =	sadd.s32 $0x88, s3;
	s6 =	simm.s32 @!p1 $0x1082;
	[sflag:s4] =	ssyncset.s32 $0xFFFFF086  }
0x25: {  	[simem:s6], [sflag:s4] =	dma.local [hbm:s3], $0xF7A  }
0x26: {  	[smem:$0x3F9F] =	sst s1;
	(tag) =	ssettag s2;
	_ =	strace s9  }
0x27: {  	s1 =	sld [smem:$0x3FAF]  }
0x28: {  	s2 =	sld [smem:$0x3FB0]  }
0x29: {  	s4 =	sld [smem:$0x3FB2]  }
0x2a: {  	p0 =	seq.s32 s5, $0x0;
	s5 =	sld [smem:$0x3FB3]  }
0x2b: {  	s6 =	sld [smem:$0x3FB4]  }
0x2c: {  	s7 =	sld [smem:$0x3FB5]  }
0x2d: {  	s3 =	simm.s32 $0x108;
	s8 =	sld [smem:$0x3FB6]  }
0x2e: {  	s3 =	simm.s32 @!p0 $0x1082;
	s9 =	sld [smem:$0x3FB7]  }
0x2f: {  	lr =	sadd.s32 s0, s3;
	s0 =	sld [smem:$0x3FAE]  }
0x30: {  	s3 =	sld [smem:$0x3FB1]  }
0x31: {  	[smem:$0x3FBA] =	sst s10  }
0x32: {  	s10 =	sld [smem:$0x3FB8];
	_ =	sdelay $0x3  }
0x33: {  	p0 =	seq.s32 s10, $0x1;
	s10 =	sld [smem:$0x3FBA];
	_ =	sdelay $0x3  }
0x34: {  	[smem:$0x3FBA] =	sst s10  }
0x35: {  	s10 =	sld [smem:$0x3FB9];
	_ =	sdelay $0x3  }
0x36: {  	p1 =	seq.s32 s10, $0x1;
	s10 =	sld [smem:$0x3FBA];
	_ =	sdelay $0x3  }
0x37: {  	[smem:$0x3FBA] =	sst s10  }
0x38: {  	s10 =	sld [smem:$0x3FBB]  }
0x39: {  	_ = 	snop;
	(pc) =	sbr.ind lr, $3  }
0x3a: {  	_ = 	snop  }
0x3b: {  	_ = 	snop  }
0x3c: {  	p2 =	seq.s32 s10, $0x1;
	s10 =	sld [smem:$0x3FBA]  }
0x3d: {  	_ =	shalt  }
0x3e: {  	_ =	shalt  }
0x3f: {  	_ =	shalt  }
0x40: {  	_ =	shalt  }
0x41: {  	_ =	shalt  }
0x42: {  	_ =	shalt  }
0x43: {  	_ =	shalt  }
0x44: {  	_ =	shalt  }
0x45: {  	_ =	shalt  }
0x46: {  	_ =	shalt  }
0x47: {  	_ =	shalt  }
0x48: {  	_ =	shalt  }
0x49: {  	_ =	shalt  }
0x4a: {  	_ =	shalt  }
0x4b: {  	_ =	shalt  }
0x4c: {  	_ =	shalt  }
0x4d: {  	_ =	shalt  }
0x4e: {  	_ =	shalt  }
0x4f: {  	_ =	shalt  }
0x50: {  	_ =	shalt  }
0x51: {  	_ =	shalt  }
0x52: {  	_ =	shalt  }
0x53: {  	_ =	shalt  }
0x54: {  	_ =	shalt  }
0x55: {  	_ =	shalt  }
0x56: {  	_ =	shalt  }
0x57: {  	_ =	shalt  }
0x58: {  	_ =	shalt  }
0x59: {  	_ =	shalt  }
0x5a: {  	_ =	shalt  }
0x5b: {  	_ =	shalt  }
0x5c: {  	_ =	shalt  }
0x5d: {  	_ =	shalt  }
0x5e: {  	_ =	shalt  }
0x5f: {  	_ =	shalt  }
0x60: {  	_ =	shalt  }
0x61: {  	_ =	shalt  }
0x62: {  	_ =	shalt  }
0x63: {  	_ =	shalt  }
0x64: {  	_ =	shalt  }
0x65: {  	_ =	shalt  }
0x66: {  	_ =	shalt  }
0x67: {  	_ =	shalt  }
0x68: {  	_ =	shalt  }
0x69: {  	_ =	shalt  }
0x6a: {  	_ =	shalt  }
0x6b: {  	_ =	shalt  }
0x6c: {  	_ =	shalt  }
0x6d: {  	_ =	shalt  }
0x6e: {  	_ =	shalt  }
0x6f: {  	_ =	shalt  }
0x70: {  	_ =	shalt  }
0x71: {  	_ =	shalt  }
0x72: {  	_ =	shalt  }
0x73: {  	_ =	shalt  }
0x74: {  	_ =	shalt  }
0x75: {  	_ =	shalt  }
0x76: {  	_ =	shalt  }
0x77: {  	_ =	shalt  }
0x78: {  	_ =	shalt  }
0x79: {  	_ =	shalt  }
0x7a: {  	_ =	shalt  }
0x7b: {  	_ =	shalt  }
0x7c: {  	_ =	shalt  }
0x7d: {  	_ =	shalt  }
0x7e: {  	_ =	shalt  }
0x7f: {  	_ =	shalt  }
0x80: {  	_ =	shalt  }
0x81: {  	_ =	shalt  }
0x82: {  	_ =	shalt  }
0x83: {  	_ =	shalt  }
0x84: {  	_ =	shalt  }
0x85: {  	_ =	shalt  }
0x86: {  	_ =	shalt  }
0x87: {  	_ =	shalt  }
.Lfunc_end0:
.L_simem_size_0:
called_computation.1_lowered:
.L_overlay_start_0:
0x88: {  	s2 =	sld [smem:$0x3FD9]  }
0x89: {  	s3 =	sld [smem:$0x3FFE];
	_ =	sdelay $0x1  }
0x8a: {  	s1 =	srdreg.scid  }
0x8b: {  	s0 =	sand.u32 $0x1, s1  }
0x8c: {  	s17 =	sshll.u32 s0, $0xA;
	s2 =	sadd.s32 s3, s2  }
0x8d: {  	s2 =	sadd.s32 s2, s17  }
0x8e: {  	[smem:$0x3FC6] =	sst s2  }
0x8f: {  	_ = 	snop  }
0x90: {  	s2 =	sld [smem:$0x3FD0];
	(tm) =	ssettm $0x1  }
0x91: {  	s18 =	sld [smem:$0x3FFB];
	_ =	sdelay $0x3  }
0x92: {  	_ =	strace s18  }
0x93: {  	s3 =	sld [smem:$0x3FFC];
	_ =	sdelay $0x3  }
0x94: {  	_ =	strace s3  }
0x95: {  	s3 =	sld [smem:$0x3FFD];
	_ =	sdelay $0x3  }
0x96: {  	_ =	strace s3  }
0x97: {  	_ =	strace $0x8FFFFFFF  }
0x98: {  	s19 =	sld [smem:$0x3FDB];
	_ =	sdelay $0x1  }
0x99: {  	s4 =	simm.s32 $_scs_section_size  }
0x9a: {  	s5 =	simm.s32 $_size__tile_overlayer_lowered;
	s6 =	simm.s32 $_tile_overlayer_lowered  }
0x9b: {  	s22 =	simm.s32 $0x1BFF;
	s21 =	sshll.u32 s6, $0x1;
	s3 =	sadd.s32 s4, s19  }
0x9c: {  	s7 =	simm.s32 $0x0;
	s20 =	sshll.u32 s5, $0x1;
	s5 =	sadd.s32 s21, s3  }
0x9d: {  	[timem:s7], [sflag:s22] =	dma.local [hbm:s5], s20  }
0x9e: {  	_ =	swait.ge [sflag:s22], s20  }
0x9f: {  	s4 =	ssub.s32 $0x0, s20;
	[sflag:s22] =	ssyncset.done $0x0  }
0xa0: {  	[sflag:s22] =	ssyncadd.s32 s4;
	_ =	sdelay $0x1  }
0xa1: {  	s23 =	simm.s32 $0x1B8B  }
0xa2: {  	_ =	swait.ge [sflag:s23], $0x1  }
0xa3: {  	[sflag:s23] =	ssyncset.done $0x0  }
0xa4: {  	s25 =	simm.s32 $0x1B8E;
	s24 =	sld [smem:$0x3FFE];
	[sflag:s23] =	ssyncadd.s32 $0xFFFFFFFF  }
0xa5: {  	s26 =	simm.s32 $execute0_lowered;
	[smem:$0x3FD2] =	sst s25  }
0xa6: {  	s5 =	sshll.u32 s26, $0x1;
	_ =	strace $0x80000049;
	[dreg:$0x1] =	wrdreg $0xFFFFFFFF  }
0xa7: {  	s28 =	simm.s32 $_size_execute0_lowered;
	s3 =	sadd.s32 s3, s5;
	[dreg:$0x0] =	wrdreg $0x0  }
0xa8: {  	s5 =	sshll.u32 s28, $0x1;
	[dreg:$0x2] =	wrdreg s3  }
0xa9: {  	[dreg:$0x3] =	wrdreg s5  }
0xaa: {  	[dreg:$0x4] =	wrdreg $0xC0  }
0xab: {  	_ =	task [dreg:s7], $0x5FFFF  }
0xac: {  	[dreg:$0x1] =	wrdreg $0xFFFFFFFF  }
0xad: {  	[dreg:$0x0] =	wrdreg $0x60  }
0xae: {  	[dreg:$0x2] =	wrdreg s24  }
0xaf: {  	[dreg:$0x3] =	wrdreg s2  }
0xb0: {  	[dreg:$0x4] =	wrdreg $0x9  }
0xb1: {  	_ =	task.clear_ibuf [dreg:s7], $0x5FFFF;
	_ =	strace $0x90000049  }
0xb2: {  	s29 =	simm.s32 $0x9;
	_ =	strace $0x8000004B  }
0xb3: {  	_ =	swait.ge [sflag:s29], $0x1  }
0xb4: {  	[sflag:s29] =	ssyncadd.s32 $0xFFFFFFFF  }
0xb5: {  	_ =	strace $0x9000004B  }
0xb6: {  	_ =	sfence  }
0xb7: {  	s30 =	sld [smem:$0x0];
	_ =	sdelay $0x2  }
0xb8: {  	s31 =	sshll.u32 s1, $0xD;
	s1 =	sshrl.u32 s1, $0x2  }
0xb9: {  	s3 =	sand.u32 $0x4000, s31;
	s1 =	sadd.s32 s1, s30  }
0xba: {  	s0 =	sor.u32 s3, s0;
	s1 =	sshll.u32 s1, $0x11  }
0xbb: {  	s0 =	sor.u32 s1, s0  }
0xbc: {  	s0 =	sadd.s32 $0x8F2B, s0  }
0xbd: {  	[sflag:s0] =	ssyncadd.remote.s32 $0x1  }
0xbe: {  	_ =	sfence.sel $0xFFFF  }
0xbf: {  	[dreg:$0x0] =	wrdreg $0xFFFFFFFF;
	(pc) =	sbr.abs _section_cstart, $3  }
0xc0: {  	[dreg:$0x1] =	wrdreg $0xFFFFFFFF  }
0xc1: {  	_ =	task.clear_ibuf [dreg:s7], $0x2FFFF;
	_ =	strace $0x9FFFFFFF  }
0xc2: {  	(tm) =	ssettm $0x7FFFFFFF  }
0xc3: {  	_ =	shalt  }
tec
execute0_lowered:
.L_overlay_start_1:
0x0: {  	(tag) =	ssettag $0x1  }
0x1: {  	s0 =	srdreg.scid;
	s2 =	rddreg [dreg:$0x0]  }
0x2: {  	s1 =	stileid.u32;
	s5 =	rddreg [dreg:$0x1];
	s7 =	simm.s32 $0x0  }
0x3: {  	s0 =	sand.u32 $0x1, s0;
	[smem:$0x7FF] =	sst s7;
	s20 =	sadd.s32 $0xF5BE00, s2  }
0x4: {  	s22 =	sadd.s32 $0x4000, s5;
	_ =	strace $0x8000004A;
	[smem:$0x7F2] =	sst s20  }
0x5: {  	s1 =	sshll.u32 s1, $0x1;
	s23 =	sadd.s32 $0x8000, s5;
	[smem:$0x7F5] =	sst s22  }
0x6: {  	s24 =	sadd.s32 $0xC000, s5;
	s25 =	sadd.s32 $0x10000, s5;
	[smem:$0x7F6] =	sst s23  }
0x7: {  	s26 =	sadd.s32 $0x14000, s5;
	s1 =	sor.u32 s0, s1;
	[smem:$0x7F7] =	sst s24  }
0x8: {  	s29 =	sadd.s32 $0x18000, s5;
	[smem:$0x7F8] =	sst s25;
	s3 =	smul.u32 $0x6400, s1  }
0x9: {  	s30 =	sadd.s32 $0x1C000, s5;
	[smem:$0x7F9] =	sst s26;
	s4 =	smul.u32 $0x2400, s1  }
0xa: {  	s31 =	sadd.s32 $0xF42E40, s2;
	s0 =	ssub.s32 $0x2, s0;
	[smem:$0x7FA] =	sst s29  }
0xb: {  	[smem:$0x7FB] =	sst s30;
	s3 =	sand.u32 $0xFC000, s3;
	s4 =	sand.u32 $0x3C00, s4  }
0xc: {  	s19 =	sshrl.u32 s0, $0x1;
	s1 =	smul.u32 $0x32, s1;
	s3 =	sor.u32 s4, s3  }
0xd: {  	[smem:$0x7FD] =	sst s31;
	s0 =	ssub.s32 s0, s19;
	s3 =	sshrl.u32 s3, $0x3  }
0xe: {  	[smem:$0x7F3] =	sst s1;
	s0 =	smax.u32 s0, $0x1;
	s3 =	sadd.s32 s3, s2  }
0xf: {  	s6 =	simm.s32 $0x0;
	v0 =	vlaneseq.u32;
	[smem:$0x7FC] =	sst s0;
	s21 =	sadd.s32 $0xF42E00, s3  }
0x10: {  	s28 =	simm.s32 $0x8400;
	v1 =	vand.u32 $0x7, v0;
	v2 =	vmul.u32 $0x41, v0;
	s2 =	simm.s32 $0x0;
	[smem:$0x7F4] =	sst s21  }
.LBB2_1:
0x11: {  	s0 =	sld [smem:$0x7F4];
	_ =	sdelay $0x1  }
0x12: {  	[smem:$0x7F1] =	sst s2;
	s21 =	simm.s32 $0x3  }
0x13: {  	[tilespmem:s6], [sflag:$0x3] =	stream.linear.gather [hbm4b:s0+s6], $0x200, $0x38;
	[tilespmem:$0x18600] =	vst v63  }
0x14: {  	_ =	swait.ge [sflag:s21], $0x200  }
0x15: {  	[sflag:s21] =	ssyncset.done $0x0  }
0x16: {  	[sflag:s21] =	ssyncadd.s32 $0xFFFFFE00  }
0x17: {  	v3 =	vld [tilespmem:$0x0]  }
0x18: {  	v4 =	vld [tilespmem:$0x10]  }
0x19: {  	v5 =	vld [tilespmem:$0x20]  }
0x1a: {  	v6 =	vld [tilespmem:$0x30]  }
0x1b: {  	v7 =	vld [tilespmem:$0x40]  }
0x1c: {  	v8 =	vld [tilespmem:$0x50];
	v3 =	vshll.u32 v3, $0x1  }
0x1d: {  	v38 =	vld [tilespmem:$0x60];
	[tilespmem:$0x200] =	vst v3;
	v3 =	vshll.u32 v4, $0x1  }
0x1e: {  	v39 =	vld [tilespmem:$0x70];
	[tilespmem:$0x210] =	vst v3;
	v3 =	vshll.u32 v5, $0x1  }
0x1f: {  	v40 =	vld [tilespmem:$0x80];
	[tilespmem:$0x220] =	vst v3;
	v3 =	vshll.u32 v6, $0x1  }
0x20: {  	v41 =	vld [tilespmem:$0x90];
	[tilespmem:$0x230] =	vst v3;
	v3 =	vshll.u32 v7, $0x1  }
0x21: {  	v42 =	vld [tilespmem:$0xA0];
	[tilespmem:$0x240] =	vst v3;
	v3 =	vshll.u32 v8, $0x1  }
0x22: {  	v43 =	vld [tilespmem:$0xB0];
	[tilespmem:$0x250] =	vst v3;
	v3 =	vshll.u32 v38, $0x1  }
0x23: {  	v44 =	vld [tilespmem:$0xC0];
	[tilespmem:$0x260] =	vst v3;
	v3 =	vshll.u32 v39, $0x1  }
0x24: {  	v45 =	vld [tilespmem:$0xD0];
	[tilespmem:$0x270] =	vst v3;
	v3 =	vshll.u32 v40, $0x1  }
0x25: {  	v46 =	vld [tilespmem:$0xE0];
	[tilespmem:$0x280] =	vst v3;
	v3 =	vshll.u32 v41, $0x1  }
0x26: {  	v47 =	vld [tilespmem:$0xF0];
	[tilespmem:$0x290] =	vst v3;
	v3 =	vshll.u32 v42, $0x1  }
0x27: {  	v48 =	vld [tilespmem:$0x100];
	[tilespmem:$0x2A0] =	vst v3;
	v3 =	vshll.u32 v43, $0x1  }
0x28: {  	v49 =	vld [tilespmem:$0x110];
	[tilespmem:$0x2B0] =	vst v3;
	v3 =	vshll.u32 v44, $0x1  }
0x29: {  	v50 =	vld [tilespmem:$0x120];
	[tilespmem:$0x2C0] =	vst v3;
	v3 =	vshll.u32 v45, $0x1  }
0x2a: {  	v51 =	vld [tilespmem:$0x130];
	[tilespmem:$0x2D0] =	vst v3;
	v3 =	vshll.u32 v46, $0x1  }
0x2b: {  	v52 =	vld [tilespmem:$0x140];
	[tilespmem:$0x2E0] =	vst v3;
	v3 =	vshll.u32 v47, $0x1  }
0x2c: {  	v53 =	vld [tilespmem:$0x150];
	[tilespmem:$0x2F0] =	vst v3;
	v3 =	vshll.u32 v48, $0x1  }
0x2d: {  	v54 =	vld [tilespmem:$0x160];
	[tilespmem:$0x300] =	vst v3;
	v3 =	vshll.u32 v49, $0x1  }
0x2e: {  	v55 =	vld [tilespmem:$0x170];
	[tilespmem:$0x310] =	vst v3;
	v3 =	vshll.u32 v50, $0x1  }
0x2f: {  	v56 =	vld [tilespmem:$0x180];
	[tilespmem:$0x320] =	vst v3;
	v3 =	vshll.u32 v51, $0x1  }
0x30: {  	v57 =	vld [tilespmem:$0x190];
	[tilespmem:$0x330] =	vst v3;
	v3 =	vshll.u32 v52, $0x1  }
0x31: {  	v58 =	vld [tilespmem:$0x1A0];
	[tilespmem:$0x340] =	vst v3;
	v3 =	vshll.u32 v53, $0x1  }
0x32: {  	v59 =	vld [tilespmem:$0x1B0];
	[tilespmem:$0x350] =	vst v3;
	v3 =	vshll.u32 v54, $0x1  }
0x33: {  	v60 =	vld [tilespmem:$0x1C0];
	[tilespmem:$0x360] =	vst v3;
	v3 =	vshll.u32 v55, $0x1  }
0x34: {  	v61 =	vld [tilespmem:$0x1D0];
	[tilespmem:$0x370] =	vst v3;
	v3 =	vshll.u32 v56, $0x1  }
0x35: {  	v62 =	vld [tilespmem:$0x1E0];
	[tilespmem:$0x380] =	vst v3;
	v3 =	vshll.u32 v57, $0x1  }
0x36: {  	v63 =	vld [tilespmem:$0x1F0];
	[tilespmem:$0x390] =	vst v3;
	v3 =	vshll.u32 v58, $0x1  }
0x37: {  	[tilespmem:$0x3A0] =	vst v3;
	v3 =	vshll.u32 v59, $0x1  }
0x38: {  	[tilespmem:$0x3B0] =	vst v3;
	v3 =	vshll.u32 v60, $0x1  }
0x39: {  	[tilespmem:$0x3C0] =	vst v3;
	v3 =	vshll.u32 v61, $0x1  }
0x3a: {  	s22 =	sld [smem:$0x7F2];
	[tilespmem:$0x3D0] =	vst v3;
	v3 =	vshll.u32 v62, $0x1  }
0x3b: {  	[tilespmem:$0x3E0] =	vst v3;
	v3 =	vshll.u32 v63, $0x1  }
0x3c: {  	s1 =	simm.s32 $0x80;
	s23 =	simm.s32 $0x200;
	s3 =	simm.s32 $0x400;
	[tilespmem:$0x3F0] =	vst v3  }
0x3d: {  	[tilespmem:s3], [sflag:$0x1] =	stream.indirect.gather [hbm4b:s22+s1], $0x40, s23, s1, $0xb8;
	[tilespmem:$0x18600] =	vst v63  }
0x3e: {  	s24 =	simm.s32 $0x280;
	s25 =	simm.s32 $0x2400  }
0x3f: {  	[tilespmem:s25], [sflag:$0x1] =	stream.indirect.gather [hbm4b:s22+s1], $0x40, s24, s1, $0xb8;
	[tilespmem:$0x18600] =	vst v63  }
0x40: {  	s26 =	simm.s32 $0x300;
	s29 =	simm.s32 $0x4400  }
0x41: {  	[tilespmem:s29], [sflag:$0x1] =	stream.indirect.gather [hbm4b:s22+s1], $0x40, s26, s1, $0xb8;
	[tilespmem:$0x18600] =	vst v63  }
0x42: {  	s30 =	simm.s32 $0x380;
	s31 =	simm.s32 $0x6400;
	s7 =	simm.s32 $0x0  }
0x43: {  	[tilespmem:s31], [sflag:$0x1] =	stream.indirect.gather [hbm4b:s22+s1], $0x40, s30, s1, $0xb8;
	[tilespmem:$0x18600] =	vst v63  }
.LBB2_2:
0x44: {  	s0 =	simm.s32 $0x1  }
0x45: {  	_ =	swait.ge [sflag:s0], $0x2000  }
0x46: {  	[sflag:s0] =	ssyncset.done $0x0  }
0x47: {  	[sflag:s0] =	ssyncadd.s32 $0xFFFFE000  }
0x48: {  	_ =	swait.ge [sflag:s0], $0x2000  }
0x49: {  	[sflag:s0] =	ssyncset.done $0x0  }
0x4a: {  	[sflag:s0] =	ssyncadd.s32 $0xFFFFE000  }
0x4b: {  	_ =	swait.ge [sflag:s0], $0x2000  }
0x4c: {  	[sflag:s0] =	ssyncset.done $0x0  }
0x4d: {  	[sflag:s0] =	ssyncadd.s32 $0xFFFFE000  }
0x4e: {  	_ =	swait.ge [sflag:s0], $0x2000  }
0x4f: {  	[sflag:s0] =	ssyncset.done $0x0  }
0x50: {  	s24 =	simm.s32 $0x600;
	[sflag:s0] =	ssyncadd.s32 $0xFFFFE000  }
0x51: {  	v3 =	vld [tilespmem:s24+$0x0]  }
0x52: {  	s12 =	simm.s32 $0x208;
	v4 =	vld [tilespmem:s24+$0x100]  }
0x53: {  	v5 =	vadd.s32 s12, v0;
	v6 =	vld [tilespmem:s24+$0xC0]  }
0x54: {  	v5 =	vand.u32 $0xFFF8, v5;
	v9 =	vld [tilespmem:s24+$0x140]  }
0x55: {  	s13 =	simm.s32 $0x34D;
	v5 =	vor.u32 v1, v5;
	v7 =	vld [tilespmem:s24+$0x1C0]  }
0x56: {  	v12 =	vadd.s32 s13, v0;
	v8 =	vld [tilespmem:s24+$0x180]  }
0x57: {  	s1 =	simm.s32 $0x38E;
	v10 =	vld [tilespmem:s24+$0x40]  }
0x58: {  	s16 =	simm.s32 $0x2CB;
	v14 =	vadd.s32 s1, v0;
	v11 =	vld [tilespmem:s24+$0xFFFFFE00];
	v3 =	vmul.f32 $8.000000000e+00, v3  }
0x59: {  	s14 =	simm.s32 $0x3CF;
	v19 =	vadd.s32 s16, v0;
	v16 =	vld [tilespmem:s24+$0x80];
	v9 =	vmul.f32 $8.000000000e+00, v9  }
0x5a: {  	s17 =	simm.s32 $0x28A;
	v13 =	vld [tilespmem:s24+$0xFFFFFE80];
	[tilespmem:v5+s28+$0x0] =	vst.idx.msk $0xffff, v3;
	v3 =	vadd.s32 s14, v0  }
0x5b: {  	s15 =	simm.s32 $0x30C;
	v21 =	vld [tilespmem:s24+$0xFFFFFFC0];
	v8 =	vmul.f32 $8.000000000e+00, v8;
	[tilespmem:v12+s28+$0x0] =	vst.idx.msk $0xffff, v9;
	v9 =	vadd.s32 s17, v0  }
0x5c: {  	s20 =	simm.s32 $0x1C7;
	v17 =	vadd.s32 s15, v0;
	v6 =	vmul.f32 $8.000000000e+00, v6;
	v15 =	vld [tilespmem:s24+$0x10]  }
0x5d: {  	s18 =	simm.s32 $0x218;
	v7 =	vmul.f32 $8.000000000e+00, v7;
	[tilespmem:v14+s28+$0x0] =	vst.idx.msk $0xffff, v8;
	v14 =	vadd.s32 s20, v0;
	v12 =	vld [tilespmem:s24+$0x150]  }
0x5e: {  	s23 =	simm.s32 $0x35D;
	v20 =	vadd.s32 s18, v0;
	v18 =	vld [tilespmem:s24+$0xFFFFFF00];
	v16 =	vmul.f32 $8.000000000e+00, v16;
	[tilespmem:v19+s28+$0x0] =	vst.idx.msk $0xffff, v6  }
0x5f: {  	s19 =	simm.s32 $0x249;
	v4 =	vmul.f32 $8.000000000e+00, v4;
	v19 =	vadd.s32 s23, v0;
	[tilespmem:v3+s28+$0x0] =	vst.idx.msk $0xffff, v7;
	v3 =	vld [tilespmem:s24+$0xFFFFFF80]  }
0x60: {  	s21 =	simm.s32 $0x186;
	v8 =	vld [tilespmem:s24+$0xFFFFFF40];
	v7 =	vadd.s32 s19, v0;
	[tilespmem:v9+s28+$0x0] =	vst.idx.msk $0xffff, v16;
	v16 =	vmul.f32 $8.000000000e+00, v21  }
0x61: {  	s22 =	simm.s32 $0x145;
	v5 =	vld [tilespmem:s24+$0xFFFFFEC0];
	[tilespmem:v17+s28+$0x0] =	vst.idx.msk $0xffff, v4;
	v4 =	vadd.s32 s21, v0;
	v15 =	vmul.f32 $8.000000000e+00, v15  }
0x62: {  	s29 =	simm.s32 $0xC3;
	v17 =	vadd.s32 s22, v0;
	v6 =	vld [tilespmem:s24+$0x110];
	v12 =	vmul.f32 $8.000000000e+00, v12;
	[tilespmem:v14+s28+$0x0] =	vst.idx.msk $0xffff, v16  }
0x63: {  	s30 =	simm.s32 $0x82;
	v10 =	vmul.f32 $8.000000000e+00, v10;
	v9 =	vld [tilespmem:s24+$0xD0];
	v14 =	vadd.s32 s29, v0;
	[tilespmem:v20+s28+$0x0] =	vst.idx.msk $0xffff, v15  }
0x64: {  	s3 =	simm.s32 $0x2DB;
	v16 =	vadd.s32 s30, v0;
	v15 =	vld [tilespmem:s24+$0x90];
	[tilespmem:v19+s28+$0x0] =	vst.idx.msk $0xffff, v12;
	v3 =	vmul.f32 $8.000000000e+00, v3  }
0x65: {  	v61 =	vadd.s32 s3, v0;
	v20 =	vld [tilespmem:s24+$0xFFFFFE40];
	[tilespmem:v7+s28+$0x0] =	vst.idx.msk $0xffff, v10;
	v7 =	vmul.f32 $8.000000000e+00, v8  }
0x66: {  	s25 =	simm.s32 $0x104;
	v5 =	vmul.f32 $8.000000000e+00, v5;
	v8 =	vld [tilespmem:s24+$0x50];
	[tilespmem:v4+s28+$0x0] =	vst.idx.msk $0xffff, v3  }
0x67: {  	s26 =	simm.s32 $0x31C;
	v60 =	vadd.s32 s25, v0;
	v13 =	vmul.f32 $8.000000000e+00, v13;
	v3 =	vld [tilespmem:s24+$0xFFFFFFD0];
	[tilespmem:v17+s28+$0x0] =	vst.idx.msk $0xffff, v7  }
0x68: {  	s2 =	simm.s32 $0x0;
	v10 =	vadd.s32 s26, v0;
	v9 =	vmul.f32 $8.000000000e+00, v9;
	[tilespmem:v14+s28+$0x0] =	vst.idx.msk $0xffff, v5;
	v7 =	vld [tilespmem:s24+$0xFFFFFF90]  }
0x69: {  	s31 =	simm.s32 $0x41;
	v12 =	vor.u32 s2, v0;
	v4 =	vmul.f32 $8.000000000e+00, v18;
	[tilespmem:v16+s28+$0x0] =	vst.idx.msk $0xffff, v13;
	v18 =	vld [tilespmem:s24+$0xFFFFFF50]  }
0x6a: {  	s6 =	simm.s32 $0x29A;
	v17 =	vadd.s32 s31, v0;
	[tilespmem:v61+s28+$0x0] =	vst.idx.msk $0xffff, v9;
	v13 =	vld [tilespmem:s24+$0xFFFFFED0]  }
0x6b: {  	s5 =	simm.s32 $0x259;
	v6 =	vmul.f32 $8.000000000e+00, v6;
	v16 =	vadd.s32 s6, v0;
	v21 =	vld [tilespmem:s24+$0xE0]  }
0x6c: {  	s9 =	simm.s32 $0x1D7;
	v11 =	vmul.f32 $8.000000000e+00, v11;
	v14 =	vadd.s32 s5, v0;
	[tilespmem:v60+s28+$0x0] =	vst.idx.msk $0xffff, v4;
	v4 =	vld [tilespmem:s24+$0x190]  }
0x6d: {  	s4 =	simm.s32 $0x39E;
	v19 =	vld [tilespmem:s24+$0xFFFFFF10];
	[tilespmem:v10+s28+$0x0] =	vst.idx.msk $0xffff, v6;
	v6 =	vmul.f32 $8.000000000e+00, v20;
	v20 =	vadd.s32 s9, v0  }
0x6e: {  	s10 =	simm.s32 $0x155;
	[tilespmem:v12+s28+$0x0] =	vst.idx.msk $0xffff, v11;
	v9 =	vmul.f32 $8.000000000e+00, v15;
	v10 =	vadd.s32 s4, v0;
	v5 =	vld [tilespmem:s24+$0x120]  }
0x6f: {  	s8 =	simm.s32 $0x32C;
	v15 =	vadd.s32 s10, v0;
	v8 =	vmul.f32 $8.000000000e+00, v8;
	[tilespmem:v17+s28+$0x0] =	vst.idx.msk $0xffff, v6;
	v6 =	vld [tilespmem:s24+$0xFFFFFE90]  }
0x70: {  	v12 =	vadd.s32 s8, v0;
	v17 =	vld [tilespmem:s24+$0xFFFFFE10];
	v3 =	vmul.f32 $8.000000000e+00, v3;
	[tilespmem:v16+s28+$0x0] =	vst.idx.msk $0xffff, v9  }
0x71: {  	s12 =	simm.s32 $0x2EB;
	v11 =	vld [tilespmem:s24+$0xFFFFFE50];
	[tilespmem:v14+s28+$0x0] =	vst.idx.msk $0xffff, v8;
	v4 =	vmul.f32 $8.000000000e+00, v4  }
0x72: {  	s11 =	simm.s32 $0x196;
	v9 =	vadd.s32 s12, v0;
	v14 =	vmul.f32 $8.000000000e+00, v18;
	v16 =	vld [tilespmem:s24+$0xA0];
	[tilespmem:v20+s28+$0x0] =	vst.idx.msk $0xffff, v3  }
0x73: {  	s15 =	simm.s32 $0x92;
	[tilespmem:v10+s28+$0x0] =	vst.idx.msk $0xffff, v4;
	v4 =	vmul.f32 $8.000000000e+00, v5;
	v5 =	vadd.s32 s11, v0;
	v10 =	vld [tilespmem:s24+$0x1D0]  }
0x74: {  	s14 =	simm.s32 $0x3DF;
	v20 =	vadd.s32 s15, v0;
	[tilespmem:v15+s28+$0x0] =	vst.idx.msk $0xffff, v14;
	v8 =	vld [tilespmem:s24+$0x1A0]  }
0x75: {  	s13 =	simm.s32 $0x3AE;
	v18 =	vadd.s32 s14, v0;
	v14 =	vmul.f32 $8.000000000e+00, v21;
	[tilespmem:v12+s28+$0x0] =	vst.idx.msk $0xffff, v4;
	v12 =	vld [tilespmem:s24+$0x60]  }
0x76: {  	s25 =	simm.s32 $0x269;
	v7 =	vmul.f32 $8.000000000e+00, v7;
	v15 =	vld [tilespmem:s24+$0x160];
	v4 =	vadd.s32 s13, v0  }
0x77: {  	s16 =	simm.s32 $0xD3;
	v23 =	vadd.s32 s25, v0;
	v3 =	vld [tilespmem:s24+$0xFFFFFFE0];
	[tilespmem:v9+s28+$0x0] =	vst.idx.msk $0xffff, v14;
	v6 =	vmul.f32 $8.000000000e+00, v6  }
0x78: {  	v62 =	vadd.s32 s16, v0;
	s17 =	simm.s32 $0x10;
	v14 =	vld [tilespmem:s24+$0xF0];
	[tilespmem:v5+s28+$0x0] =	vst.idx.msk $0xffff, v7;
	v9 =	vmul.f32 $8.000000000e+00, v10  }
0x79: {  	s18 =	simm.s32 $0x51;
	[tilespmem:v20+s28+$0x0] =	vst.idx.msk $0xffff, v6;
	v7 =	vor.u32 s17, v0;
	v5 =	vmul.f32 $8.000000000e+00, v8;
	v8 =	vld [tilespmem:s24+$0xFFFFFFA0]  }
0x7a: {  	s21 =	simm.s32 $0x36D;
	v10 =	vadd.s32 s18, v0;
	[tilespmem:v18+s28+$0x0] =	vst.idx.msk $0xffff, v9;
	v9 =	vmul.f32 $8.000000000e+00, v17;
	v17 =	vld [tilespmem:s24+$0x130];
	v24 =	vmul.f32 $8.000000000e+00, v12  }
0x7b: {  	s20 =	simm.s32 $0x2AA;
	v18 =	vadd.s32 s21, v0;
	[tilespmem:v4+s28+$0x0] =	vst.idx.msk $0xffff, v5;
	v4 =	vmul.f32 $8.000000000e+00, v13;
	v13 =	vld [tilespmem:s24+$0xFFFFFF60]  }
0x7c: {  	s19 =	simm.s32 $0x114;
	v6 =	vadd.s32 s20, v0;
	v20 =	vld [tilespmem:s24+$0x1E0];
	[tilespmem:v23+s28+$0x0] =	vst.idx.msk $0xffff, v24  }
0x7d: {  	s22 =	simm.s32 $0x2FB;
	v11 =	vmul.f32 $8.000000000e+00, v11;
	v5 =	vadd.s32 s19, v0;
	v63 =	vld [tilespmem:s24+$0x1B0];
	[tilespmem:v62+s28+$0x0] =	vst.idx.msk $0xffff, v4  }
0x7e: {  	s23 =	simm.s32 $0x33C;
	v15 =	vmul.f32 $8.000000000e+00, v15;
	v4 =	vmul.f32 $8.000000000e+00, v19;
	[tilespmem:v7+s28+$0x0] =	vst.idx.msk $0xffff, v9;
	v19 =	vadd.s32 s22, v0;
	v7 =	vld [tilespmem:s24+$0xFFFFFEE0]  }
0x7f: {  	s26 =	simm.s32 $0x165;
	[tilespmem:v10+s28+$0x0] =	vst.idx.msk $0xffff, v11;
	v10 =	vmul.f32 $8.000000000e+00, v16;
	v16 =	vadd.s32 s23, v0;
	v22 =	vld [tilespmem:s24+$0xFFFFFE20]  }
0x80: {  	s29 =	simm.s32 $0x3EF;
	v9 =	vld [tilespmem:s24+$0xFFFFFE60];
	[tilespmem:v18+s28+$0x0] =	vst.idx.msk $0xffff, v15;
	v15 =	vadd.s32 s26, v0  }
0x81: {  	s2 =	simm.s32 $0x3BE;
	v14 =	vmul.f32 $8.000000000e+00, v14;
	v12 =	vadd.s32 s29, v0;
	[tilespmem:v6+s28+$0x0] =	vst.idx.msk $0xffff, v10;
	v25 =	vmul.f32 $8.000000000e+00, v17;
	v10 =	vld [tilespmem:s24+$0x20]  }
0x82: {  	s30 =	simm.s32 $0xE3;
	v17 =	vadd.s32 s2, v0;
	[tilespmem:v5+s28+$0x0] =	vst.idx.msk $0xffff, v4;
	v4 =	vmul.f32 $8.000000000e+00, v8;
	v11 =	vmul.f32 $8.000000000e+00, v13;
	v5 =	vld [tilespmem:s24+$0xFFFFFEA0]  }
0x83: {  	s3 =	simm.s32 $0x61;
	s1 =	simm.s32 $0x80F;
	s31 =	simm.s32 $0x20;
	v6 =	vld [tilespmem:s24+$0x170];
	v13 =	vadd.s32 s30, v0;
	v18 =	vmul.f32 $8.000000000e+00, v63;
	[tilespmem:v19+s28+$0x0] =	vst.idx.msk $0xffff, v14;
	v19 =	vmul.f32 $8.000000000e+00, v20  }
0x84: {  	s0 =	simm.s32 $0x0;
	s6 =	simm.s32 $0x3FF;
	s2 =	simm.s32 $0xA00;
	[tilespmem:v16+s28+$0x0] =	vst.idx.msk $0xffff, v25;
	v16 =	vor.u32 s31, v0;
	v8 =	vmul.f32 $8.000000000e+00, v7;
	v14 =	vmul.f32 $8.000000000e+00, v22;
	v7 =	vld [tilespmem:s24+$0xFFFFFF20]  }
.LBB2_3:
0x85: {  	s4 =	sadd.s32 $0xFFFFFE09, s1;
	s0 =	sadd.s32 $0x10, s0;
	v9 =	vmul.f32 $8.000000000e+00, v9;
	v20 =	vadd.s32 s3, v0;
	[tilespmem:v15+s28+$0x0] =	vst.idx.msk $0xffff, v11;
	s3 =	sadd.s32 $0xFFFFFE29, s6;
	v11 =	vld [tilespmem:s24+$0xB0]  }
0x86: {  	v22 =	vmul.f32 $8.000000000e+00, v3;
	v15 =	vld [tilespmem:s2+$0x0];
	v21 =	vadd.s32 s4, v0;
	p0 =	slt.u32 s0, $0x1F0;
	v23 =	vadd.s32 s3, v0;
	s3 =	sadd.s32 $0xFFFFFF7E, s6;
	[tilespmem:v12+s28+$0x0] =	vst.idx.msk $0xffff, v19  }
0x87: {  	s4 =	sadd.s32 $0xFFFFFDE8, s6;
	v3 =	vand.u32 $0xFFF8, v21;
	v12 =	vld [tilespmem:s24+$0xFFFFFF70];
	v19 =	vadd.s32 s3, v0;
	[tilespmem:v17+s28+$0x0] =	vst.idx.msk $0xffff, v18  }
0x88: {  	v5 =	vmul.f32 $8.000000000e+00, v5;
	s3 =	sadd.s32 $0xFFFFFDA7, s6;
	v17 =	vor.u32 v1, v3;
	[tilespmem:v13+s28+$0x0] =	vst.idx.msk $0xffff, v8;
	v8 =	vadd.s32 s4, v0;
	v13 =	vld [tilespmem:s24+$0x1F0]  }
0x89: {  	v6 =	vmul.f32 $8.000000000e+00, v6;
	s4 =	sadd.s32 $0xFFFFFD25, s6;
	v10 =	vmul.f32 $8.000000000e+00, v10;
	v3 =	vld [tilespmem:s2+$0x100];
	[tilespmem:v16+s28+$0x0] =	vst.idx.msk $0xffff, v14;
	v14 =	vadd.s32 s3, v0  }
0x8a: {  	s3 =	sadd.s32 $0xFFFFFCA3, s6;
	v16 =	vld [tilespmem:s24+$0xFFFFFE30];
	[tilespmem:v20+s28+$0x0] =	vst.idx.msk $0xffff, v9;
	v9 =	vadd.s32 s4, v0  }
0x8b: {  	v7 =	vmul.f32 $8.000000000e+00, v7;
	v20 =	vadd.s32 s3, v0;
	v15 =	vmul.f32 $8.000000000e+00, v15;
	v18 =	vld [tilespmem:s24+$0xFFFFFE70];
	[tilespmem:v23+s28+$0x0] =	vst.idx.msk $0xffff, v10  }
0x8c: {  	s3 =	sadd.s32 $0xFFFFFD76, s6;
	v10 =	vmul.f32 $8.000000000e+00, v12;
	v12 =	vld [tilespmem:s24+$0x70];
	[tilespmem:v19+s28+$0x0] =	vst.idx.msk $0xffff, v6;
	v6 =	vadd.s32 s6, v0  }
0x8d: {  	v21 =	vadd.s32 s3, v0;
	v19 =	vld [tilespmem:s24+$0xFFFFFEF0];
	[tilespmem:v8+s28+$0x0] =	vst.idx.msk $0xffff, v22;
	v8 =	vmul.f32 $8.000000000e+00, v13  }
0x8e: {  	s3 =	sadd.s32 $0xFFFFFE7A, s6;
	[tilespmem:v14+s28+$0x0] =	vst.idx.msk $0xffff, v4;
	v4 =	vld [tilespmem:s24+$0xFFFFFFF0]  }
0x8f: {  	s4 =	sadd.s32 $0xFFFFFC31, s6;
	[tilespmem:v9+s28+$0x0] =	vst.idx.msk $0xffff, v7;
	v7 =	vld [tilespmem:s24+$0xFFFFFFB0];
	v9 =	vadd.s32 s3, v0  }
0x90: {  	v13 =	vor.u32 s4, v0;
	s3 =	sadd.s32 $0xFFFFFDB7, s6;
	[tilespmem:v20+s28+$0x0] =	vst.idx.msk $0xffff, v5;
	v5 =	vld [tilespmem:s24+$0xFFFFFF30]  }
0x91: {  	s4 =	sadd.s32 $0xFFFFFC72, s6;
	v20 =	vadd.s32 s3, v0;
	v14 =	vld [tilespmem:s24+$0xFFFFFEB0];
	v12 =	vmul.f32 $8.000000000e+00, v12;
	[tilespmem:v6+s28+$0x0] =	vst.idx.msk $0xffff, v8  }
0x92: {  	v11 =	vmul.f32 $8.000000000e+00, v11;
	s3 =	sadd.s32 $0xFFFFFEBB, s6;
	v6 =	vmul.f32 $8.000000000e+00, v18;
	v8 =	vadd.s32 s4, v0;
	[tilespmem:v21+s28+$0x0] =	vst.idx.msk $0xffff, v10;
	v10 =	vld [tilespmem:s24+$0x30];
	s24 =	smov.u32 s2  }
0x93: {  	v16 =	vmul.f32 $8.000000000e+00, v16;
	s4 =	sadd.s32 $0xFFFFFD35, s6;
	[tilespmem:v17+s28+$0x0] =	vst.idx.msk $0xffff, v15;
	v15 =	vld [tilespmem:s2+$0xC0];
	v17 =	vadd.s32 s3, v0  }
0x94: {  	v19 =	vmul.f32 $8.000000000e+00, v19;
	v21 =	vadd.s32 s4, v0;
	s4 =	sadd.s32 $0xFFFFFDF8, s6;
	s3 =	sadd.s32 $0xFFFFFE19, s1;
	v18 =	vld [tilespmem:s2+$0x1C0];
	v7 =	vmul.f32 $8.000000000e+00, v7;
	[tilespmem:v9+s28+$0x0] =	vst.idx.msk $0xffff, v12  }
0x95: {  	v4 =	vmul.f32 $8.000000000e+00, v4;
	v9 =	vadd.s32 s3, v0;
	s3 =	sadd.s32 $0xFFFFFFD0, s1;
	v12 =	vld [tilespmem:s2+$0x180];
	[tilespmem:v13+s28+$0x0] =	vst.idx.msk $0xffff, v16;
	v13 =	vadd.s32 s4, v0;
	s4 =	sadd.s32 $0xFFFFFE39, s6  }
0x96: {  	s5 =	sadd.s32 $0xFFFFFF8F, s1;
	v22 =	vadd.s32 s3, v0;
	s3 =	sadd.s32 $0xFFFFFCB3, s6;
	s6 =	sadd.s32 $0xFFFFFCF4, s6;
	v5 =	vmul.f32 $8.000000000e+00, v5;
	v16 =	vld [tilespmem:s2+$0x40];
	[tilespmem:v20+s28+$0x0] =	vst.idx.msk $0xffff, v7;
	v7 =	vadd.s32 s4, v0  }
0x97: {  	v23 =	vadd.s32 s5, v0;
	v20 =	vld [tilespmem:s2+$0x140];
	[tilespmem:v8+s28+$0x0] =	vst.idx.msk $0xffff, v6;
	v6 =	vmul.f32 $8.000000000e+00, v14;
	v8 =	vadd.s32 s6, v0;
	s6 =	smov.u32 s1  }
0x98: {  	s4 =	sadd.s32 $0xFFFFFF4E, s1;
	v24 =	vadd.s32 s3, v0;
	v14 =	vld [tilespmem:s2+$0xFFFFFE00];
	[tilespmem:v17+s28+$0x0] =	vst.idx.msk $0xffff, v11  }
0x99: {  	v17 =	vadd.s32 s4, v0;
	v11 =	vld [tilespmem:s2+$0xFFFFFE80];
	v18 =	vmul.f32 $8.000000000e+00, v18;
	[tilespmem:v21+s28+$0x0] =	vst.idx.msk $0xffff, v5;
	v5 =	vmul.f32 $8.000000000e+00, v10  }
0x9a: {  	v10 =	vld [tilespmem:s2+$0xFFFFFEC0];
	v12 =	vmul.f32 $8.000000000e+00, v12;
	[tilespmem:v13+s28+$0x0] =	vst.idx.msk $0xffff, v4  }
0x9b: {  	v4 =	vld [tilespmem:s2+$0x10];
	[tilespmem:v7+s28+$0x0] =	vst.idx.msk $0xffff, v5  }
0x9c: {  	s3 =	sadd.s32 $0xFFFFFF0D, s1;
	v5 =	vmul.f32 $8.000000000e+00, v20;
	[tilespmem:v8+s28+$0x0] =	vst.idx.msk $0xffff, v19  }
0x9d: {  	s4 =	sadd.s32 $0xFFFFFECC, s1;
	v8 =	vadd.s32 s3, v0;
	v7 =	vld [tilespmem:s2+$0x80];
	[tilespmem:v24+s28+$0x0] =	vst.idx.msk $0xffff, v6  }
0x9e: {  	v13 =	vadd.s32 s4, v0;
	s3 =	sadd.s32 $0xFFFFFE8B, s1;
	v6 =	vld [tilespmem:s2+$0xFFFFFF00];
	[tilespmem:v17+s28+$0x0] =	vst.idx.msk $0xffff, v5  }
0x9f: {  	v5 =	vadd.s32 s3, v0;
	v17 =	vld [tilespmem:s2+$0x150]  }
0xa0: {  	v3 =	vmul.f32 $8.000000000e+00, v3;
	s3 =	sadd.s32 $0xFFFFFE4A, s1;
	v19 =	vld [tilespmem:s2+$0xFFFFFFC0];
	[tilespmem:v22+s28+$0x0] =	vst.idx.msk $0xffff, v18  }
0xa1: {  	v15 =	vmul.f32 $8.000000000e+00, v15;
	s4 =	sadd.s32 $0xFFFFFDC8, s1;
	v20 =	vadd.s32 s3, v0;
	v18 =	vld [tilespmem:s2+$0xFFFFFF80];
	[tilespmem:v23+s28+$0x0] =	vst.idx.msk $0xffff, v12  }
0xa2: {  	v21 =	vadd.s32 s4, v0;
	s3 =	sadd.s32 $0xFFFFFD87, s1;
	v12 =	vld [tilespmem:s2+$0xFFFFFF40];
	v7 =	vmul.f32 $8.000000000e+00, v7;
	[tilespmem:v8+s28+$0x0] =	vst.idx.msk $0xffff, v3  }
0xa3: {  	s4 =	sadd.s32 $0xFFFFFD46, s1;
	v4 =	vmul.f32 $8.000000000e+00, v4;
	v3 =	vadd.s32 s3, v0;
	[tilespmem:v13+s28+$0x0] =	vst.idx.msk $0xffff, v15;
	v8 =	vld [tilespmem:s2+$0x110]  }
0xa4: {  	s3 =	sadd.s32 $0xFFFFFF5E, s1;
	v13 =	vadd.s32 s4, v0;
	v15 =	vmul.f32 $8.000000000e+00, v16;
	[tilespmem:v5+s28+$0x0] =	vst.idx.msk $0xffff, v7;
	v5 =	vld [tilespmem:s2+$0xD0];
	v7 =	vmul.f32 $8.000000000e+00, v17  }
0xa5: {  	s4 =	sadd.s32 $0xFFFFFD05, s1;
	v16 =	vmul.f32 $8.000000000e+00, v19;
	[tilespmem:v9+s28+$0x0] =	vst.idx.msk $0xffff, v4;
	v4 =	vld [tilespmem:s2+$0x90];
	v9 =	vadd.s32 s3, v0  }
0xa6: {  	v19 =	vadd.s32 s4, v0;
	s3 =	sadd.s32 $0xFFFFFF1D, s1;
	v17 =	vld [tilespmem:s2+$0xFFFFFE40];
	v18 =	vmul.f32 $8.000000000e+00, v18;
	[tilespmem:v20+s28+$0x0] =	vst.idx.msk $0xffff, v15  }
0xa7: {  	s4 =	sadd.s32 $0xFFFFFCC4, s1;
	v12 =	vmul.f32 $8.000000000e+00, v12;
	[tilespmem:v21+s28+$0x0] =	vst.idx.msk $0xffff, v16;
	v15 =	vld [tilespmem:s2+$0x50];
	v16 =	vadd.s32 s3, v0  }
0xa8: {  	v6 =	vmul.f32 $8.000000000e+00, v6;
	v20 =	vadd.s32 s4, v0;
	s3 =	sadd.s32 $0xFFFFFC83, s1;
	[tilespmem:v3+s28+$0x0] =	vst.idx.msk $0xffff, v18;
	v3 =	vld [tilespmem:s2+$0xFFFFFFD0];
	v8 =	vmul.f32 $8.000000000e+00, v8  }
0xa9: {  	v10 =	vmul.f32 $8.000000000e+00, v10;
	s4 =	sadd.s32 $0xFFFFFC42, s1;
	v18 =	vadd.s32 s3, v0;
	[tilespmem:v13+s28+$0x0] =	vst.idx.msk $0xffff, v12;
	v12 =	vld [tilespmem:s2+$0xFFFFFF90];
	v5 =	vmul.f32 $8.000000000e+00, v5  }
0xaa: {  	v11 =	vmul.f32 $8.000000000e+00, v11;
	s3 =	sadd.s32 $0xFFFFFC01, s1;
	v13 =	vadd.s32 s4, v0;
	v21 =	vld [tilespmem:s2+$0xFFFFFF50];
	[tilespmem:v9+s28+$0x0] =	vst.idx.msk $0xffff, v7  }
0xab: {  	v7 =	vor.u32 s3, v0;
	s3 =	sadd.s32 $0xFFFFFEDC, s1;
	v9 =	vmul.f32 $8.000000000e+00, v17;
	[tilespmem:v19+s28+$0x0] =	vst.idx.msk $0xffff, v6;
	v6 =	vld [tilespmem:s2+$0x190]  }
0xac: {  	v14 =	vmul.f32 $8.000000000e+00, v14;
	v19 =	vadd.s32 s3, v0;
	s3 =	sadd.s32 $0xFFFFFF9F, s1;
	v17 =	vld [tilespmem:s2+$0xFFFFFF10];
	[tilespmem:v16+s28+$0x0] =	vst.idx.msk $0xffff, v8  }
0xad: {  	s4 =	sadd.s32 $0xFFFFFE5A, s1;
	v8 =	vmul.f32 $8.000000000e+00, v15;
	v15 =	vadd.s32 s3, v0;
	[tilespmem:v20+s28+$0x0] =	vst.idx.msk $0xffff, v10;
	v3 =	vmul.f32 $8.000000000e+00, v3;
	v10 =	vld [tilespmem:s2+$0x120]  }
0xae: {  	v4 =	vmul.f32 $8.000000000e+00, v4;
	v16 =	vadd.s32 s4, v0;
	s3 =	sadd.s32 $0xFFFFFE9B, s1;
	[tilespmem:v18+s28+$0x0] =	vst.idx.msk $0xffff, v11;
	v11 =	vld [tilespmem:s2+$0xFFFFFED0];
	v12 =	vmul.f32 $8.000000000e+00, v12  }
0xaf: {  	v18 =	vadd.s32 s3, v0;
	s3 =	sadd.s32 $0xFFFFFF2D, s1;
	[tilespmem:v13+s28+$0x0] =	vst.idx.msk $0xffff, v9;
	v9 =	vld [tilespmem:s2+$0xFFFFFE90];
	v13 =	vmul.f32 $8.000000000e+00, v21  }
0xb0: {  	s4 =	sadd.s32 $0xFFFFFDD8, s1;
	[tilespmem:v7+s28+$0x0] =	vst.idx.msk $0xffff, v14;
	v7 =	vld [tilespmem:s2+$0xFFFFFE50];
	v14 =	vadd.s32 s3, v0;
	v6 =	vmul.f32 $8.000000000e+00, v6  }
0xb1: {  	v21 =	vadd.s32 s4, v0;
	s3 =	sadd.s32 $0xFFFFFD56, s1;
	v20 =	vld [tilespmem:s2+$0xFFFFFE10];
	[tilespmem:v19+s28+$0x0] =	vst.idx.msk $0xffff, v5  }
0xb2: {  	v5 =	vadd.s32 s3, v0;
	s3 =	sadd.s32 $0xFFFFFD97, s1;
	v19 =	vld [tilespmem:s2+$0xE0];
	v10 =	vmul.f32 $8.000000000e+00, v10;
	[tilespmem:v15+s28+$0x0] =	vst.idx.msk $0xffff, v6  }
0xb3: {  	v6 =	vadd.s32 s3, v0;
	s3 =	sadd.s32 $0xFFFFFEEC, s1;
	[tilespmem:v16+s28+$0x0] =	vst.idx.msk $0xffff, v8;
	v8 =	vld [tilespmem:s2+$0x1A0]  }
0xb4: {  	v9 =	vmul.f32 $8.000000000e+00, v9;
	[tilespmem:v18+s28+$0x0] =	vst.idx.msk $0xffff, v4;
	v4 =	vadd.s32 s3, v0;
	s3 =	sadd.s32 $0xFFFFFFAF, s1;
	v15 =	vld [tilespmem:s2+$0x1D0]  }
0xb5: {  	v16 =	vld [tilespmem:s2+$0xA0];
	[tilespmem:v14+s28+$0x0] =	vst.idx.msk $0xffff, v10;
	v10 =	vadd.s32 s3, v0;
	s3 =	sadd.s32 $0xFFFFFFE0, s1  }
0xb6: {  	s4 =	sadd.s32 $0xFFFFFC93, s1;
	v14 =	vmul.f32 $8.000000000e+00, v20;
	[tilespmem:v21+s28+$0x0] =	vst.idx.msk $0xffff, v3;
	v18 =	vld [tilespmem:s2+$0x60];
	v20 =	vadd.s32 s3, v0  }
0xb7: {  	v21 =	vadd.s32 s4, v0;
	s3 =	sadd.s32 $0xFFFFFCD4, s1;
	[tilespmem:v5+s28+$0x0] =	vst.idx.msk $0xffff, v13;
	v5 =	vmul.f32 $8.000000000e+00, v19;
	v13 =	vld [tilespmem:s2+$0x160]  }
0xb8: {  	v11 =	vmul.f32 $8.000000000e+00, v11;
	s4 =	sadd.s32 $0xFFFFFC11, s1;
	v19 =	vadd.s32 s3, v0;
	[tilespmem:v6+s28+$0x0] =	vst.idx.msk $0xffff, v12;
	v3 =	vld [tilespmem:s2+$0xFFFFFFE0];
	v6 =	vmul.f32 $8.000000000e+00, v8  }
0xb9: {  	s3 =	sadd.s32 $0xFFFFFC52, s1;
	v8 =	vor.u32 s4, v0;
	v12 =	vmul.f32 $8.000000000e+00, v17;
	v17 =	vld [tilespmem:s2+$0xFFFFFFA0];
	[tilespmem:v4+s28+$0x0] =	vst.idx.msk $0xffff, v5;
	v4 =	vmul.f32 $8.000000000e+00, v15  }
0xba: {  	v5 =	vadd.s32 s3, v0;
	s3 =	sadd.s32 $0xFFFFFD15, s1;
	v15 =	vld [tilespmem:s2+$0xF0];
	[tilespmem:v10+s28+$0x0] =	vst.idx.msk $0xffff, v6  }
0xbb: {  	v6 =	vadd.s32 s3, v0;
	s3 =	sadd.s32 $0xFFFFFEAB, s1;
	v10 =	vld [tilespmem:s2+$0xFFFFFF60];
	[tilespmem:v20+s28+$0x0] =	vst.idx.msk $0xffff, v4  }
0xbc: {  	v20 =	vadd.s32 s3, v0;
	s3 =	sadd.s32 $0xFFFFFF6E, s1;
	[tilespmem:v21+s28+$0x0] =	vst.idx.msk $0xffff, v9;
	v13 =	vmul.f32 $8.000000000e+00, v13;
	v21 =	vld [tilespmem:s2+$0x1E0]  }
0xbd: {  	s4 =	sadd.s32 $0xFFFFFEFC, s1;
	v4 =	vmul.f32 $8.000000000e+00, v7;
	[tilespmem:v19+s28+$0x0] =	vst.idx.msk $0xffff, v11;
	v7 =	vld [tilespmem:s2+$0x130];
	v19 =	vadd.s32 s3, v0  }
0xbe: {  	s3 =	sadd.s32 $0xFFFFFF3D, s1;
	[tilespmem:v8+s28+$0x0] =	vst.idx.msk $0xffff, v14;
	v8 =	vld [tilespmem:s2+$0xFFFFFEE0];
	v14 =	vadd.s32 s4, v0  }
0xbf: {  	s4 =	sadd.s32 $0xFFFFFE6A, s1;
	v22 =	vadd.s32 s3, v0;
	[tilespmem:v5+s28+$0x0] =	vst.idx.msk $0xffff, v4;
	v5 =	vmul.f32 $8.000000000e+00, v16;
	v16 =	vmul.f32 $8.000000000e+00, v15;
	v23 =	vld [tilespmem:s2+$0x1B0]  }
0xc0: {  	v25 =	vmul.f32 $8.000000000e+00, v18;
	s3 =	sadd.s32 $0xFFFFFD66, s1;
	v4 =	vmul.f32 $8.000000000e+00, v17;
	v26 =	vadd.s32 s4, v0;
	v24 =	vld [tilespmem:s2+$0xFFFFFE20];
	[tilespmem:v6+s28+$0x0] =	vst.idx.msk $0xffff, v12  }
.Ltmp0:
0xc1: {  	v15 =	vadd.s32 s3, v0;
	s3 =	sadd.s32 $0xFFFFFFF0, s1;
	v11 =	vmul.f32 $8.000000000e+00, v10;
	v9 =	vld [tilespmem:s2+$0xFFFFFE60];
	[tilespmem:v20+s28+$0x0] =	vst.idx.msk $0xffff, v5;
	(pc) =	sbr.rel @p0 .LBB2_3-.Ltmp0, $4  }
0xc2: {  	s4 =	sadd.s32 $0xFFFFFFBF, s1;
	v12 =	vadd.s32 s3, v0;
	v5 =	vld [tilespmem:s2+$0xFFFFFEA0];
	v7 =	vmul.f32 $8.000000000e+00, v7;
	[tilespmem:v19+s28+$0x0] =	vst.idx.msk $0xffff, v13  }
0xc3: {  	s3 =	sadd.s32 $0xFFFFFCE4, s1;
	v17 =	vadd.s32 s4, v0;
	v8 =	vmul.f32 $8.000000000e+00, v8;
	[tilespmem:v14+s28+$0x0] =	vst.idx.msk $0xffff, v16;
	v6 =	vld [tilespmem:s2+$0x170]  }
0xc4: {  	s4 =	sadd.s32 $0xFFFFFC21, s1;
	v13 =	vadd.s32 s3, v0;
	v10 =	vld [tilespmem:s2+$0x20];
	[tilespmem:v22+s28+$0x0] =	vst.idx.msk $0xffff, v7;
	v18 =	vmul.f32 $8.000000000e+00, v23  }
0xc5: {  	s1 =	sadd.s32 $0x410, s1;
	s3 =	sadd.s32 $0xFFFFFC62, s6;
	v19 =	vmul.f32 $8.000000000e+00, v21;
	v16 =	vor.u32 s4, v0;
	s2 =	sadd.s32 $0x400, s2;
	v14 =	vmul.f32 $8.000000000e+00, v24;
	v7 =	vld [tilespmem:s24+$0xFFFFFF20];
	[tilespmem:v26+s28+$0x0] =	vst.idx.msk $0xffff, v25  }
0xc6: {  	_ =	sdelay $0x3  }
0xc7: {  	v20 =	vadd.s32 s3, v0;
	[tilespmem:v15+s28+$0x0] =	vst.idx.msk $0xffff, v11;
	s0 =	sadd.s32 $0xFFFFFE29, s6  }
0xc8: {  	s15 =	sadd.s32 $0xFFFFFF7E, s6;
	[tilespmem:v17+s28+$0x0] =	vst.idx.msk $0xffff, v18;
	v11 =	vadd.s32 s0, v0  }
0xc9: {  	s16 =	sadd.s32 $0xFFFFFDA7, s6;
	[tilespmem:v12+s28+$0x0] =	vst.idx.msk $0xffff, v19;
	v12 =	vadd.s32 s15, v0  }
0xca: {  	v9 =	vmul.f32 $8.000000000e+00, v9;
	s1 =	sadd.s32 $0xFFFFFDE8, s6;
	[tilespmem:v13+s28+$0x0] =	vst.idx.msk $0xffff, v8;
	v8 =	vadd.s32 s16, v0  }
0xcb: {  	s17 =	sadd.s32 $0xFFFFFD25, s6;
	v13 =	vadd.s32 s1, v0;
	[tilespmem:v16+s28+$0x0] =	vst.idx.msk $0xffff, v14;
	v10 =	vmul.f32 $8.000000000e+00, v10  }
0xcc: {  	s18 =	sadd.s32 $0xFFFFFCA3, s6;
	v14 =	vld [tilespmem:s24+$0x1F0];
	v6 =	vmul.f32 $8.000000000e+00, v6;
	[tilespmem:v20+s28+$0x0] =	vst.idx.msk $0xffff, v9;
	v9 =	vadd.s32 s17, v0  }
0xcd: {  	v15 =	vld [tilespmem:s24+$0xFFFFFF70];
	v16 =	vadd.s32 s18, v0;
	[tilespmem:v11+s28+$0x0] =	vst.idx.msk $0xffff, v10  }
0xce: {  	v3 =	vmul.f32 $8.000000000e+00, v3;
	s19 =	sadd.s32 $0xFFFFFD76, s6;
	v10 =	vld [tilespmem:s24+$0x70];
	[tilespmem:v12+s28+$0x0] =	vst.idx.msk $0xffff, v6;
	v6 =	vadd.s32 s6, v0  }
0xcf: {  	s20 =	sadd.s32 $0xFFFFFE7A, s6;
	v7 =	vmul.f32 $8.000000000e+00, v7;
	v11 =	vld [tilespmem:s24+$0xFFFFFE30];
	v12 =	vadd.s32 s19, v0;
	[tilespmem:v8+s28+$0x0] =	vst.idx.msk $0xffff, v4  }
0xd0: {  	s21 =	sadd.s32 $0xFFFFFC31, s6;
	v4 =	vmul.f32 $8.000000000e+00, v5;
	[tilespmem:v13+s28+$0x0] =	vst.idx.msk $0xffff, v3;
	v5 =	vadd.s32 s20, v0;
	v3 =	vld [tilespmem:s24+$0xFFFFFFB0]  }
0xd1: {  	s22 =	sadd.s32 $0xFFFFFDB7, s6;
	v8 =	vld [tilespmem:s24+$0xFFFFFE70];
	v13 =	vmul.f32 $8.000000000e+00, v14;
	[tilespmem:v9+s28+$0x0] =	vst.idx.msk $0xffff, v7;
	v7 =	vor.u32 s21, v0  }
0xd2: {  	s23 =	sadd.s32 $0xFFFFFC72, s6;
	v14 =	vmul.f32 $8.000000000e+00, v15;
	[tilespmem:v16+s28+$0x0] =	vst.idx.msk $0xffff, v4;
	v4 =	vadd.s32 s22, v0;
	v9 =	vld [tilespmem:s24+$0xB0]  }
0xd3: {  	s25 =	sadd.s32 $0xFFFFFEBB, s6;
	v15 =	vld [tilespmem:s24+$0xFFFFFF30];
	v10 =	vmul.f32 $8.000000000e+00, v10;
	[tilespmem:v6+s28+$0x0] =	vst.idx.msk $0xffff, v13;
	v6 =	vadd.s32 s23, v0  }
0xd4: {  	s26 =	sadd.s32 $0xFFFFFD35, s6;
	v13 =	vld [tilespmem:s24+$0xFFFFFFF0];
	[tilespmem:v12+s28+$0x0] =	vst.idx.msk $0xffff, v14;
	v11 =	vmul.f32 $8.000000000e+00, v11;
	v12 =	vadd.s32 s25, v0  }
0xd5: {  	s2 =	sadd.s32 $0xFFFFFDF8, s6;
	v16 =	vadd.s32 s26, v0;
	v14 =	vld [tilespmem:s24+$0x30];
	v3 =	vmul.f32 $8.000000000e+00, v3;
	[tilespmem:v5+s28+$0x0] =	vst.idx.msk $0xffff, v10  }
0xd6: {  	s3 =	sadd.s32 $0xFFFFFE39, s6;
	v8 =	vmul.f32 $8.000000000e+00, v8;
	[tilespmem:v7+s28+$0x0] =	vst.idx.msk $0xffff, v11;
	v7 =	vadd.s32 s2, v0  }
0xd7: {  	[tilespmem:v4+s28+$0x0] =	vst.idx.msk $0xffff, v3;
	v3 =	vadd.s32 s3, v0;
	v9 =	vmul.f32 $8.000000000e+00, v9  }
0xd8: {  	v4 =	vmul.f32 $8.000000000e+00, v15;
	[tilespmem:v6+s28+$0x0] =	vst.idx.msk $0xffff, v8  }
0xd9: {  	v5 =	vld [tilespmem:s24+$0xFFFFFEF0];
	v8 =	vmul.f32 $8.000000000e+00, v13;
	[tilespmem:v12+s28+$0x0] =	vst.idx.msk $0xffff, v9  }
0xda: {  	s4 =	sadd.s32 $0xFFFFFCF4, s6;
	[tilespmem:v16+s28+$0x0] =	vst.idx.msk $0xffff, v4;
	v4 =	vmul.f32 $8.000000000e+00, v14  }
0xdb: {  	v10 =	vld [tilespmem:s24+$0xFFFFFEB0];
	v6 =	vadd.s32 s4, v0;
	[tilespmem:v7+s28+$0x0] =	vst.idx.msk $0xffff, v8  }
0xdc: {  	s5 =	sadd.s32 $0xFFFFFCB3, s6;
	[tilespmem:v3+s28+$0x0] =	vst.idx.msk $0xffff, v4  }
0xdd: {  	v11 =	vadd.s32 s5, v0;
	s6 =	sld [smem:$0x7F3]  }
0xde: {  	v5 =	vmul.f32 $8.000000000e+00, v5;
	_ =	sdelay $0x1  }
0xdf: {  	v7 =	vmul.f32 $8.000000000e+00, v10;
	[tilespmem:v6+s28+$0x0] =	vst.idx.msk $0xffff, v5;
	s0 =	sadd.s32 s6, s7  }
0xe0: {  	[smem:$0x7EF] =	sst s0  }
0xe1: {  	[tilespmem:v11+s28+$0x0] =	vst.idx.msk $0xffff, v7  }
0xe2: {  	s1 =	sld [smem:$0x7FD]  }
0xe3: {  	p0 =	seq.s32 s7, $0x31  }
0xe4: {  	s0 =	sshll.u32 @!p0 s0, $0x6  }
0xe5: {  	s0 =	sadd.s32 @!p0 s1, s0;
	s1 =	simm.s32 @!p0 $0x0  }
0xe6: {  	[tilespmem:s1], [sflag:$0x3] =	stream.linear.gather @!p0 [hbm4b:s0+s1], $0x200, $0x38;
	[tilespmem:$0x18600] =	vst v63  }
0xe7: {  	s0 =	simm.s32 @!p0 $0x3  }
0xe8: {  	_ =	swait.ge @!p0 [sflag:s0], $0x200  }
0xe9: {  	[sflag:s0] =	ssyncset.done @!p0 $0x0  }
0xea: {  	[sflag:s0] =	ssyncadd.s32 @!p0 $0xFFFFFE00  }
0xeb: {  	v3 =	vld @!p0 [tilespmem:$0x0]  }
0xec: {  	v4 =	vld @!p0 [tilespmem:$0x10]  }
0xed: {  	v5 =	vld @!p0 [tilespmem:$0x20]  }
0xee: {  	v6 =	vld @!p0 [tilespmem:$0x30]  }
0xef: {  	v7 =	vld @!p0 [tilespmem:$0x40]  }
0xf0: {  	v8 =	vld @!p0 [tilespmem:$0x50];
	v3 =	vshll.u32 @!p0 v3, $0x1  }
0xf1: {  	[tilespmem:$0x200] =	vst @!p0 v3;
	v3 =	vshll.u32 @!p0 v4, $0x1;
	v4 =	vld @!p0 [tilespmem:$0x60]  }
0xf2: {  	[tilespmem:$0x210] =	vst @!p0 v3;
	v3 =	vshll.u32 @!p0 v5, $0x1;
	v5 =	vld @!p0 [tilespmem:$0x70]  }
0xf3: {  	[tilespmem:$0x220] =	vst @!p0 v3;
	v3 =	vshll.u32 @!p0 v6, $0x1;
	v6 =	vld @!p0 [tilespmem:$0x80]  }
0xf4: {  	[tilespmem:$0x230] =	vst @!p0 v3;
	v3 =	vshll.u32 @!p0 v7, $0x1;
	v7 =	vld @!p0 [tilespmem:$0x90]  }
0xf5: {  	[tilespmem:$0x240] =	vst @!p0 v3;
	v3 =	vshll.u32 @!p0 v8, $0x1;
	v8 =	vld @!p0 [tilespmem:$0xA0]  }
0xf6: {  	[tilespmem:$0x250] =	vst @!p0 v3;
	v3 =	vshll.u32 @!p0 v4, $0x1;
	v4 =	vld @!p0 [tilespmem:$0xB0]  }
0xf7: {  	[tilespmem:$0x260] =	vst @!p0 v3;
	v3 =	vshll.u32 @!p0 v5, $0x1;
	v5 =	vld @!p0 [tilespmem:$0xC0]  }
0xf8: {  	[tilespmem:$0x270] =	vst @!p0 v3;
	v3 =	vshll.u32 @!p0 v6, $0x1;
	v6 =	vld @!p0 [tilespmem:$0xD0]  }
0xf9: {  	[tilespmem:$0x280] =	vst @!p0 v3;
	v3 =	vshll.u32 @!p0 v7, $0x1;
	v7 =	vld @!p0 [tilespmem:$0xE0]  }
0xfa: {  	[tilespmem:$0x290] =	vst @!p0 v3;
	v3 =	vshll.u32 @!p0 v8, $0x1;
	v8 =	vld @!p0 [tilespmem:$0xF0]  }
0xfb: {  	[tilespmem:$0x2A0] =	vst @!p0 v3;
	v3 =	vshll.u32 @!p0 v4, $0x1;
	v4 =	vld @!p0 [tilespmem:$0x100]  }
0xfc: {  	[tilespmem:$0x2B0] =	vst @!p0 v3;
	v3 =	vshll.u32 @!p0 v5, $0x1;
	v5 =	vld @!p0 [tilespmem:$0x110]  }
0xfd: {  	[tilespmem:$0x2C0] =	vst @!p0 v3;
	v3 =	vshll.u32 @!p0 v6, $0x1;
	v6 =	vld @!p0 [tilespmem:$0x120]  }
0xfe: {  	[tilespmem:$0x2D0] =	vst @!p0 v3;
	v3 =	vshll.u32 @!p0 v7, $0x1;
	v7 =	vld @!p0 [tilespmem:$0x130]  }
0xff: {  	[tilespmem:$0x2E0] =	vst @!p0 v3;
	v3 =	vshll.u32 @!p0 v8, $0x1;
	v8 =	vld @!p0 [tilespmem:$0x140]  }
0x100: {  	[tilespmem:$0x2F0] =	vst @!p0 v3;
	v3 =	vshll.u32 @!p0 v4, $0x1;
	v4 =	vld @!p0 [tilespmem:$0x150]  }
0x101: {  	[tilespmem:$0x300] =	vst @!p0 v3;
	v3 =	vshll.u32 @!p0 v5, $0x1;
	v5 =	vld @!p0 [tilespmem:$0x160]  }
0x102: {  	[tilespmem:$0x310] =	vst @!p0 v3;
	v3 =	vshll.u32 @!p0 v6, $0x1;
	v6 =	vld @!p0 [tilespmem:$0x170]  }
0x103: {  	[tilespmem:$0x320] =	vst @!p0 v3;
	v3 =	vshll.u32 @!p0 v7, $0x1;
	v7 =	vld @!p0 [tilespmem:$0x180]  }
0x104: {  	[tilespmem:$0x330] =	vst @!p0 v3;
	v3 =	vshll.u32 @!p0 v8, $0x1;
	v8 =	vld @!p0 [tilespmem:$0x190]  }
0x105: {  	[tilespmem:$0x340] =	vst @!p0 v3;
	v3 =	vshll.u32 @!p0 v4, $0x1;
	v4 =	vld @!p0 [tilespmem:$0x1A0]  }
0x106: {  	[tilespmem:$0x350] =	vst @!p0 v3;
	v3 =	vshll.u32 @!p0 v5, $0x1;
	v5 =	vld @!p0 [tilespmem:$0x1B0]  }
0x107: {  	[tilespmem:$0x360] =	vst @!p0 v3;
	v3 =	vshll.u32 @!p0 v6, $0x1;
	v6 =	vld @!p0 [tilespmem:$0x1C0]  }
0x108: {  	[tilespmem:$0x370] =	vst @!p0 v3;
	v3 =	vshll.u32 @!p0 v7, $0x1;
	v7 =	vld @!p0 [tilespmem:$0x1D0]  }
0x109: {  	[tilespmem:$0x380] =	vst @!p0 v3;
	v3 =	vshll.u32 @!p0 v8, $0x1;
	v8 =	vld @!p0 [tilespmem:$0x1E0]  }
0x10a: {  	[tilespmem:$0x390] =	vst @!p0 v3;
	v3 =	vshll.u32 @!p0 v4, $0x1;
	v4 =	vld @!p0 [tilespmem:$0x1F0]  }
0x10b: {  	[tilespmem:$0x3A0] =	vst @!p0 v3;
	v3 =	vshll.u32 @!p0 v5, $0x1  }
0x10c: {  	[tilespmem:$0x3B0] =	vst @!p0 v3;
	v3 =	vshll.u32 @!p0 v6, $0x1  }
0x10d: {  	[tilespmem:$0x3C0] =	vst @!p0 v3;
	v3 =	vshll.u32 @!p0 v7, $0x1  }
0x10e: {  	s3 =	sld [smem:$0x7F2];
	[tilespmem:$0x3D0] =	vst @!p0 v3;
	v3 =	vshll.u32 @!p0 v8, $0x1  }
0x10f: {  	[tilespmem:$0x3E0] =	vst @!p0 v3;
	v3 =	vshll.u32 @!p0 v4, $0x1  }
0x110: {  	s2 =	simm.s32 @!p0 $0x400;
	s1 =	simm.s32 @!p0 $0x200;
	s0 =	simm.s32 @!p0 $0x80;
	[tilespmem:$0x3F0] =	vst @!p0 v3  }
0x111: {  	[tilespmem:s2], [sflag:$0x1] =	stream.indirect.gather @!p0 [hbm4b:s3+s0], $0x40, s1, s0, $0xb8;
	[tilespmem:$0x18600] =	vst v63  }
0x112: {  	s1 =	simm.s32 @!p0 $0x280;
	s2 =	simm.s32 @!p0 $0x2400  }
0x113: {  	[tilespmem:s2], [sflag:$0x1] =	stream.indirect.gather @!p0 [hbm4b:s3+s0], $0x40, s1, s0, $0xb8;
	[tilespmem:$0x18600] =	vst v63  }
0x114: {  	s1 =	simm.s32 @!p0 $0x300;
	s2 =	simm.s32 @!p0 $0x4400  }
0x115: {  	[tilespmem:s2], [sflag:$0x1] =	stream.indirect.gather @!p0 [hbm4b:s3+s0], $0x40, s1, s0, $0xb8;
	[tilespmem:$0x18600] =	vst v63  }
0x116: {  	p1 =	seq.s32 @!p0 s7, $0x0;
	s1 =	simm.s32 @!p0 $0x380;
	s2 =	simm.s32 @!p0 $0x6400  }
0x117: {  	[tilespmem:s2], [sflag:$0x1] =	stream.indirect.gather @!p0 [hbm4b:s3+s0], $0x40, s1, s0, $0xb8;
	[tilespmem:$0x18600] =	vst v63  }
0x118: {  	p0 =	por p0, !p1  }
0x119: {  	[smem:$0x7F0] =	sst s7;
	s0 =	simm.s32 @p0 $0x2  }
0x11a: {  	_ =	swait.ge @p0 [sflag:s0], $0x1000  }
0x11b: {  	[sflag:s0] =	ssyncset.done @p0 $0x0  }
0x11c: {  	[sflag:s0] =	ssyncadd.s32 @p0 $0xFFFFF000  }
0x11d: {  	_ =	swait.ge @p0 [sflag:s0], $0x1000  }
0x11e: {  	[sflag:s0] =	ssyncset.done @p0 $0x0  }
0x11f: {  	[sflag:s0] =	ssyncadd.s32 @p0 $0xFFFFF000  }
0x120: {  	_ =	swait.ge @p0 [sflag:s0], $0x1000  }
0x121: {  	[sflag:s0] =	ssyncset.done @p0 $0x0  }
0x122: {  	[sflag:s0] =	ssyncadd.s32 @p0 $0xFFFFF000  }
0x123: {  	_ =	swait.ge @p0 [sflag:s0], $0x1000  }
0x124: {  	[sflag:s0] =	ssyncset.done @p0 $0x0  }
0x125: {  	[sflag:s0] =	ssyncadd.s32 @p0 $0xFFFFF000  }
0x126: {  	_ =	swait.ge @p0 [sflag:s0], $0x1000  }
0x127: {  	[sflag:s0] =	ssyncset.done @p0 $0x0  }
0x128: {  	[sflag:s0] =	ssyncadd.s32 @p0 $0xFFFFF000  }
0x129: {  	_ =	swait.ge @p0 [sflag:s0], $0x1000  }
0x12a: {  	[sflag:s0] =	ssyncset.done @p0 $0x0  }
0x12b: {  	[sflag:s0] =	ssyncadd.s32 @p0 $0xFFFFF000  }
0x12c: {  	_ =	swait.ge @p0 [sflag:s0], $0x1000  }
0x12d: {  	[sflag:s0] =	ssyncset.done @p0 $0x0  }
0x12e: {  	s7 =	simm.s32 $0x0;
	[sflag:s0] =	ssyncadd.s32 @p0 $0xFFFFF000  }
0x12f: {  	s8 =	sand.u32 $0x180, s7;
	_ =	swait.ge @p0 [sflag:s0], $0x1000  }
0x130: {  	s1 =	smul.u32 $0x41, s8;
	[sflag:s0] =	ssyncset.done @p0 $0x0  }
0x131: {  	[sflag:s0] =	ssyncadd.s32 @p0 $0xFFFFF000;
	s0 =	sand.u32 $0x38, s7  }
0x132: {  	s0 =	sor.u32 s0, s1  }
0x133: {  	s9 =	sadd.s32 $0x1450, s0  }
0x134: {  	s11 =	sadd.s32 $0x1860, s0;
	v5 =	vadd.s32 s9, v2  }
0x135: {  	v3 =	vadd.s32 s0, v2;
	s12 =	sadd.s32 $0x1040, s0;
	v7 =	vadd.s32 s11, v2  }
0x136: {  	v3 =	vand.u32 $0xFFF8, v3;
	v8 =	vadd.s32 s12, v2  }
0x137: {  	s10 =	sadd.s32 $0x820, s0;
	v3 =	vor.u32 v1, v3  }
0x138: {  	s13 =	sadd.s32 $0x1C70, s0;
	v6 =	vadd.s32 s10, v2  }
0x139: {  	s1 =	sadd.s32 $0x410, s0;
	v9 =	vadd.s32 s13, v2;
	v5 =	vld.idx.msk [tilespmem:v5+s28+$0x0], $0xffff  }
0x13a: {  	s14 =	sadd.s32 $0xC30, s0;
	v4 =	vadd.s32 s1, v2;
	v7 =	vld.idx.msk [tilespmem:v7+s28+$0x0], $0xffff  }
0x13b: {  	s15 =	sadd.s32 $0x1451, s0;
	v10 =	vadd.s32 s14, v2;
	v8 =	vld.idx.msk [tilespmem:v8+s28+$0x0], $0xffff  }
0x13c: {  	s17 =	sadd.s32 $0x1861, s0;
	v11 =	vadd.s32 s15, v2;
	v3 =	vld.idx.msk [tilespmem:v3+s28+$0x0], $0xffff  }
0x13d: {  	s25 =	simm.s32 $0x10800;
	s18 =	sadd.s32 $0x1041, s0;
	v13 =	vadd.s32 s17, v2;
	v6 =	vld.idx.msk [tilespmem:v6+s28+$0x0], $0xffff  }
0x13e: {  	s19 =	sadd.s32 $0x821, s0;
	v14 =	vadd.s32 s18, v2;
	v9 =	vld.idx.msk [tilespmem:v9+s28+$0x0], $0xffff;
	[tilespmem:s25+$0xFFFFFE50] =	vst v5  }
0x13f: {  	s22 =	sadd.s32 $0x411, s0;
	v15 =	vadd.s32 s19, v2;
	v4 =	vld.idx.msk [tilespmem:v4+s28+$0x0], $0xffff;
	[tilespmem:s25+$0xFFFFFE60] =	vst v7  }
0x140: {  	s20 =	sadd.s32 $0x1C71, s0;
	v10 =	vld.idx.msk [tilespmem:v10+s28+$0x0], $0xffff;
	v7 =	vadd.s32 s22, v2;
	[tilespmem:s25+$0xFFFFFE40] =	vst v8  }
0x141: {  	s21 =	sadd.s32 $0x1452, s0;
	[tilespmem:s25+$0xFFFFFE00] =	vst v3;
	v3 =	vadd.s32 s20, v2;
	v5 =	vld.idx.msk [tilespmem:v11+s28+$0x0], $0xffff  }
0x142: {  	s23 =	sadd.s32 $0x1862, s0;
	[tilespmem:s25+$0xFFFFFE20] =	vst v6;
	v11 =	vadd.s32 s21, v2;
	v8 =	vld.idx.msk [tilespmem:v13+s28+$0x0], $0xffff  }
0x143: {  	s24 =	sadd.s32 $0x1042, s0;
	v6 =	vadd.s32 s23, v2;
	[tilespmem:s25+$0xFFFFFE70] =	vst v9;
	v13 =	vld.idx.msk [tilespmem:v14+s28+$0x0], $0xffff  }
0x144: {  	s16 =	sor.u32 $0x1, s0;
	[tilespmem:s25+$0xFFFFFE10] =	vst v4;
	v14 =	vadd.s32 s24, v2;
	v9 =	vld.idx.msk [tilespmem:v15+s28+$0x0], $0xffff  }
0x145: {  	s26 =	sadd.s32 $0x822, s0;
	v12 =	vadd.s32 s16, v2;
	v7 =	vld.idx.msk [tilespmem:v7+s28+$0x0], $0xffff  }
0x146: {  	s5 =	sadd.s32 $0x412, s0;
	v15 =	vadd.s32 s26, v2;
	v3 =	vld.idx.msk [tilespmem:v3+s28+$0x0], $0xffff;
	[tilespmem:s25+$0xFFFFFED0] =	vst v5  }
0x147: {  	s4 =	sadd.s32 $0x1453, s0;
	[tilespmem:s25+$0xFFFFFEE0] =	vst v8;
	v8 =	vadd.s32 s5, v2;
	v5 =	vld.idx.msk [tilespmem:v11+s28+$0x0], $0xffff  }
0x148: {  	s6 =	sadd.s32 $0x1863, s0;
	[tilespmem:s25+$0xFFFFFEC0] =	vst v13;
	v11 =	vadd.s32 s4, v2;
	v6 =	vld.idx.msk [tilespmem:v6+s28+$0x0], $0xffff  }
0x149: {  	s7 =	sadd.s32 $0x1043, s0;
	v13 =	vadd.s32 s6, v2;
	[tilespmem:s25+$0xFFFFFEA0] =	vst v9;
	v14 =	vld.idx.msk [tilespmem:v14+s28+$0x0], $0xffff  }
0x14a: {  	s3 =	sadd.s32 $0x1C72, s0;
	v12 =	vld.idx.msk [tilespmem:v12+s28+$0x0], $0xffff;
	v9 =	vadd.s32 s7, v2;
	[tilespmem:s25+$0xFFFFFE90] =	vst v7  }
0x14b: {  	s8 =	sadd.s32 $0x823, s0;
	v4 =	vadd.s32 s3, v2;
	[tilespmem:s25+$0xFFFFFEF0] =	vst v3;
	v3 =	vld.idx.msk [tilespmem:v15+s28+$0x0], $0xffff  }
0x14c: {  	s9 =	sadd.s32 $0xC31, s0;
	v15 =	vadd.s32 s8, v2;
	v8 =	vld.idx.msk [tilespmem:v8+s28+$0x0], $0xffff;
	[tilespmem:s25+$0xFFFFFF50] =	vst v5  }
0x14d: {  	s11 =	sor.u32 $0x2, s0;
	v5 =	vadd.s32 s9, v2;
	[tilespmem:s25+$0xFFFFFF60] =	vst v6;
	v7 =	vld.idx.msk [tilespmem:v11+s28+$0x0], $0xffff  }
0x14e: {  	s10 =	sadd.s32 $0x1454, s0;
	[tilespmem:s25+$0xFFFFFF40] =	vst v14;
	v11 =	vadd.s32 s11, v2;
	v13 =	vld.idx.msk [tilespmem:v13+s28+$0x0], $0xffff  }
0x14f: {  	s13 =	sadd.s32 $0x1044, s0;
	[tilespmem:s25+$0xFFFFFE30] =	vst v10;
	v6 =	vadd.s32 s10, v2;
	v9 =	vld.idx.msk [tilespmem:v9+s28+$0x0], $0xffff  }
0x150: {  	s12 =	sadd.s32 $0x1864, s0;
	s14 =	simm.s32 $0x80;
	v4 =	vld.idx.msk [tilespmem:v4+s28+$0x0], $0xffff;
	v14 =	vadd.s32 s13, v2;
	[tilespmem:s25+$0xFFFFFF20] =	vst v3  }
0x151: {  	s15 =	sadd.s32 $0x413, s0;
	s1 =	sand.u32 $0x180, s14;
	[tilespmem:s25+$0xFFFFFE80] =	vst v12;
	v3 =	vadd.s32 s12, v2;
	v10 =	vld.idx.msk [tilespmem:v15+s28+$0x0], $0xffff  }
0x152: {  	s18 =	simm.s32 $0x2;
	s1 =	smul.u32 $0x41, s1;
	s4 =	sadd.s32 $0xC32, s0;
	v15 =	vadd.s32 s15, v2;
	v5 =	vld.idx.msk [tilespmem:v5+s28+$0x0], $0xffff;
	[tilespmem:s25+$0xFFFFFFD0] =	vst v7  }
0x153: {  	s16 =	sadd.s32 $0x824, s0;
	s19 =	sand.u32 $0x38, s18;
	[tilespmem:s25+$0xFFFFFFE0] =	vst v13;
	v11 =	vld.idx.msk [tilespmem:v11+s28+$0x0], $0xffff;
	v13 =	vadd.s32 s4, v2  }
0x154: {  	s17 =	sadd.s32 $0x1455, s0;
	v7 =	vadd.s32 s16, v2;
	s16 =	sor.u32 s19, s1;
	[tilespmem:s25+$0xFFFFFFC0] =	vst v9;
	v6 =	vld.idx.msk [tilespmem:v6+s28+$0x0], $0xffff  }
0x155: {  	v12 =	vadd.s32 s17, v2;
	[tilespmem:s25+$0xFFFFFF10] =	vst v8;
	s1 =	sadd.s32 $0x410, s16;
	v8 =	vld.idx.msk [tilespmem:v14+s28+$0x0], $0xffff  }
0x156: {  	s3 =	sadd.s32 $0x1040, s16;
	v16 =	vadd.s32 s1, v2;
	v9 =	vld.idx.msk [tilespmem:v3+s28+$0x0], $0xffff;
	v3 =	vadd.s32 s16, v2  }
0x157: {  	v17 =	vadd.s32 s3, v2;
	v14 =	vand.u32 $0xFFF8, v3;
	v3 =	vld.idx.msk [tilespmem:v15+s28+$0x0], $0xffff;
	[tilespmem:s25+$0xFFFFFEB0] =	vst v5  }
0x158: {  	s20 =	sadd.s32 $0x1C73, s0;
	[tilespmem:s25+$0xFFFFFFA0] =	vst v10;
	v10 =	vor.u32 v1, v14;
	v13 =	vld.idx.msk [tilespmem:v13+s28+$0x0], $0xffff  }
0x159: {  	s21 =	sor.u32 $0x3, s0;
	v14 =	vadd.s32 s20, v2;
	[tilespmem:s25+$0x50] =	vst v6;
	v6 =	vld.idx.msk [tilespmem:v7+s28+$0x0], $0xffff  }
0x15a: {  	[tilespmem:s25+$0xFFFFFF70] =	vst v4;
	s23 =	sadd.s32 $0x820, s16;
	v7 =	vadd.s32 s21, v2;
	v5 =	vld.idx.msk [tilespmem:v12+s28+$0x0], $0xffff  }
0x15b: {  	s22 =	sadd.s32 $0x1456, s0;
	v15 =	vadd.s32 s23, v2;
	[tilespmem:s25+$0xFFFFFF00] =	vst v11;
	v16 =	vld.idx.msk [tilespmem:v16+s28+$0x0], $0xffff  }
0x15c: {  	s24 =	sadd.s32 $0x1045, s0;
	[tilespmem:s25+$0x40] =	vst v8;
	v12 =	vadd.s32 s22, v2;
	v17 =	vld.idx.msk [tilespmem:v17+s28+$0x0], $0xffff  }
0x15d: {  	s26 =	sadd.s32 $0x825, s0;
	[tilespmem:s25+$0x60] =	vst v9;
	v4 =	vld.idx.msk [tilespmem:v10+s28+$0x0], $0xffff;
	v10 =	vadd.s32 s24, v2  }
0x15e: {  	s11 =	sadd.s32 $0x1041, s16;
	v11 =	vadd.s32 s26, v2;
	v14 =	vld.idx.msk [tilespmem:v14+s28+$0x0], $0xffff;
	[tilespmem:s25+$0xFFFFFF30] =	vst v13  }
0x15f: {  	s6 =	sadd.s32 $0xC33, s0;
	v13 =	vadd.s32 s11, v2;
	v7 =	vld.idx.msk [tilespmem:v7+s28+$0x0], $0xffff;
	[tilespmem:s25+$0x20] =	vst v6  }
0x160: {  	s14 =	simm.s32 $0x10C00;
	s10 =	sor.u32 $0x1, s16;
	v6 =	vld.idx.msk [tilespmem:v15+s28+$0x0], $0xffff;
	v15 =	vadd.s32 s6, v2;
	[tilespmem:s25+$0xD0] =	vst v5  }
0x161: {  	s4 =	sadd.s32 $0x1450, s16;
	v9 =	vadd.s32 s10, v2;
	[tilespmem:s14+$0xFFFFFE10] =	vst v16;
	v8 =	vld.idx.msk [tilespmem:v12+s28+$0x0], $0xffff  }
0x162: {  	s7 =	sadd.s32 $0x1C70, s16;
	v5 =	vadd.s32 s4, v2;
	[tilespmem:s14+$0xFFFFFE40] =	vst v17;
	v10 =	vld.idx.msk [tilespmem:v10+s28+$0x0], $0xffff  }
0x163: {  	s5 =	sadd.s32 $0x1860, s16;
	v16 =	vadd.s32 s7, v2;
	[tilespmem:s14+$0xFFFFFE00] =	vst v4;
	v4 =	vld.idx.msk [tilespmem:v11+s28+$0x0], $0xffff  }
0x164: {  	s9 =	sor.u32 $0x4, s0;
	v12 =	vadd.s32 s5, v2;
	v13 =	vld.idx.msk [tilespmem:v13+s28+$0x0], $0xffff  }
0x165: {  	s8 =	sadd.s32 $0xC30, s16;
	[tilespmem:s25+$0xFFFFFFF0] =	vst v14;
	v14 =	vadd.s32 s9, v2;
	v15 =	vld.idx.msk [tilespmem:v15+s28+$0x0], $0xffff  }
0x166: {  	s15 =	sadd.s32 $0x411, s16;
	v11 =	vadd.s32 s8, v2;
	[tilespmem:s14+$0xFFFFFE20] =	vst v6;
	v9 =	vld.idx.msk [tilespmem:v9+s28+$0x0], $0xffff  }
0x167: {  	s13 =	sadd.s32 $0xC34, s0;
	[tilespmem:s25+$0xFFFFFF80] =	vst v7;
	v7 =	vadd.s32 s15, v2;
	v5 =	vld.idx.msk [tilespmem:v5+s28+$0x0], $0xffff  }
0x168: {  	s12 =	sadd.s32 $0x1451, s16;
	v6 =	vld.idx.msk [tilespmem:v16+s28+$0x0], $0xffff;
	v16 =	vadd.s32 s13, v2;
	[tilespmem:s25+$0x150] =	vst v8  }
0x169: {  	s19 =	sadd.s32 $0x1C71, s16;
	v12 =	vld.idx.msk [tilespmem:v12+s28+$0x0], $0xffff;
	v8 =	vadd.s32 s12, v2;
	[tilespmem:s14+$0xFFFFFEC0] =	vst v13  }
0x16a: {  	s3 =	sor.u32 $0x5, s0;
	v17 =	vadd.s32 s19, v2;
	v14 =	vld.idx.msk [tilespmem:v14+s28+$0x0], $0xffff;
	[tilespmem:s25+$0xFFFFFFB0] =	vst v15  }
0x16b: {  	s17 =	sadd.s32 $0x1C74, s0;
	v11 =	vld.idx.msk [tilespmem:v11+s28+$0x0], $0xffff;
	v13 =	vadd.s32 s3, v2;
	[tilespmem:s14+$0xFFFFFE80] =	vst v9  }
0x16c: {  	s22 =	sadd.s32 $0x1042, s16;
	v7 =	vld.idx.msk [tilespmem:v7+s28+$0x0], $0xffff;
	[tilespmem:s14+$0xFFFFFE50] =	vst v5;
	v5 =	vadd.s32 s17, v2  }
0x16d: {  	s20 =	sadd.s32 $0x1865, s0;
	[tilespmem:s14+$0xFFFFFE70] =	vst v6;
	v6 =	vld.idx.msk [tilespmem:v16+s28+$0x0], $0xffff;
	v16 =	vadd.s32 s22, v2  }
0x16e: {  	s21 =	sadd.s32 $0x1861, s16;
	[tilespmem:s14+$0xFFFFFE60] =	vst v12;
	v8 =	vld.idx.msk [tilespmem:v8+s28+$0x0], $0xffff;
	v12 =	vadd.s32 s20, v2  }
0x16f: {  	s23 =	sadd.s32 $0xC35, s0;
	v15 =	vadd.s32 s21, v2;
	v9 =	vld.idx.msk [tilespmem:v17+s28+$0x0], $0xffff;
	[tilespmem:s25+$0x0] =	vst v14  }
0x170: {  	s26 =	sadd.s32 $0x1452, s16;
	[tilespmem:s25+$0xC0] =	vst v10;
	v10 =	vadd.s32 s23, v2;
	v13 =	vld.idx.msk [tilespmem:v13+s28+$0x0], $0xffff  }
0x171: {  	s24 =	sadd.s32 $0x821, s16;
	v17 =	vadd.s32 s26, v2;
	[tilespmem:s14+$0xFFFFFE30] =	vst v11;
	v5 =	vld.idx.msk [tilespmem:v5+s28+$0x0], $0xffff  }
0x172: {  	s15 =	sadd.s32 $0x826, s0;
	v14 =	vadd.s32 s24, v2;
	[tilespmem:s14+$0xFFFFFE90] =	vst v7;
	v16 =	vld.idx.msk [tilespmem:v16+s28+$0x0], $0xffff  }
0x173: {  	s10 =	sadd.s32 $0x1046, s0;
	v11 =	vadd.s32 s15, v2;
	[tilespmem:s25+$0x30] =	vst v6;
	v12 =	vld.idx.msk [tilespmem:v12+s28+$0x0], $0xffff  }
0x174: {  	s4 =	sadd.s32 $0x1C72, s16;
	v7 =	vadd.s32 s10, v2;
	[tilespmem:s14+$0xFFFFFED0] =	vst v8;
	v8 =	vld.idx.msk [tilespmem:v15+s28+$0x0], $0xffff  }
0x175: {  	s5 =	sadd.s32 $0x1C75, s0;
	[tilespmem:s25+$0xA0] =	vst v4;
	v15 =	vadd.s32 s4, v2;
	v4 =	vld.idx.msk [tilespmem:v10+s28+$0x0], $0xffff  }
0x176: {  	[tilespmem:s25+$0xFFFFFF90] =	vst v3;
	s6 =	sadd.s32 $0x412, s16;
	v6 =	vadd.s32 s5, v2;
	v17 =	vld.idx.msk [tilespmem:v17+s28+$0x0], $0xffff  }
0x177: {  	s7 =	sadd.s32 $0x1866, s0;
	v10 =	vadd.s32 s6, v2;
	[tilespmem:s14+$0xFFFFFEF0] =	vst v9;
	v14 =	vld.idx.msk [tilespmem:v14+s28+$0x0], $0xffff  }
0x178: {  	s8 =	sadd.s32 $0xC36, s0;
	v9 =	vadd.s32 s7, v2;
	v11 =	vld.idx.msk [tilespmem:v11+s28+$0x0], $0xffff;
	[tilespmem:s25+$0x80] =	vst v13  }
0x179: {  	s11 =	sadd.s32 $0x1862, s16;
	v18 =	vadd.s32 s8, v2;
	v3 =	vld.idx.msk [tilespmem:v7+s28+$0x0], $0xffff;
	[tilespmem:s25+$0x70] =	vst v5  }
0x17a: {  	s9 =	sadd.s32 $0x1043, s16;
	v5 =	vld.idx.msk [tilespmem:v15+s28+$0x0], $0xffff;
	[tilespmem:s14+$0xFFFFFEE0] =	vst v8;
	v8 =	vadd.s32 s11, v2  }
0x17b: {  	s12 =	sor.u32 $0x6, s0;
	[tilespmem:s25+$0xE0] =	vst v12;
	v12 =	vadd.s32 s9, v2;
	v6 =	vld.idx.msk [tilespmem:v6+s28+$0x0], $0xffff  }
0x17c: {  	s21 =	sadd.s32 $0x1453, s16;
	v10 =	vld.idx.msk [tilespmem:v10+s28+$0x0], $0xffff;
	[tilespmem:s25+$0xB0] =	vst v4;
	v4 =	vadd.s32 s12, v2  }
0x17d: {  	s17 =	sadd.s32 $0x1C76, s0;
	v13 =	vadd.s32 s21, v2;
	[tilespmem:s14+$0xFFFFFF40] =	vst v16;
	v9 =	vld.idx.msk [tilespmem:v9+s28+$0x0], $0xffff  }
0x17e: {  	s13 =	sadd.s32 $0x822, s16;
	v7 =	vadd.s32 s17, v2;
	v15 =	vld.idx.msk [tilespmem:v18+s28+$0x0], $0xffff;
	[tilespmem:s14+$0xFFFFFF50] =	vst v17  }
0x17f: {  	s19 =	sadd.s32 $0x414, s0;
	[tilespmem:s14+$0xFFFFFEA0] =	vst v14;
	v14 =	vadd.s32 s13, v2;
	v8 =	vld.idx.msk [tilespmem:v8+s28+$0x0], $0xffff  }
0x180: {  	[tilespmem:s25+$0x140] =	vst v3;
	v23 =	vld.idx.msk [tilespmem:v12+s28+$0x0], $0xffff;
	v12 =	vadd.s32 s19, v2  }
0x181: {  	s9 =	sadd.s32 $0x1863, s16;
	v4 =	vld.idx.msk [tilespmem:v4+s28+$0x0], $0xffff;
	[tilespmem:s25+$0xF0] =	vst v6  }
0x182: {  	v3 =	vld.idx.msk [tilespmem:v13+s28+$0x0], $0xffff;
	v6 =	vadd.s32 s9, v2;
	[tilespmem:s25+$0x160] =	vst v9  }
0x183: {  	s30 =	sadd.s32 $0x417, s0;
	[tilespmem:s25+$0x130] =	vst v15;
	v7 =	vld.idx.msk [tilespmem:v7+s28+$0x0], $0xffff  }
0x184: {  	s2 =	sadd.s32 $0x413, s16;
	s26 =	sadd.s32 $0x1455, s16;
	s5 =	sor.u32 $0x7, s0;
	v14 =	vld.idx.msk [tilespmem:v14+s28+$0x0], $0xffff;
	[tilespmem:s14+$0xFFFFFF60] =	vst v8  }
0x185: {  	s31 =	sadd.s32 $0x414, s16;
	s20 =	sadd.s32 $0x1457, s0;
	v9 =	vadd.s32 s5, v2;
	v12 =	vld.idx.msk [tilespmem:v12+s28+$0x0], $0xffff;
	[dreg:$0xb] =	wrdreg s26  }
0x186: {  	s29 =	sadd.s32 $0x827, s16;
	s1 =	sadd.s32 $0x1047, s0;
	v15 =	vadd.s32 s20, v2;
	s20 =	sadd.s32 $0x1456, s16;
	[tilespmem:s25+$0x100] =	vst v4  }
0x187: {  	s8 =	sadd.s32 $0x1C77, s0;
	s21 =	sor.u32 $0x4, s16;
	v18 =	vld.idx.msk [tilespmem:v6+s28+$0x0], $0xffff;
	[dreg:$0x9] =	wrdreg s20  }
0x188: {  	s3 =	sadd.s32 $0x1867, s0;
	s22 =	sadd.s32 $0xC37, s0;
	[dreg:$0x8] =	wrdreg s21  }
0x189: {  	s23 =	sadd.s32 $0xC31, s16;
	s24 =	sadd.s32 $0x827, s0;
	v4 =	vadd.s32 s22, v2;
	s22 =	sadd.s32 $0x1C74, s16;
	[tilespmem:s14+$0xFFFFFF20] =	vst v14  }
0x18a: {  	s11 =	sadd.s32 $0x823, s16;
	v9 =	vld.idx.msk [tilespmem:v9+s28+$0x0], $0xffff;
	v14 =	vadd.s32 s23, v2;
	s23 =	sadd.s32 $0xC35, s16;
	[dreg:$0x7] =	wrdreg s22  }
0x18b: {  	s15 =	sadd.s32 $0x1044, s16;
	s7 =	sadd.s32 $0x1865, s16;
	v16 =	vadd.s32 s11, v2;
	[dreg:$0x4] =	wrdreg s23  }
0x18c: {  	s10 =	sadd.s32 $0x1C73, s16;
	s6 =	sadd.s32 $0x415, s0;
	v8 =	vadd.s32 s8, v2;
	[dreg:$0x6] =	wrdreg s7  }
0x18d: {  	s4 =	sadd.s32 $0x416, s0;
	s0 =	sadd.s32 $0xC34, s16;
	s9 =	sor.u32 $0x5, s16;
	[tilespmem:s25+$0x120] =	vst v11  }
0x18e: {  	s17 =	sadd.s32 $0x1864, s16;
	s12 =	sor.u32 $0x2, s16;
	v15 =	vld.idx.msk [tilespmem:v15+s28+$0x0], $0xffff;
	[dreg:$0x5] =	wrdreg s9  }
0x18f: {  	v24 =	vadd.s32 s17, v2;
	s17 =	sadd.s32 $0xC33, s16;
	s11 =	sor.u32 $0x3, s16;
	v19 =	vadd.s32 s12, v2;
	s12 =	sadd.s32 $0x1C75, s16;
	[tilespmem:s25+$0x170] =	vst v7  }
0x190: {  	s13 =	sadd.s32 $0x1454, s16;
	v13 =	vadd.s32 s6, v2;
	s6 =	sadd.s32 $0x826, s16;
	v20 =	vld.idx.msk [tilespmem:v16+s28+$0x0], $0xffff;
	[dreg:$0x3] =	wrdreg s12  }
0x191: {  	v21 =	vadd.s32 s13, v2;
	s13 =	sadd.s32 $0x415, s16;
	s19 =	sadd.s32 $0x825, s16;
	s5 =	sadd.s32 $0xC32, s16;
	[tilespmem:s14+$0xFFFFFF10] =	vst v10;
	v10 =	vld.idx.msk [tilespmem:v8+s28+$0x0], $0xffff  }
0x192: {  	s8 =	sor.u32 $0x7, s16;
	s26 =	sadd.s32 $0x1045, s16;
	v6 =	vadd.s32 s5, v2;
	s5 =	sadd.s32 $0xC37, s16;
	[tilespmem:s25+$0x10] =	vst v12;
	v11 =	vld.idx.msk [tilespmem:v4+s28+$0x0], $0xffff  }
0x193: {  	v22 =	vadd.s32 s15, v2;
	s20 =	sadd.s32 $0x1866, s16;
	s21 =	sor.u32 $0x6, s16;
	s22 =	sadd.s32 $0x824, s16;
	v7 =	vadd.s32 s11, v2;
	[tilespmem:s14+$0xFFFFFFD0] =	vst v3;
	v14 =	vld.idx.msk [tilespmem:v14+s28+$0x0], $0xffff  }
0x194: {  	s23 =	sadd.s32 $0xC36, s16;
	s7 =	sadd.s32 $0x416, s16;
	s9 =	sadd.s32 $0x1046, s16;
	v16 =	vadd.s32 s22, v2;
	v4 =	vadd.s32 s17, v2;
	[tilespmem:s14+$0xFFFFFFE0] =	vst v18;
	v12 =	vld.idx.msk [tilespmem:v19+s28+$0x0], $0xffff  }
0x195: {  	s11 =	sadd.s32 $0x1457, s16;
	s22 =	simm.s32 $0x100;
	s12 =	sadd.s32 $0x1C76, s16;
	v8 =	vadd.s32 s10, v2;
	v3 =	vadd.s32 s0, v2;
	[tilespmem:s14+$0xFFFFFFC0] =	vst v23;
	v17 =	vld.idx.msk [tilespmem:v13+s28+$0x0], $0xffff  }
0x196: {  	s10 =	sadd.s32 $0x1C77, s16;
	s0 =	sadd.s32 $0x1047, s16;
	v18 =	vadd.s32 s4, v2;
	s4 =	sadd.s32 $0x1867, s16;
	v19 =	vadd.s32 s1, v2;
	[tilespmem:s25+$0x1D0] =	vst v15;
	v21 =	vld.idx.msk [tilespmem:v21+s28+$0x0], $0xffff  }
0x197: {  	s17 =	simm.s32 $0x8;
	v13 =	vadd.s32 s2, v2;
	s2 =	sadd.s32 $0x417, s16;
	v15 =	vld.idx.msk [tilespmem:v24+s28+$0x0], $0xffff;
	s16 =	simm.s32 $0x10C00;
	[tilespmem:s14+$0xFFFFFFA0] =	vst v20;
	v20 =	vadd.s32 s3, v2  }
.LBB2_5:
0x198: {  	[smem:$0x7EA] =	sst s12  }
0x199: {  	[smem:$0x7EB] =	sst s31  }
0x19a: {  	[smem:$0x7E7] =	sst s2  }
0x19b: {  	[dreg:$0x1e] =	wrdreg s23  }
0x19c: {  	[dreg:$0x1d] =	wrdreg s20  }
0x19d: {  	[dreg:$0x18] =	wrdreg s13  }
0x19e: {  	[dreg:$0x16] =	wrdreg s11  }
0x19f: {  	[dreg:$0x11] =	wrdreg s8  }
0x1a0: {  	[dreg:$0x10] =	wrdreg s10  }
0x1a1: {  	[dreg:$0xf] =	wrdreg s6  }
0x1a2: {  	[dreg:$0xe] =	wrdreg s5  }
0x1a3: {  	[dreg:$0xd] =	wrdreg s7  }
0x1a4: {  	[dreg:$0xc] =	wrdreg s4;
	s8 =	sand.u32 $0x180, s22;
	[tilespmem:s25+$0x180] =	vst v9  }
0x1a5: {  	[dreg:$0xa] =	wrdreg s0;
	s18 =	sadd.s32 $0x2, s18;
	[tilespmem:s14+$0xFFFFFF70] =	vst v5;
	s0 =	smul.u32 $0x41, s8  }
0x1a6: {  	v9 =	vld.idx.msk [tilespmem:v13+s28+$0x0], $0xffff;
	s3 =	rddreg [dreg:$0xb];
	s1 =	sand.u32 $0x38, s18;
	[tilespmem:s25+$0x90] =	vst v17  }
0x1a7: {  	v22 =	vld.idx.msk [tilespmem:v22+s28+$0x0], $0xffff;
	v13 =	vadd.s32 s24, v2;
	s10 =	smov.u32 s29;
	s15 =	rddreg [dreg:$0x9];
	s1 =	sor.u32 s1, s0;
	[tilespmem:s25+$0x1B0] =	vst v11  }
0x1a8: {  	v20 =	vld.idx.msk [tilespmem:v20+s28+$0x0], $0xffff;
	[dreg:$0x14] =	wrdreg s10;
	[tilespmem:s25+$0x1F0] =	vst v10;
	s0 =	sadd.s32 $0x410, s1  }
0x1a9: {  	v17 =	vadd.s32 s3, v2;
	s11 =	sadd.s32 $0x820, s1;
	s12 =	sadd.s32 $0x1040, s1;
	[tilespmem:s14+$0x50] =	vst v21;
	s13 =	sadd.s32 $0xC30, s1;
	v18 =	vld.idx.msk [tilespmem:v18+s28+$0x0], $0xffff  }
0x1aa: {  	v16 =	vld.idx.msk [tilespmem:v16+s28+$0x0], $0xffff;
	v21 =	vadd.s32 s30, v2;
	s4 =	sadd.s32 $0xC31, s1;
	s3 =	sadd.s32 $0xC32, s1;
	[tilespmem:s14+$0xFFFFFEB0] =	vst v14;
	s30 =	sadd.s32 $0x1452, s1  }
0x1ab: {  	v19 =	vld.idx.msk [tilespmem:v19+s28+$0x0], $0xffff;
	s20 =	sadd.s32 $0x1863, s1;
	s23 =	sadd.s32 $0x1C73, s1;
	s5 =	sadd.s32 $0x411, s1;
	[tilespmem:s14+$0xFFFFFF00] =	vst v12;
	v23 =	vadd.s32 s0, v2  }
0x1ac: {  	v10 =	vadd.s32 s1, v2;
	s2 =	sadd.s32 $0x821, s1;
	s10 =	sadd.s32 $0xC34, s1;
	[tilespmem:s16+$0x60] =	vst v15;
	[dreg:$0x1c] =	wrdreg s23;
	v13 =	vld.idx.msk [tilespmem:v13+s28+$0x0], $0xffff  }
0x1ad: {  	v27 =	vadd.s32 s26, v2;
	s24 =	sadd.s32 $0x1453, s1;
	s26 =	sadd.s32 $0x1454, s1;
	v10 =	vand.u32 $0xFFF8, v10;
	[tilespmem:s14+$0x40] =	vst v22;
	[dreg:$0x1b] =	wrdreg s10;
	v8 =	vld.idx.msk [tilespmem:v8+s28+$0x0], $0xffff  }
0x1ae: {  	s8 =	sadd.s32 $0x1861, s1;
	v22 =	vadd.s32 s15, v2;
	v25 =	vadd.s32 s11, v2;
	s15 =	sadd.s32 $0x413, s1;
	[dreg:$0x13] =	wrdreg s26;
	v24 =	vor.u32 v1, v10;
	v12 =	vld.idx.msk [tilespmem:v17+s28+$0x0], $0xffff;
	[tilespmem:s25+$0x110] =	vst v18  }
0x1af: {  	[tilespmem:s14+$0x20] =	vst v16;
	v16 =	vadd.s32 s19, v2;
	s19 =	sadd.s32 $0x1456, s1;
	[smem:$0x7E8] =	sst s15;
	v17 =	vadd.s32 s12, v2;
	s12 =	sadd.s32 $0x1450, s1;
	v18 =	vld.idx.msk [tilespmem:v21+s28+$0x0], $0xffff  }
0x1b0: {  	v26 =	vadd.s32 s13, v2;
	s10 =	sor.u32 $0x1, s1;
	[tilespmem:s25+$0x1E0] =	vst v20;
	s23 =	sadd.s32 $0x412, s1;
	[dreg:$0x9] =	wrdreg s19;
	v21 =	vld.idx.msk [tilespmem:v23+s28+$0x0], $0xffff;
	v23 =	vadd.s32 s12, v2  }
0x1b1: {  	v6 =	vld.idx.msk [tilespmem:v6+s28+$0x0], $0xffff;
	s13 =	sadd.s32 $0x1860, s1;
	[tilespmem:s25+$0x1C0] =	vst v19;
	v28 =	vadd.s32 s10, v2;
	s10 =	sadd.s32 $0x1044, s1;
	v53 =	vadd.s32 s23, v2;
	s23 =	rddreg [dreg:$0x6]  }
0x1b2: {  	s6 =	sadd.s32 $0x1041, s1;
	v7 =	vld.idx.msk [tilespmem:v7+s28+$0x0], $0xffff;
	v47 =	vadd.s32 s13, v2;
	s13 =	sadd.s32 $0x1864, s1;
	[dreg:$0x12] =	wrdreg s10;
	[tilespmem:s25+$0x1A0] =	vst v13  }
0x1b3: {  	s7 =	sadd.s32 $0x822, s1;
	s15 =	sadd.s32 $0x1045, s1;
	[dreg:$0x15] =	wrdreg s13;
	v20 =	vld.idx.msk [tilespmem:v24+s28+$0x0], $0xffff;
	[tilespmem:s14+$0xD0] =	vst v12  }
0x1b4: {  	s29 =	sor.u32 $0x2, s1;
	[smem:$0x7E9] =	sst s15;
	v22 =	vld.idx.msk [tilespmem:v22+s28+$0x0], $0xffff;
	[tilespmem:s25+$0x190] =	vst v18;
	s25 =	sadd.s32 $0x1C71, s1  }
0x1b5: {  	v11 =	vadd.s32 s24, v2;
	s24 =	sadd.s32 $0x1C70, s1;
	[tilespmem:s16+$0xFFFFFFF0] =	vst v8;
	s12 =	sadd.s32 $0x1455, s1;
	v8 =	vld.idx.msk [tilespmem:v23+s28+$0x0], $0xffff;
	v23 =	vadd.s32 s25, v2;
	s25 =	rddreg [dreg:$0x8]  }
0x1b6: {  	s31 =	sadd.s32 $0x1C75, s1;
	v19 =	vadd.s32 s24, v2;
	[tilespmem:s16+$0xFFFFFF30] =	vst v6;
	v13 =	vld.idx.msk [tilespmem:v25+s28+$0x0], $0xffff;
	[dreg:$0xb] =	wrdreg s12;
	v29 =	vadd.s32 s25, v2;
	s25 =	sor.u32 $0x7, s1  }
0x1b7: {  	v30 =	vadd.s32 s5, v2;
	v48 =	vld.idx.msk [tilespmem:v16+s28+$0x0], $0xffff;
	[tilespmem:s16+$0xFFFFFF80] =	vst v7;
	s14 =	sadd.s32 $0x400, s14;
	[smem:$0x7EC] =	sst s25;
	s25 =	sadd.s32 $0x1457, s1  }
0x1b8: {  	v5 =	vadd.s32 s2, v2;
	v10 =	vadd.s32 s20, v2;
	s20 =	sadd.s32 $0x1042, s1;
	v16 =	vld.idx.msk [tilespmem:v17+s28+$0x0], $0xffff;
	[tilespmem:s14+$0xFFFFFE10] =	vst v21;
	[smem:$0x7ED] =	sst s25;
	s25 =	sadd.s32 $0x415, s1  }
0x1b9: {  	s2 =	sadd.s32 $0x1C74, s1;
	v24 =	vld.idx.msk [tilespmem:v47+s28+$0x0], $0xffff;
	v18 =	vadd.s32 s6, v2;
	[tilespmem:s16+$0x150] =	vst v22;
	v22 =	vadd.s32 s20, v2;
	s20 =	sadd.s32 $0x1862, s1;
	[dreg:$0x1f] =	wrdreg s25  }
0x1ba: {  	s24 =	sadd.s32 $0x1451, s1;
	v21 =	vld.idx.msk [tilespmem:v27+s28+$0x0], $0xffff;
	[tilespmem:s14+$0xFFFFFE00] =	vst v20;
	s25 =	sadd.s32 $0xC37, s1;
	v51 =	vadd.s32 s20, v2;
	s20 =	rddreg [dreg:$0x7]  }
0x1bb: {  	v6 =	vadd.s32 s3, v2;
	s3 =	sadd.s32 $0x417, s1;
	[tilespmem:s14+$0xFFFFFE20] =	vst v13;
	v13 =	vld.idx.msk [tilespmem:v19+s28+$0x0], $0xffff;
	[smem:$0x7EE] =	sst s25;
	s25 =	sadd.s32 $0x416, s1  }
0x1bc: {  	v20 =	vadd.s32 s24, v2;
	v30 =	vld.idx.msk [tilespmem:v30+s28+$0x0], $0xffff;
	[tilespmem:s14+$0xFFFFFE50] =	vst v8;
	v8 =	vadd.s32 s20, v2;
	s20 =	smov.u32 s2;
	s2 =	smov.u32 s3;
	s3 =	rddreg [dreg:$0x4]  }
0x1bd: {  	s11 =	sadd.s32 $0x1043, s1;
	s0 =	sor.u32 $0x4, s1;
	[tilespmem:s14+$0xFFFFFE40] =	vst v16;
	v16 =	vld.idx.msk [tilespmem:v28+s28+$0x0], $0xffff;
	[dreg:$0x1a] =	wrdreg s25  }
0x1be: {  	s26 =	sadd.s32 $0x1046, s1;
	v49 =	vadd.s32 s8, v2;
	s8 =	sadd.s32 $0x1C76, s1;
	v18 =	vld.idx.msk [tilespmem:v18+s28+$0x0], $0xffff;
	[dreg:$0x7] =	wrdreg s20  }
0x1bf: {  	s5 =	sadd.s32 $0x414, s1;
	v4 =	vld.idx.msk [tilespmem:v4+s28+$0x0], $0xffff;
	[tilespmem:s14+$0xFFFFFE60] =	vst v24;
	s25 =	sadd.s32 $0x1047, s1;
	s20 =	sld [smem:$0x7E7]  }
0x1c0: {  	v15 =	vadd.s32 s29, v2;
	s29 =	sadd.s32 $0x827, s1;
	v31 =	vadd.s32 s23, v2;
	v19 =	vld.idx.msk [tilespmem:v26+s28+$0x0], $0xffff;
	[tilespmem:s14+$0xFFFFFE70] =	vst v13;
	[dreg:$0x17] =	wrdreg s25;
	s25 =	sadd.s32 $0x1867, s1  }
0x1c1: {  	s19 =	sadd.s32 $0xC35, s1;
	v20 =	vld.idx.msk [tilespmem:v20+s28+$0x0], $0xffff;
	[tilespmem:s14+$0xFFFFFE90] =	vst v30;
	[dreg:$0x19] =	wrdreg s25;
	s25 =	smov.u32 s0  }
0x1c2: {  	s10 =	sadd.s32 $0x825, s1;
	s6 =	sadd.s32 $0x1865, s1;
	v7 =	vld.idx.msk [tilespmem:v29+s28+$0x0], $0xffff;
	[tilespmem:s14+$0xFFFFFE80] =	vst v16;
	[dreg:$0x8] =	wrdreg s25  }
0x1c3: {  	v50 =	vadd.s32 s30, v2;
	v23 =	vld.idx.msk [tilespmem:v23+s28+$0x0], $0xffff;
	s25 =	smov.u32 s16;
	s30 =	smov.u32 s20;
	s20 =	smov.u32 s6;
	[tilespmem:s14+$0xFFFFFEC0] =	vst v18  }
0x1c4: {  	v58 =	vld.idx.msk [tilespmem:v53+s28+$0x0], $0xffff;
	s6 =	smov.u32 s19;
	s19 =	smov.u32 s10;
	s10 =	rddreg [dreg:$0x1c];
	[tilespmem:s25+$0xFFFFFFB0] =	vst v4  }
0x1c5: {  	v14 =	vadd.s32 s11, v2;
	s11 =	sor.u32 $0x3, s1;
	s13 =	smov.u32 s21;
	v18 =	vld.idx.msk [tilespmem:v31+s28+$0x0], $0xffff;
	[dreg:$0x6] =	wrdreg s20;
	[tilespmem:s25+$0xC0] =	vst v21  }
0x1c6: {  	s21 =	sadd.s32 $0x1866, s1;
	v12 =	vadd.s32 s4, v2;
	s0 =	sadd.s32 $0x1C72, s1;
	v33 =	vld.idx.msk [tilespmem:v8+s28+$0x0], $0xffff;
	[dreg:$0x4] =	wrdreg s6;
	[tilespmem:s14+$0xFFFFFED0] =	vst v20  }
0x1c7: {  	s15 =	sadd.s32 $0x826, s1;
	s23 =	sadd.s32 $0xC33, s1;
	v52 =	vadd.s32 s0, v2;
	v21 =	vadd.s32 s3, v2;
	v20 =	vld.idx.msk [tilespmem:v49+s28+$0x0], $0xffff;
	[tilespmem:s25+$0xA0] =	vst v48;
	s3 =	rddreg [dreg:$0x3]  }
0x1c8: {  	s12 =	smov.u32 s9;
	s9 =	sor.u32 $0x5, s1;
	v4 =	vadd.s32 s23, v2;
	s23 =	sld [smem:$0x7E8];
	[tilespmem:s14+$0xFFFFFEF0] =	vst v23;
	v3 =	vld.idx.msk [tilespmem:v3+s28+$0x0], $0xffff;
	v55 =	vadd.s32 s3, v2  }
0x1c9: {  	s4 =	sor.u32 $0x6, s1;
	v17 =	vadd.s32 s7, v2;
	s7 =	sadd.s32 $0x1C77, s1;
	v8 =	vadd.s32 s10, v2;
	s10 =	rddreg [dreg:$0x1d];
	[tilespmem:s25+$0x0] =	vst v7;
	v22 =	vld.idx.msk [tilespmem:v22+s28+$0x0], $0xffff  }
0x1ca: {  	s24 =	sadd.s32 $0xC36, s1;
	s20 =	smov.u32 s9;
	s9 =	rddreg [dreg:$0x1b];
	v56 =	vld.idx.msk [tilespmem:v5+s28+$0x0], $0xffff;
	v23 =	vadd.s32 s10, v2;
	[tilespmem:s25+$0xE0] =	vst v18  }
0x1cb: {  	s0 =	sadd.s32 $0x823, s1;
	s1 =	sadd.s32 $0x824, s1;
	v7 =	vadd.s32 s11, v2;
	s11 =	rddreg [dreg:$0x5];
	v26 =	vld.idx.msk [tilespmem:v50+s28+$0x0], $0xffff;
	[tilespmem:s25+$0x70] =	vst v33  }
0x1cc: {  	v16 =	vadd.s32 s1, v2;
	s6 =	smov.u32 s31;
	s1 =	sld [smem:$0x7EB];
	v54 =	vadd.s32 s11, v2;
	[tilespmem:s14+$0xFFFFFEE0] =	vst v20;
	v5 =	vld.idx.msk [tilespmem:v52+s28+$0x0], $0xffff  }
0x1cd: {  	[dreg:$0x3] =	wrdreg s6;
	v18 =	vadd.s32 s12, v2;
	[tilespmem:s25+$0x30] =	vst v3;
	v20 =	vld.idx.msk [tilespmem:v55+s28+$0x0], $0xffff  }
0x1ce: {  	s6 =	smov.u32 s15;
	s15 =	sld [smem:$0x7EA];
	v21 =	vld.idx.msk [tilespmem:v21+s28+$0x0], $0xffff  }
0x1cf: {  	[tilespmem:s25+$0xFFFFFF90] =	vst v9;
	s11 =	rddreg [dreg:$0x1e];
	v23 =	vld.idx.msk [tilespmem:v23+s28+$0x0], $0xffff  }
0x1d0: {  	s31 =	smov.u32 s5;
	s5 =	rddreg [dreg:$0x16];
	v57 =	vadd.s32 s11, v2;
	[tilespmem:s14+$0xFFFFFEA0] =	vst v56;
	v59 =	vld.idx.msk [tilespmem:v51+s28+$0x0], $0xffff  }
0x1d1: {  	[dreg:$0x5] =	wrdreg s20;
	[tilespmem:s14+$0xFFFFFF40] =	vst v22;
	v27 =	vld.idx.msk [tilespmem:v54+s28+$0x0], $0xffff  }
0x1d2: {  	s3 =	rddreg [dreg:$0x11];
	[tilespmem:s14+$0xFFFFFF50] =	vst v26;
	v9 =	vld.idx.msk [tilespmem:v18+s28+$0x0], $0xffff;
	v18 =	vadd.s32 s15, v2  }
0x1d3: {  	s20 =	smov.u32 s21;
	s21 =	smov.u32 s4;
	s4 =	sld [smem:$0x7EC];
	v17 =	vld.idx.msk [tilespmem:v17+s28+$0x0], $0xffff;
	[tilespmem:s25+$0xB0] =	vst v21;
	v21 =	vadd.s32 s13, v2  }
0x1d4: {  	s10 =	sld [smem:$0x7ED];
	v60 =	vadd.s32 s1, v2;
	v26 =	vld.idx.msk [tilespmem:v11+s28+$0x0], $0xffff;
	[tilespmem:s25+$0xF0] =	vst v20  }
0x1d5: {  	[tilespmem:s25+$0x160] =	vst v23;
	s13 =	rddreg [dreg:$0xf];
	v22 =	vld.idx.msk [tilespmem:v57+s28+$0x0], $0xffff  }
0x1d6: {  	v13 =	vadd.s32 s23, v2;
	s23 =	smov.u32 s24;
	s24 =	rddreg [dreg:$0x14];
	[tilespmem:s14+$0xFFFFFE30] =	vst v19;
	v19 =	vld.idx.msk [tilespmem:v14+s28+$0x0], $0xffff;
	v14 =	vadd.s32 s13, v2  }
0x1d7: {  	[tilespmem:s25+$0x80] =	vst v27;
	s13 =	rddreg [dreg:$0x10];
	v18 =	vld.idx.msk [tilespmem:v18+s28+$0x0], $0xffff  }
0x1d8: {  	s1 =	sld [smem:$0x7EE];
	[tilespmem:s14+$0xFFFFFF60] =	vst v59;
	v11 =	vadd.s32 s13, v2;
	v21 =	vld.idx.msk [tilespmem:v21+s28+$0x0], $0xffff  }
0x1d9: {  	s12 =	smov.u32 s8;
	s8 =	smov.u32 s4;
	s4 =	rddreg [dreg:$0x1f];
	v20 =	vadd.s32 s3, v2;
	v23 =	vld.idx.msk [tilespmem:v60+s28+$0x0], $0xffff;
	[tilespmem:s14+$0xFFFFFF10] =	vst v58  }
0x1da: {  	s3 =	rddreg [dreg:$0x18];
	[tilespmem:s25+$0x130] =	vst v22;
	v22 =	vadd.s32 s5, v2  }
0x1db: {  	s11 =	smov.u32 s10;
	s10 =	smov.u32 s7;
	s7 =	rddreg [dreg:$0x13];
	v14 =	vld.idx.msk [tilespmem:v14+s28+$0x0], $0xffff;
	[tilespmem:s14+$0xFFFFFF20] =	vst v17;
	v17 =	vadd.s32 s3, v2  }
0x1dc: {  	v32 =	vadd.s32 s0, v2;
	v3 =	vadd.s32 s9, v2;
	s9 =	smov.u32 s26;
	s26 =	sld [smem:$0x7E9];
	v25 =	vld.idx.msk [tilespmem:v10+s28+$0x0], $0xffff;
	[tilespmem:s25+$0x170] =	vst v18  }
0x1dd: {  	s15 =	rddreg [dreg:$0xe];
	v10 =	vld.idx.msk [tilespmem:v11+s28+$0x0], $0xffff;
	[tilespmem:s25+$0x100] =	vst v21  }
0x1de: {  	[tilespmem:s25+$0x140] =	vst v9;
	s13 =	smov.u32 s4;
	s4 =	rddreg [dreg:$0x1a];
	v9 =	vld.idx.msk [tilespmem:v20+s28+$0x0], $0xffff  }
0x1df: {  	[tilespmem:s25+$0x10] =	vst v23;
	v21 =	vadd.s32 s15, v2;
	s15 =	rddreg [dreg:$0x15];
	v20 =	vld.idx.msk [tilespmem:v22+s28+$0x0], $0xffff  }
0x1e0: {  	s17 =	sadd.s32 $0x8, s17;
	s5 =	smov.u32 s1;
	s1 =	rddreg [dreg:$0x12];
	[tilespmem:s25+$0x120] =	vst v14;
	v63 =	vadd.s32 s15, v2;
	v17 =	vld.idx.msk [tilespmem:v17+s28+$0x0], $0xffff  }
0x1e1: {  	p0 =	slt.u32 s17, $0xF8;
	v62 =	vadd.s32 s7, v2;
	s3 =	rddreg [dreg:$0xd];
	v61 =	vld.idx.msk [tilespmem:v32+s28+$0x0], $0xffff  }
.Ltmp1:
0x1e2: {  	[tilespmem:s14+$0xFFFFFFE0] =	vst v25;
	v18 =	vadd.s32 s3, v2;
	s3 =	rddreg [dreg:$0xa];
	v14 =	vld.idx.msk [tilespmem:v12+s28+$0x0], $0xffff;
	(pc) =	sbr.rel @p0 .LBB2_5-.Ltmp1, $4  }
0x1e3: {  	[tilespmem:s14+$0xFFFFFFC0] =	vst v19;
	v12 =	vld.idx.msk [tilespmem:v15+s28+$0x0], $0xffff;
	s15 =	rddreg [dreg:$0xc]  }
0x1e4: {  	v22 =	vadd.s32 s1, v2;
	[tilespmem:s14+$0xFFFFFFD0] =	vst v26;
	s1 =	rddreg [dreg:$0x19];
	v11 =	vld.idx.msk [tilespmem:v21+s28+$0x0], $0xffff  }
0x1e5: {  	s22 =	sadd.s32 $0x80, s22;
	s16 =	smov.u32 s14;
	[tilespmem:s25+$0x1D0] =	vst v20;
	v20 =	vadd.s32 s15, v2;
	v15 =	vld.idx.msk [tilespmem:v63+s28+$0x0], $0xffff;
	s15 =	rddreg [dreg:$0x17]  }
0x1e6: {  	s7 =	smov.u32 s4;
	v19 =	vadd.s32 s3, v2;
	s4 =	smov.u32 s1;
	[tilespmem:s14+$0xFFFFFFA0] =	vst v61;
	v21 =	vld.idx.msk [tilespmem:v62+s28+$0x0], $0xffff;
	s0 =	smov.u32 s15  }
0x1e7: {  	_ = 	snop  }
0x1e8: {  	s1 =	rddreg [dreg:$0xb]  }
0x1e9: {  	[tilespmem:s25+$0x90] =	vst v17;
	v23 =	vadd.s32 s1, v2  }
0x1ea: {  	[tilespmem:s14+$0xFFFFFEB0] =	vst v14  }
0x1eb: {  	v22 =	vld.idx.msk [tilespmem:v22+s28+$0x0], $0xffff;
	[tilespmem:s14+$0xFFFFFF70] =	vst v5  }
0x1ec: {  	v16 =	vld.idx.msk [tilespmem:v16+s28+$0x0], $0xffff;
	[tilespmem:s25+$0x180] =	vst v9  }
0x1ed: {  	v6 =	vld.idx.msk [tilespmem:v6+s28+$0x0], $0xffff;
	[tilespmem:s14+$0x50] =	vst v21  }
0x1ee: {  	v26 =	vadd.s32 s24, v2;
	[tilespmem:s14+$0xFFFFFF00] =	vst v12;
	v25 =	vld.idx.msk [tilespmem:v23+s28+$0x0], $0xffff  }
0x1ef: {  	[tilespmem:s25+$0x1B0] =	vst v11  }
0x1f0: {  	v27 =	vld.idx.msk [tilespmem:v18+s28+$0x0], $0xffff;
	[tilespmem:s14+$0x40] =	vst v22  }
0x1f1: {  	v28 =	vadd.s32 s30, v2;
	v29 =	vld.idx.msk [tilespmem:v20+s28+$0x0], $0xffff;
	[tilespmem:s14+$0x20] =	vst v16  }
0x1f2: {  	v30 =	vld.idx.msk [tilespmem:v19+s28+$0x0], $0xffff;
	[tilespmem:s16+$0xFFFFFF30] =	vst v6  }
0x1f3: {  	v12 =	vld.idx.msk [tilespmem:v26+s28+$0x0], $0xffff;
	[tilespmem:s14+$0xD0] =	vst v25  }
0x1f4: {  	v4 =	vld.idx.msk [tilespmem:v4+s28+$0x0], $0xffff;
	s17 =	rddreg [dreg:$0x9];
	[tilespmem:s25+$0x1F0] =	vst v10  }
0x1f5: {  	v32 =	vld.idx.msk [tilespmem:v7+s28+$0x0], $0xffff;
	[tilespmem:s25+$0x110] =	vst v27;
	v31 =	vadd.s32 s17, v2  }
0x1f6: {  	s18 =	rddreg [dreg:$0x8];
	v34 =	vld.idx.msk [tilespmem:v28+s28+$0x0], $0xffff;
	[tilespmem:s25+$0x1E0] =	vst v29  }
0x1f7: {  	[tilespmem:s25+$0x1C0] =	vst v30;
	v33 =	vadd.s32 s18, v2  }
0x1f8: {  	v8 =	vld.idx.msk [tilespmem:v8+s28+$0x0], $0xffff;
	[tilespmem:s25+$0x1A0] =	vst v12  }
0x1f9: {  	v35 =	vadd.s32 s26, v2;
	s22 =	rddreg [dreg:$0x7];
	[tilespmem:s16+$0xFFFFFFB0] =	vst v4  }
0x1fa: {  	v42 =	vadd.s32 s19, v2;
	s24 =	rddreg [dreg:$0x6];
	[tilespmem:s16+$0xFFFFFF80] =	vst v32;
	v6 =	vld.idx.msk [tilespmem:v31+s28+$0x0], $0xffff  }
0x1fb: {  	v36 =	vadd.s32 s22, v2;
	v3 =	vld.idx.msk [tilespmem:v3+s28+$0x0], $0xffff;
	[tilespmem:s25+$0x190] =	vst v34  }
0x1fc: {  	v37 =	vadd.s32 s24, v2;
	s26 =	rddreg [dreg:$0x4];
	v7 =	vld.idx.msk [tilespmem:v33+s28+$0x0], $0xffff  }
0x1fd: {  	v40 =	vld.idx.msk [tilespmem:v13+s28+$0x0], $0xffff;
	s30 =	rddreg [dreg:$0x5];
	[tilespmem:s16+$0xFFFFFFF0] =	vst v8;
	v38 =	vadd.s32 s26, v2  }
0x1fe: {  	v9 =	vld.idx.msk [tilespmem:v35+s28+$0x0], $0xffff;
	[tilespmem:s16+$0x60] =	vst v15;
	v39 =	vadd.s32 s30, v2  }
0x1ff: {  	v41 =	vadd.s32 s31, v2;
	v13 =	vld.idx.msk [tilespmem:v42+s28+$0x0], $0xffff;
	[tilespmem:s16+$0x150] =	vst v6  }
0x200: {  	v48 =	vadd.s32 s9, v2;
	v43 =	vld.idx.msk [tilespmem:v36+s28+$0x0], $0xffff;
	s3 =	rddreg [dreg:$0x3];
	[tilespmem:s16+$0x30] =	vst v3  }
0x201: {  	v4 =	vld.idx.msk [tilespmem:v37+s28+$0x0], $0xffff;
	[tilespmem:s16+$0x0] =	vst v7;
	v44 =	vadd.s32 s3, v2  }
0x202: {  	v3 =	vadd.s32 s20, v2;
	[tilespmem:s16+$0xFFFFFF90] =	vst v40;
	v5 =	vld.idx.msk [tilespmem:v38+s28+$0x0], $0xffff  }
0x203: {  	v45 =	vadd.s32 s23, v2;
	[tilespmem:s16+$0xC0] =	vst v9;
	v10 =	vld.idx.msk [tilespmem:v39+s28+$0x0], $0xffff  }
0x204: {  	v46 =	vadd.s32 s21, v2;
	[tilespmem:s16+$0xA0] =	vst v13;
	v8 =	vld.idx.msk [tilespmem:v41+s28+$0x0], $0xffff  }
0x205: {  	v47 =	vadd.s32 s13, v2;
	[tilespmem:s16+$0x70] =	vst v43;
	v6 =	vld.idx.msk [tilespmem:v48+s28+$0x0], $0xffff  }
0x206: {  	v51 =	vadd.s32 s6, v2;
	[tilespmem:s16+$0xE0] =	vst v4;
	v49 =	vld.idx.msk [tilespmem:v44+s28+$0x0], $0xffff  }
0x207: {  	v50 =	vadd.s32 s12, v2;
	v3 =	vld.idx.msk [tilespmem:v3+s28+$0x0], $0xffff;
	[tilespmem:s16+$0xB0] =	vst v5  }
0x208: {  	v52 =	vadd.s32 s11, v2;
	[tilespmem:s16+$0x80] =	vst v10;
	v7 =	vld.idx.msk [tilespmem:v45+s28+$0x0], $0xffff  }
0x209: {  	v57 =	vadd.s32 s4, v2;
	[tilespmem:s16+$0x10] =	vst v8;
	v12 =	vld.idx.msk [tilespmem:v46+s28+$0x0], $0xffff  }
0x20a: {  	v53 =	vadd.s32 s8, v2;
	[tilespmem:s16+$0x140] =	vst v6;
	v9 =	vld.idx.msk [tilespmem:v47+s28+$0x0], $0xffff  }
0x20b: {  	v54 =	vadd.s32 s7, v2;
	v5 =	vld.idx.msk [tilespmem:v51+s28+$0x0], $0xffff;
	[tilespmem:s16+$0xF0] =	vst v49  }
0x20c: {  	v55 =	vadd.s32 s5, v2;
	[tilespmem:s16+$0x160] =	vst v3;
	v3 =	vld.idx.msk [tilespmem:v50+s28+$0x0], $0xffff  }
0x20d: {  	v56 =	vadd.s32 s10, v2;
	v10 =	vld.idx.msk [tilespmem:v52+s28+$0x0], $0xffff;
	[tilespmem:s16+$0x130] =	vst v7  }
0x20e: {  	[tilespmem:s16+$0x100] =	vst v12;
	v7 =	vld.idx.msk [tilespmem:v57+s28+$0x0], $0xffff  }
0x20f: {  	v58 =	vadd.s32 s0, v2;
	[tilespmem:s16+$0x90] =	vst v9;
	v8 =	vld.idx.msk [tilespmem:v53+s28+$0x0], $0xffff  }
0x210: {  	v59 =	vadd.s32 s29, v2;
	[tilespmem:s16+$0x120] =	vst v5;
	v60 =	vld.idx.msk [tilespmem:v54+s28+$0x0], $0xffff  }
0x211: {  	v61 =	vadd.s32 s2, v2;
	[tilespmem:s16+$0x170] =	vst v3;
	v3 =	vld.idx.msk [tilespmem:v55+s28+$0x0], $0xffff  }
0x212: {  	[tilespmem:s16+$0x1D0] =	vst v10;
	v62 =	vld.idx.msk [tilespmem:v56+s28+$0x0], $0xffff  }
0x213: {  	[tilespmem:s16+$0x1E0] =	vst v7  }
0x214: {  	v63 =	vld.idx.msk [tilespmem:v58+s28+$0x0], $0xffff;
	[tilespmem:s16+$0x180] =	vst v8  }
0x215: {  	v9 =	vld.idx.msk [tilespmem:v59+s28+$0x0], $0xffff;
	[tilespmem:s16+$0x110] =	vst v60  }
0x216: {  	[tilespmem:s16+$0x1B0] =	vst v3;
	v3 =	vld.idx.msk [tilespmem:v61+s28+$0x0], $0xffff  }
0x217: {  	[tilespmem:s16+$0x1F0] =	vst v62  }
0x218: {  	s11 =	sld [smem:$0x7EF]  }
0x219: {  	[tilespmem:s16+$0x1C0] =	vst v63  }
0x21a: {  	s13 =	rddreg [dreg:$0x1];
	[tilespmem:s16+$0x1A0] =	vst v9  }
0x21b: {  	s14 =	simm.s32 $0x0;
	s12 =	sshll.u32 s11, $0xC;
	s1 =	sshll.u32 s11, $0x9;
	[tilespmem:s16+$0x190] =	vst v3  }
0x21c: {  	s0 =	sand.u32 $0x1FFE0000, s12;
	s1 =	sand.u32 $0x3E00, s1;
	s15 =	sld [smem:$0x7F5]  }
0x21d: {  	s18 =	simm.s32 $0x12600;
	s17 =	sld [smem:$0x7F6];
	s0 =	sor.u32 s1, s0  }
0x21e: {  	s3 =	simm.s32 $0x10600;
	s19 =	sld [smem:$0x7F7];
	s1 =	sadd.s32 s13, s0  }
0x21f: {  	[hbm4b:s1+s14] =	stream.linear.scatter [tilespmem:s3], [sflag:$0x2], $0x1000, $0x38;
	[tilespmem:$0x18600] =	vst v63  }
0x220: {  	s16 =	simm.s32 $0x11600;
	s21 =	sld [smem:$0x7F8];
	s1 =	sadd.s32 s0, s15  }
0x221: {  	[hbm4b:s1+s14] =	stream.linear.scatter [tilespmem:s16], [sflag:$0x2], $0x1000, $0x38;
	[tilespmem:$0x18600] =	vst v63  }
0x222: {  	s22 =	simm.s32 $0x14600;
	s31 =	sld [smem:$0x7F0];
	s1 =	sadd.s32 s0, s17  }
0x223: {  	[hbm4b:s1+s14] =	stream.linear.scatter [tilespmem:s18], [sflag:$0x2], $0x1000, $0x38;
	[tilespmem:$0x18600] =	vst v63  }
0x224: {  	s20 =	simm.s32 $0x13600;
	s23 =	sld [smem:$0x7F9];
	s1 =	sadd.s32 s0, s19  }
0x225: {  	[hbm4b:s1+s14] =	stream.linear.scatter [tilespmem:s20], [sflag:$0x2], $0x1000, $0x38;
	[tilespmem:$0x18600] =	vst v63  }
0x226: {  	s24 =	simm.s32 $0x15600;
	s7 =	sadd.s32 $0x1, s31;
	s1 =	sadd.s32 s0, s21  }
0x227: {  	[hbm4b:s1+s14] =	stream.linear.scatter [tilespmem:s22], [sflag:$0x2], $0x1000, $0x38;
	[tilespmem:$0x18600] =	vst v63  }
0x228: {  	s25 =	sld [smem:$0x7FA];
	p0 =	sne.s32 s7, $0x32;
	s1 =	sadd.s32 s0, s23  }
0x229: {  	[hbm4b:s1+s14] =	stream.linear.scatter [tilespmem:s24], [sflag:$0x2], $0x1000, $0x38;
	[tilespmem:$0x18600] =	vst v63  }
.Ltmp2:
0x22a: {  	s29 =	sld [smem:$0x7FB];
	(pc) =	sbr.rel @p0 .LBB2_2-.Ltmp2, $4  }
0x22b: {  	s26 =	simm.s32 $0x16600;
	s1 =	sadd.s32 s0, s25  }
0x22c: {  	[hbm4b:s1+s14] =	stream.linear.scatter [tilespmem:s26], [sflag:$0x2], $0x1000, $0x38;
	[tilespmem:$0x18600] =	vst v63  }
0x22d: {  	s6 =	simm.s32 $0x0;
	s30 =	simm.s32 $0x17600;
	s0 =	sadd.s32 s0, s29  }
0x22e: {  	[hbm4b:s0+s14] =	stream.linear.scatter [tilespmem:s30], [sflag:$0x2], $0x1000, $0x38;
	[tilespmem:$0x18600] =	vst v63  }
0x22f: {  	s1 =	simm.s32 $0x2  }
0x230: {  	_ =	swait.ge [sflag:s1], $0x1000  }
0x231: {  	[sflag:s1] =	ssyncset.done $0x0  }
0x232: {  	[sflag:s1] =	ssyncadd.s32 $0xFFFFF000  }
0x233: {  	_ =	swait.ge [sflag:s1], $0x1000  }
0x234: {  	[sflag:s1] =	ssyncset.done $0x0  }
0x235: {  	[sflag:s1] =	ssyncadd.s32 $0xFFFFF000  }
0x236: {  	_ =	swait.ge [sflag:s1], $0x1000  }
0x237: {  	[sflag:s1] =	ssyncset.done $0x0  }
0x238: {  	[sflag:s1] =	ssyncadd.s32 $0xFFFFF000  }
0x239: {  	_ =	swait.ge [sflag:s1], $0x1000  }
0x23a: {  	[sflag:s1] =	ssyncset.done $0x0  }
0x23b: {  	[sflag:s1] =	ssyncadd.s32 $0xFFFFF000  }
0x23c: {  	_ =	swait.ge [sflag:s1], $0x1000  }
0x23d: {  	[sflag:s1] =	ssyncset.done $0x0  }
0x23e: {  	[sflag:s1] =	ssyncadd.s32 $0xFFFFF000  }
0x23f: {  	_ =	swait.ge [sflag:s1], $0x1000  }
0x240: {  	[sflag:s1] =	ssyncset.done $0x0  }
0x241: {  	[sflag:s1] =	ssyncadd.s32 $0xFFFFF000  }
0x242: {  	_ =	swait.ge [sflag:s1], $0x1000  }
0x243: {  	[sflag:s1] =	ssyncset.done $0x0  }
0x244: {  	[sflag:s1] =	ssyncadd.s32 $0xFFFFF000  }
0x245: {  	_ =	swait.ge [sflag:s1], $0x1000  }
0x246: {  	s2 =	sld [smem:$0x7F1]  }
0x247: {  	s0 =	sld [smem:$0x7FC];
	_ =	sdelay $0x1  }
0x248: {  	s2 =	sadd.s32 $0x1, s2  }
0x249: {  	p0 =	sne.s32 s2, s0  }
.Ltmp3:
0x24a: {  	_ = 	snop;
	(pc) =	sbr.rel @p0 .LBB2_1-.Ltmp3, $3  }
0x24b: {  	_ =	sdelay $0x1  }
0x24c: {  	[sflag:s1] =	ssyncset.done $0x0  }
0x24d: {  	[sflag:s1] =	ssyncadd.s32 $0xFFFFF000  }
0x24e: {  	_ =	sfence.sel $0x180000  }
0x24f: {  	[bflag:$0x0] =	sbarrier.arrive $0xFFFF  }
0x250: {  	_ =	strace $0x9000004A  }
0x251: {  	s0 =	stileid.u32;
	[bflag:$0x2] =	sbarrier.arrive $0xFFFF  }
0x252: {  	p0 =	sne.s32 s0, $0x0;
	s0 =	rddreg [dreg:$0x2]  }
0x253: {  	s0 =	sadd.s32 @!p0 $0x100000, s0  }
0x254: {  	[sflag:s0] =	ssyncadd.tile.s32 @!p0 $0x1;
	_ =	shalt  }
.Lfunc_end2:
_tile_overlayer_lowered:
.L_overlay_start_2:
0x255: {  	(tag) =	ssettag $0x2  }
0x256: {  	s0 =	rddreg [dreg:$0x0];
	s2 =	stileid.u32  }
0x257: {  	s1 =	rddreg [dreg:$0x1];
	p0 =	sne.s32 s2, $0x0  }
0x258: {  	s3 =	rddreg [dreg:$0x2];
	[bflag:$0x3] =	sbarrier.arrive $0xFFFF;
	s2 =	simm.s32 @!p0 $0x1C03  }
0x259: {  	[timem:s3], [sflag:s2] =	dma.local @!p0 [hbm:s0], s1  }
0x25a: {  	s0 =	simm.s32 @!p0 $0x3  }
0x25b: {  	_ =	swait.ge @!p0 [sflag:s0], s1  }
0x25c: {  	s1 =	ssub.s32 @!p0 $0x0, s1;
	[sflag:s0] =	ssyncset.done @!p0 $0x0  }
0x25d: {  	[sflag:s0] =	ssyncadd.s32 @!p0 s1  }
0x25e: {  	[bflag:$0x3] =	sbarrier.arrive $0xFFFF  }
0x25f: {  	_ =	shalt  }

// kernel: sparse-core-data-format-call.cloned.1.call-start
scs
called_computation_lowered:
.L_overlay_start_0:
0x0: {  	s2 =	sld [smem:$0x3FD9]  }
0x1: {  	s3 =	sld [smem:$0x3FFE];
	_ =	sdelay $0x1  }
0x2: {  	s1 =	srdreg.scid  }
0x3: {  	s0 =	sand.u32 $0x1, s1  }
0x4: {  	s18 =	sshll.u32 s0, $0xA;
	s2 =	sadd.s32 s3, s2  }
0x5: {  	s2 =	sadd.s32 s2, s18  }
0x6: {  	[smem:$0x3FC6] =	sst s2  }
0x7: {  	_ = 	snop  }
0x8: {  	s2 =	sld [smem:$0x3FC8];
	(tm) =	ssettm $0x1  }
0x9: {  	s19 =	sld [smem:$0x3FFB];
	_ =	sdelay $0x3  }
0xa: {  	_ =	strace s19  }
0xb: {  	s3 =	sld [smem:$0x3FFC];
	_ =	sdelay $0x3  }
0xc: {  	_ =	strace s3  }
0xd: {  	s3 =	sld [smem:$0x3FFD];
	_ =	sdelay $0x3  }
0xe: {  	_ =	strace s3  }
0xf: {  	_ =	strace $0x8FFFFFFF  }
0x10: {  	s20 =	sld [smem:$0x3FDB];
	_ =	sdelay $0x1  }
0x11: {  	s4 =	simm.s32 $_scs_section_size  }
0x12: {  	s5 =	simm.s32 $_size__tile_overlayer_lowered;
	s6 =	simm.s32 $_tile_overlayer_lowered  }
0x13: {  	s23 =	simm.s32 $0x1BFF;
	s22 =	sshll.u32 s6, $0x1;
	s3 =	sadd.s32 s4, s20  }
0x14: {  	s7 =	simm.s32 $0x0;
	s21 =	sshll.u32 s5, $0x1;
	s5 =	sadd.s32 s22, s3  }
0x15: {  	[timem:s7], [sflag:s23] =	dma.local [hbm:s5], s21  }
0x16: {  	_ =	swait.ge [sflag:s23], s21  }
0x17: {  	s4 =	ssub.s32 $0x0, s21;
	[sflag:s23] =	ssyncset.done $0x0  }
0x18: {  	[sflag:s23] =	ssyncadd.s32 s4;
	_ =	sdelay $0x1  }
0x19: {  	s24 =	simm.s32 $0x1B8B  }
0x1a: {  	_ =	swait.ge [sflag:s24], $0x1  }
0x1b: {  	[sflag:s24] =	ssyncset.done $0x0  }
0x1c: {  	s26 =	simm.s32 $0x1B8E;
	s25 =	sld [smem:$0x3FFE];
	[sflag:s24] =	ssyncadd.s32 $0xFFFFFFFF  }
0x1d: {  	s27 =	simm.s32 $execute0_lowered;
	[smem:$0x3FD2] =	sst s26  }
0x1e: {  	s5 =	sshll.u32 s27, $0x1;
	_ =	strace $0x80000046;
	[dreg:$0x1] =	wrdreg $0xFFFFFFFF  }
0x1f: {  	s28 =	simm.s32 $_size_execute0_lowered;
	s3 =	sadd.s32 s3, s5;
	[dreg:$0x0] =	wrdreg $0x0  }
0x20: {  	s5 =	sshll.u32 s28, $0x1;
	[dreg:$0x2] =	wrdreg s3  }
0x21: {  	[dreg:$0x3] =	wrdreg s5  }
0x22: {  	[dreg:$0x4] =	wrdreg $0xC0  }
0x23: {  	_ =	task [dreg:s7], $0x5FFFF  }
0x24: {  	[dreg:$0x1] =	wrdreg $0xFFFFFFFF  }
0x25: {  	[dreg:$0x0] =	wrdreg $0x60  }
0x26: {  	[dreg:$0x2] =	wrdreg s2  }
0x27: {  	[dreg:$0x3] =	wrdreg s25  }
0x28: {  	[dreg:$0x4] =	wrdreg $0x9  }
0x29: {  	_ =	task.clear_ibuf [dreg:s7], $0x5FFFF;
	_ =	strace $0x90000046  }
0x2a: {  	s29 =	simm.s32 $0x9;
	_ =	strace $0x80000048  }
0x2b: {  	_ =	swait.ge [sflag:s29], $0x1  }
0x2c: {  	[sflag:s29] =	ssyncadd.s32 $0xFFFFFFFF  }
0x2d: {  	_ =	strace $0x90000048  }
0x2e: {  	_ =	sfence  }
0x2f: {  	s30 =	sld [smem:$0x0];
	_ =	sdelay $0x2  }
0x30: {  	s31 =	sshll.u32 s1, $0xD;
	s1 =	sshrl.u32 s1, $0x2  }
0x31: {  	s3 =	sand.u32 $0x4000, s31;
	s1 =	sadd.s32 s1, s30  }
0x32: {  	s0 =	sor.u32 s3, s0;
	s1 =	sshll.u32 s1, $0x11  }
0x33: {  	s0 =	sor.u32 s1, s0  }
0x34: {  	s0 =	sadd.s32 $0x8F2B, s0  }
0x35: {  	[sflag:s0] =	ssyncadd.remote.s32 $0x1  }
0x36: {  	_ =	sfence.sel $0xFFFF  }
0x37: {  	[dreg:$0x0] =	wrdreg $0xFFFFFFFF;
	(pc) =	sbr.abs _section_cstart, $3  }
0x38: {  	[dreg:$0x1] =	wrdreg $0xFFFFFFFF  }
0x39: {  	_ =	task.clear_ibuf [dreg:s7], $0x2FFFF;
	_ =	strace $0x9FFFFFFF  }
0x3a: {  	(tm) =	ssettm $0x7FFFFFFF  }
0x3b: {  	_ =	shalt  }
tec
execute0_lowered:
.L_overlay_start_1:
0x0: {  	(tag) =	ssettag $0x1  }
0x1: {  	s0 =	srdreg.scid;
	s2 =	rddreg [dreg:$0x0]  }
0x2: {  	s5 =	rddreg [dreg:$0x1];
	s1 =	stileid.u32  }
0x3: {  	s4 =	simm.s32 $0x1;
	s6 =	simm.s32 $0x2;
	s15 =	simm.s32 $0x0  }
0x4: {  	p0 =	por $0x0, $0x0;
	s8 =	simm.s32 $0x80;
	s0 =	sshll.u32 s0, $0x4  }
0x5: {  	s14 =	simm.s32 $0x0;
	s9 =	simm.s32 $0x0;
	s3 =	sand.u32 $0x10, s0  }
.Ltmp0:
0x6: {  	s10 =	simm.s32 $0x0;
	s3 =	sor.u32 s1, s3;
	(pc) =	sbr.rel .LBB1_1-.Ltmp0, $4  }
0x7: {  	s0 =	rddreg [dreg:$0x2];
	_ =	strace $0x80000047;
	s3 =	sshll.u32 s3, $0x7  }
0x8: {  	s12 =	simm.s32 $0x0;
	[sflag:s4] =	ssyncpa.u1 $0x0;
	s7 =	ssub.s32 $0xF4200, s3  }
0x9: {  	s13 =	simm.s32 $0x0;
	[sflag:s6] =	ssyncpa.u1 $0x0;
	s6 =	sshrl.u32 s7, $0xC  }
0xa: {  	s5 =	sadd.s32 $0xA00, s5;
	s11 =	smov.u32 s3;
	s7 =	sadd.s32 $0x2, s6  }
.LBB1_5:
0xb: {  	p1 =	slt.u32 s13, $0x2  }
0xc: {  	s17 =	smov.u32 s15;
	p2 =	sgt.s32 @!p1 s15, $0xF41C0;
	s16 =	sshra.s32 @!p1 s15, $0x1F  }
0xd: {  	p3 =	sgt.s32 @!p1 s14, $0x40;
	s18 =	sshra.s32 @!p1 s14, $0x1F;
	p2 =	por !p2, p1  }
0xe: {  	s15 =	sand.u32 @!p1 s16, s15;
	p3 =	por !p3, p1;
	s16 =	smov.u32 s14  }
0xf: {  	s14 =	sand.u32 @!p1 s18, s14;
	s17 =	simm.s32 @p2 $0xF41C0;
	s16 =	simm.s32 @p3 $0x40  }
0x10: {  	s15 =	ssub.s32 @!p1 s17, s15;
	s14 =	ssub.s32 @!p1 s16, s14  }
0x11: {  	s18 =	smov.u32 s12;
	s16 =	sadd.s32 @!p1 $0xFFF0BE40, s15;
	s17 =	sadd.s32 @!p1 $0xFFFFFFC0, s14  }
0x12: {  	s15 =	ssub.s32 @!p1 $0xF4240, s15;
	p2 =	sgt.s32 @!p1 s16, $0x7F;
	p3 =	sgt.s32 @!p1 s17, $0x3F  }
0x13: {  	s14 =	ssub.s32 @!p1 $0x80, s14;
	p2 =	por !p2, p1;
	p3 =	por !p3, p1  }
0x14: {  	s16 =	sadd.s32 $0x1000, s11;
	s15 =	simm.s32 @!p2 $0x0;
	s14 =	simm.s32 @!p3 $0x0  }
0x15: {  	p2 =	sgt.s32 s16, $0xF423F;
	s14 =	smul.u32 @!p1 s14, s15;
	s15 =	sadd.s32 $0x40, s12  }
0x16: {  	s18 =	smov.u32 @p2 s15  }
0x17: {  	s16 =	smov.u32 @p2 s3;
	p2 =	sgt.s32 s18, $0x3F  }
0x18: {  	s18 =	simm.s32 @p2 $0x0;
	p2 =	sne.s32 s13, s7  }
.Ltmp1:
0x19: {  	p0 =	por !p0, !p0;
	s17 =	simm.s32 @!p1 $0x2;
	(pc) =	sbr.rel @!p2 .LBB1_6-.Ltmp1, $4  }
0x1a: {  	s15 =	smov.u32 s9;
	s9 =	smov.u32 s11;
	s14 =	sand.u32 @!p1 $0x3FFFFFFF, s14  }
0x1b: {  	s11 =	smov.u32 s16;
	_ =	swait.ge @!p1 [sflag:s17], s14;
	s19 =	ssub.s32 @!p1 $0x0, s14  }
0x1c: {  	s14 =	smov.u32 s10;
	s13 =	sadd.s32 $0x1, s13;
	[sflag:s17] =	ssyncset.done @!p1 $0x0  }
0x1d: {  	s10 =	smov.u32 s12;
	s12 =	smov.u32 s18;
	[sflag:s17] =	ssyncadd.s32 @!p1 s19  }
.LBB1_1:
0x1e: {  	p1 =	sgt.u32 s13, s6  }
0x1f: {  	s16 =	sshrl.u32 @!p1 s12, $0x3  }
0x20: {  	s17 =	sshll.u32 @!p1 s11, $0x3;
	s16 =	smul.u32 @!p1 $0x7A1400, s16  }
0x21: {  	s18 =	sshll.u32 @!p1 s12, $0x7;
	s17 =	sand.u32 @!p1 $0xFFFFFC00, s17  }
0x22: {  	s16 =	sadd.s32 @!p1 s16, s17;
	s17 =	sand.u32 @!p1 $0x380, s18  }
0x23: {  	s18 =	sand.u32 @!p1 $0x7F, s11;
	s16 =	sor.u32 @!p1 s17, s16  }
0x24: {  	s17 =	sor.u32 @!p1 s18, s16  }
0x25: {  	s18 =	smulhi.u32 @!p1 $0x218D6287, s17;
	_ =	sdelay $0x1  }
0x26: {  	s16 =	smulhi.u32 @!p1 $0x218D6287, s16;
	s18 =	sshrl.u32 @!p1 s18, $0x11  }
0x27: {  	s18 =	smul.u32 @!p1 $0xF4280, s18  }
0x28: {  	s19 =	sxor.u32 @!p1 $0xFFFFFFFF, s13;
	s16 =	sshrl.u32 @!p1 s16, $0x11  }
0x29: {  	s19 =	sshll.u32 @!p1 s19, $0xD;
	s16 =	sand.u32 @!p1 $0x3F, s16;
	s17 =	ssub.s32 @!p1 s17, s18  }
0x2a: {  	s16 =	smul.u32 @!p1 $0x1E850, s16;
	s18 =	sshrl.u32 @!p1 s17, $0x3;
	s17 =	sand.u32 @!p1 $0x7, s17  }
0x2b: {  	s19 =	sand.u32 @!p1 $0x2000, s19;
	s18 =	sadd.s32 @!p1 s2, s18;
	s17 =	sshll.u32 @!p1 s17, $0x12  }
0x2c: {  	s16 =	sadd.s32 @!p1 s16, s18;
	s17 =	sor.u32 @!p1 $0x400, s17;
	s18 =	simm.s32 @!p1 $0x7A1400  }
0x2d: {  	[tilespmem:s19], [sflag:$0x1] =	stream.strided.gather @!p1 [hbm4b:s16+s17], $0x2000, s18, s17, $0x38;
	[tilespmem:$0x8100] =	vst v63  }
0x2e: {  	p1 =	seq.s32 s13, $0x0  }
0x2f: {  	p2 =	sge.u32 @!p1 s13, s7  }
0x30: {  	p1 =	por p1, p2  }
.Ltmp2:
0x31: {  	_ = 	snop;
	(pc) =	sbr.rel @p1 .LBB1_5-.Ltmp2, $1  }
0x32: {  	_ =	sdelay $0x3  }
0x33: {  	s16 =	simm.s32 $0x1  }
0x34: {  	_ =	swait.ge [sflag:s4], $0x2000;
	s16 =	simm.s32 @!p0 $0x0  }
0x35: {  	[sflag:s4] =	ssyncset.done $0x0;
	s17 =	sshll.u32 s16, $0xD  }
0x36: {  	[sflag:s4] =	ssyncadd.s32 $0xFFFFE000;
	s17 =	sor.u32 $0x40, s17  }
0x37: {  	s16 =	smul.u32 $0x8200, s16;
	v0 =	vld [tilespmem:s17+$0x30]  }
0x38: {  	v1 =	vld [tilespmem:s17+$0xFFFFFFD0]  }
0x39: {  	s16 =	sshrl.u32 s16, $0x2;
	v5 =	vld [tilespmem:s17+$0xFFFFFFE0]  }
0x3a: {  	v6 =	vld [tilespmem:s17+$0xFFFFFFF0];
	s19 =	sor.u32 $0x4000, s16  }
0x3b: {  	s31 =	sand.u32 $0x1, s13;
	v4 =	vld [tilespmem:s17+$0x0];
	s18 =	sadd.s32 $0x0, s19  }
0x3c: {  	v3 =	vld [tilespmem:s17+$0x10];
	s16 =	smul.u32 $0x8200, s31;
	[tilespmem:s18+$0x1C70 ss:$0x41] =	vst.msk $0xffff, v0  }
0x3d: {  	v2 =	vld [tilespmem:s17+$0x20];
	[tilespmem:s18+$0x410 ss:$0x41] =	vst.msk $0xffff, v1  }
0x3e: {  	s16 =	sshrl.u32 s16, $0x2;
	v1 =	vld [tilespmem:s17+$0xFFFFFFC0];
	[tilespmem:s18+$0x820 ss:$0x41] =	vst.msk $0xffff, v5;
	s17 =	sadd.s32 $0x80, s17  }
0x3f: {  	s20 =	simm.s32 $0x4;
	s21 =	simm.s32 $0x8;
	s16 =	sor.u32 $0x4000, s16;
	[tilespmem:s18+$0xC30 ss:$0x41] =	vst.msk $0xffff, v6;
	v0 =	vld [tilespmem:s17+$0x30]  }
.LBB1_3:
0x40: {  	p1 =	sne.s32 s21, $0xFC;
	v5 =	vld [tilespmem:s17+$0xFFFFFFD0];
	[tilespmem:s18+$0x1040 ss:$0x41] =	vst.msk $0xffff, v4  }
0x41: {  	v6 =	vld [tilespmem:s17+$0xFFFFFFE0];
	[tilespmem:s18+$0x1450 ss:$0x41] =	vst.msk $0xffff, v3  }
0x42: {  	s22 =	sshra.s32 s20, $0x2;
	s20 =	smov.u32 s21;
	v7 =	vld [tilespmem:s17+$0xFFFFFFF0];
	[tilespmem:s18+$0x1860 ss:$0x41] =	vst.msk $0xffff, v2  }
.Ltmp3:
0x43: {  	v4 =	vld [tilespmem:s17+$0x0];
	[tilespmem:s18+$0x0 ss:$0x41] =	vst.msk $0xffff, v1;
	s18 =	sadd.s32 s22, s19;
	(pc) =	sbr.rel @p1 .LBB1_3-.Ltmp3, $4  }
0x44: {  	v3 =	vld [tilespmem:s17+$0x10];
	[tilespmem:s18+$0x1C70 ss:$0x41] =	vst.msk $0xffff, v0  }
0x45: {  	[tilespmem:s18+$0x410 ss:$0x41] =	vst.msk $0xffff, v5;
	v2 =	vld [tilespmem:s17+$0x20]  }
0x46: {  	v1 =	vld [tilespmem:s17+$0xFFFFFFC0];
	[tilespmem:s18+$0x820 ss:$0x41] =	vst.msk $0xffff, v6;
	s17 =	sadd.s32 $0x80, s17  }
0x47: {  	s21 =	sadd.s32 $0x4, s21;
	v0 =	vld [tilespmem:s17+$0x30];
	[tilespmem:s18+$0xC30 ss:$0x41] =	vst.msk $0xffff, v7  }
0x48: {  	s21 =	sshll.u32 s9, $0x7;
	s22 =	sshll.u32 s10, $0x3;
	s20 =	sshra.s32 s20, $0x2  }
0x49: {  	p1 =	sgt.s32 s9, $0xF41C0;
	s30 =	sshra.s32 s9, $0x1F;
	s25 =	sshra.s32 s10, $0x1F  }
0x4a: {  	v5 =	vld [tilespmem:s17+$0xFFFFFFD0];
	s28 =	sshrl.u32 s10, $0x3;
	s23 =	sand.u32 $0xFFFFFC00, s21;
	s22 =	sand.u32 $0xFFFFFC00, s22  }
0x4b: {  	[tilespmem:s18+$0x1040 ss:$0x41] =	vst.msk $0xffff, v4;
	v58 =	vld [tilespmem:s17+$0xFFFFFFE0];
	s21 =	sand.u32 $0x380, s21;
	s19 =	sadd.s32 s20, s19;
	s22 =	sadd.s32 s22, s23  }
0x4c: {  	v59 =	vld [tilespmem:s17+$0xFFFFFFF0];
	[tilespmem:s18+$0x1450 ss:$0x41] =	vst.msk $0xffff, v3;
	s29 =	sor.u32 s21, s22;
	s21 =	smov.u32 s9;
	s22 =	sand.u32 s30, s9  }
0x4d: {  	v60 =	vld [tilespmem:s17+$0x0];
	[tilespmem:s18+$0x1860 ss:$0x41] =	vst.msk $0xffff, v2;
	s30 =	sand.u32 $0x7, s10;
	s20 =	sshrl.u32 s29, $0x7;
	s21 =	simm.s32 @!p1 $0xF41C0  }
0x4e: {  	v61 =	vld [tilespmem:s17+$0x10];
	[tilespmem:s18+$0x0 ss:$0x41] =	vst.msk $0xffff, v1;
	p1 =	sgt.s32 s10, $0x40;
	s24 =	ssub.s32 s21, s22;
	s21 =	smov.u32 s10  }
0x4f: {  	v62 =	vld [tilespmem:s17+$0x20];
	[tilespmem:s19+$0x1C70 ss:$0x41] =	vst.msk $0xffff, v0;
	s31 =	smulhi.u32 $0x218DEF5, s20;
	s22 =	sand.u32 s25, s10;
	s21 =	simm.s32 @!p1 $0x40  }
0x50: {  	v63 =	vld [tilespmem:s17+$0xFFFFFFC0];
	[tilespmem:s19+$0x410 ss:$0x41] =	vst.msk $0xffff, v5;
	s26 =	sadd.s32 $0xFFF0BE40, s24;
	s17 =	ssub.s32 $0xF4240, s24;
	s21 =	ssub.s32 s21, s22  }
0x51: {  	[tilespmem:s19+$0x820 ss:$0x41] =	vst.msk $0xffff, v58;
	s23 =	sshrl.u32 s31, $0xD;
	p1 =	sgt.s32 s26, $0x7F;
	s27 =	sadd.s32 $0xFFFFFFC0, s21  }
0x52: {  	[tilespmem:s19+$0xC30 ss:$0x41] =	vst.msk $0xffff, v59;
	s23 =	smul.u32 $0xF4240, s23;
	s18 =	ssub.s32 $0x80, s21;
	p2 =	sgt.s32 s27, $0x3F  }
.Ltmp4:
0x53: {  	[tilespmem:s19+$0x1040 ss:$0x41] =	vst.msk $0xffff, v60;
	s17 =	simm.s32 @p1 $0x0;
	s18 =	simm.s32 @p2 $0x0;
	(pc) =	sbr.rel .LBB1_5-.Ltmp4, $4  }
0x54: {  	s29 =	sand.u32 $0xF, s28;
	[tilespmem:s19+$0x1450 ss:$0x41] =	vst.msk $0xffff, v61;
	s20 =	ssub.s32 s20, s23;
	s17 =	smul.u32 s18, s17  }
0x55: {  	[tilespmem:s19+$0x1860 ss:$0x41] =	vst.msk $0xffff, v62;
	s21 =	sshll.u32 s30, $0x12;
	s20 =	sshll.u32 s20, $0x4;
	s18 =	sadd.s32 s5, s29  }
0x56: {  	[tilespmem:s19+$0x0 ss:$0x41] =	vst.msk $0xffff, v63;
	s31 =	sor.u32 $0x40, s21;
	s18 =	sadd.s32 s20, s18;
	s17 =	sand.u32 $0x3FFFFFFF, s17  }
0x57: {  	[hbm4b:s18+s31] =	stream.strided.scatter [tilespmem:s16], [sflag:$0x2], s17, s8, s31, $0x18;
	[tilespmem:$0x8100] =	vst v63  }
.LBB1_6:
0x58: {  	_ =	sfence.sel $0x180000  }
0x59: {  	s2 =	simm.s32 $0x1;
	[bflag:$0x0] =	sbarrier.arrive $0xFFFF  }
0x5a: {  	s31 =	simm.s32 $0x2;
	[sflag:s2] =	ssyncpa.u1 $0x1  }
0x5b: {  	[sflag:s31] =	ssyncpa.u1 $0x1  }
0x5c: {  	p0 =	sne.s32 s1, $0x0;
	_ =	strace $0x90000047  }
0x5d: {  	s0 =	sadd.s32 @!p0 $0x100000, s0;
	[bflag:$0x2] =	sbarrier.arrive $0xFFFF  }
0x5e: {  	[sflag:s0] =	ssyncadd.tile.s32 @!p0 $0x1;
	_ =	shalt  }
.Lfunc_end1:
_tile_overlayer_lowered:
.L_overlay_start_2:
0x5f: {  	(tag) =	ssettag $0x2  }
0x60: {  	s0 =	rddreg [dreg:$0x0];
	s2 =	stileid.u32  }
0x61: {  	s1 =	rddreg [dreg:$0x1];
	p0 =	sne.s32 s2, $0x0  }
0x62: {  	s3 =	rddreg [dreg:$0x2];
	[bflag:$0x3] =	sbarrier.arrive $0xFFFF;
	s2 =	simm.s32 @!p0 $0x1C01  }
0x63: {  	[timem:s3], [sflag:s2] =	dma.local @!p0 [hbm:s0], s1  }
0x64: {  	s0 =	simm.s32 @!p0 $0x1  }
0x65: {  	_ =	swait.ge @!p0 [sflag:s0], s1  }
0x66: {  	s1 =	ssub.s32 @!p0 $0x0, s1;
	[sflag:s0] =	ssyncset.done @!p0 $0x0  }
0x67: {  	[sflag:s0] =	ssyncadd.s32 @!p0 s1  }
0x68: {  	[bflag:$0x3] =	sbarrier.arrive $0xFFFF  }
0x69: {  	_ =	shalt  }

</sc_bundles>
